<compile_context>
chip_gen: v7x
topology: tpu7x:2x2x1
jax: 0.10.2.dev20260603
libtpu: 0.0.44.dev20260713+nightly
codegen_flags: <defaults>
</compile_context>

<pallas_src>
import jax
import jax.numpy as jnp
from jax import lax
from jax.experimental import pallas as pl
from jax.experimental.pallas import tpu as pltpu
from jax.experimental.pallas import tpu_sc as plsc

N_CONDITIONS = 100000
HIDDEN = 128
BATCH = 16384

_INFO = plsc.get_sparse_core_info()
_NC = _INFO.num_cores
_NS = _INFO.num_subcores
_LANES = _INFO.num_lanes
_NW = _NC * _NS

_ROWS_PER_W = BATCH // _NW
_CHUNK = 128
_NCHUNKS = _ROWS_PER_W // _CHUNK
_VECS_PER_ROW = HIDDEN // _LANES


def _film_body(x_hbm, ids_hbm, gamma_hbm, beta_hbm, out_hbm,
               idx_v, g0, g1, b0, b1, x0, x1,
               gs0, gs1, bs0, bs1, xs0, xs1, os0, os1):
    g = (g0, g1)
    b = (b0, b1)
    x = (x0, x1)
    gs = (gs0, gs1)
    bs = (bs0, bs1)
    xs = (xs0, xs1)
    osem = (os0, os1)

    wid = lax.axis_index("s") * _NC + lax.axis_index("c")
    base = wid * _ROWS_PER_W

    for j in range(_NCHUNKS):
        pltpu.sync_copy(ids_hbm.at[pl.ds(base + j * _CHUNK, _CHUNK)],
                        idx_v.at[j])

    def issue(j):
        k = j % 2
        lo = base + j * _CHUNK
        return (
            pltpu.async_copy(gamma_hbm.at[idx_v.at[j]], g[k], gs[k]),
            pltpu.async_copy(beta_hbm.at[idx_v.at[j]], b[k], bs[k]),
            pltpu.async_copy(x_hbm.at[pl.ds(lo, _CHUNK)], x[k], xs[k]),
        )

    pending = issue(0)
    store_pending = [None, None]
    for j in range(_NCHUNKS):
        k = j % 2
        nk = (j + 1) % 2
        if j + 1 < _NCHUNKS:
            if store_pending[nk] is not None:
                store_pending[nk].wait()
                store_pending[nk] = None
            nxt = issue(j + 1)
        for c in pending:
            c.wait()

        gk, bk, xk = g[k], b[k], x[k]

        def row(i):
            for v in range(_VECS_PER_ROW):
                sl = pl.ds(v * _LANES, _LANES)
                gk[i, sl] = gk[i, sl] * xk[i, sl] + bk[i, sl]

        plsc.parallel_loop(0, _CHUNK, 1, unroll=4)(row)
        store_pending[k] = pltpu.async_copy(
            gk, out_hbm.at[pl.ds(base + j * _CHUNK, _CHUNK)], osem[k])
        if j + 1 < _NCHUNKS:
            pending = nxt
    for sp in store_pending:
        if sp is not None:
            sp.wait()


@jax.jit
def kernel(x, condition_ids, gamma_weight, beta_weight):
    ids32 = condition_ids.astype(jnp.int32)
    film = pl.kernel(
        _film_body,
        out_type=jax.ShapeDtypeStruct((BATCH, HIDDEN), jnp.float32),
        mesh=plsc.VectorSubcoreMesh(core_axis_name="c", subcore_axis_name="s"),
        scratch_types=[
            pltpu.VMEM((_NCHUNKS, _CHUNK), jnp.int32),
            pltpu.VMEM((_CHUNK, HIDDEN), jnp.float32),
            pltpu.VMEM((_CHUNK, HIDDEN), jnp.float32),
            pltpu.VMEM((_CHUNK, HIDDEN), jnp.float32),
            pltpu.VMEM((_CHUNK, HIDDEN), jnp.float32),
            pltpu.VMEM((_CHUNK, HIDDEN), jnp.float32),
            pltpu.VMEM((_CHUNK, HIDDEN), jnp.float32),
            pltpu.SemaphoreType.DMA,
            pltpu.SemaphoreType.DMA,
            pltpu.SemaphoreType.DMA,
            pltpu.SemaphoreType.DMA,
            pltpu.SemaphoreType.DMA,
            pltpu.SemaphoreType.DMA,
            pltpu.SemaphoreType.DMA,
            pltpu.SemaphoreType.DMA,
        ],
    )
    return film(x, ids32, gamma_weight, beta_weight)

# --- scband reference (transcript-rebuilt; emitter-appended) ---
"""Pipeline reference for scband-fi-lmlayer-2508260901893 (READ-ONLY COPY).

The authoritative reference and input builder live on the scoring server;
editing this copy changes nothing except your own understanding.
"""

import jax, jax.numpy as jnp
import numpy as np

N_CONDITIONS = 100000
HIDDEN = 128
BATCH = 16384


def setup_inputs(seed: int = 0) -> dict:
    key = jax.random.key(seed)
    k_x, k_ids = jax.random.split(key)
    x = jax.random.normal(k_x, (BATCH, HIDDEN), dtype=jnp.float32)
    condition_ids = jax.random.randint(k_ids, (BATCH,), 0, N_CONDITIONS, dtype=jnp.int64)
    # Learned parameters, initialized per the torch module (ones / zeros)
    gamma_weight = jnp.ones((N_CONDITIONS, HIDDEN), dtype=jnp.float32)
    beta_weight = jnp.zeros((N_CONDITIONS, HIDDEN), dtype=jnp.float32)
    return {
        "x": x,
        "condition_ids": condition_ids,
        "gamma_weight": gamma_weight,
        "beta_weight": beta_weight,
    }


def reference(x, condition_ids, gamma_weight, beta_weight):
    # FiLM: output = gamma[ids] * x + beta[ids]
    gamma = jnp.take(gamma_weight, condition_ids, axis=0)
    beta = jnp.take(beta_weight, condition_ids, axis=0)
    return gamma * x + beta

if __name__ == "__main__":
    import jax
    _d = setup_inputs()
    print(jax.jit(kernel)(*tuple(_d.values())))

</pallas_src>

<mosaic_0001>
#map = affine_map<(d0, d1) -> (0, 0)>
#map1 = affine_map<(d0, d1) -> (0)>
module attributes {stable_mosaic.version = 14 : i64} {
  func.func @_film_body(%arg0: i32, %arg1: i32, %arg2: memref<16384x128xf32, #tpu.memory_space<hbm>>, %arg3: memref<16384xi32, #tpu.memory_space<hbm>>, %arg4: memref<100000x128xf32, #tpu.memory_space<hbm>>, %arg5: memref<100000x128xf32, #tpu.memory_space<hbm>>, %arg6: memref<16384x128xf32, #tpu.memory_space<hbm>>, %arg7: memref<4x128xi32, #tpu.memory_space<vmem>>, %arg8: memref<128x128xf32, #tpu.memory_space<vmem>>, %arg9: memref<128x128xf32, #tpu.memory_space<vmem>>, %arg10: memref<128x128xf32, #tpu.memory_space<vmem>>, %arg11: memref<128x128xf32, #tpu.memory_space<vmem>>, %arg12: memref<128x128xf32, #tpu.memory_space<vmem>>, %arg13: memref<128x128xf32, #tpu.memory_space<vmem>>, %arg14: memref<!tpu.dma_semaphore, #tpu.memory_space<semaphore_mem>>, %arg15: memref<!tpu.dma_semaphore, #tpu.memory_space<semaphore_mem>>, %arg16: memref<!tpu.dma_semaphore, #tpu.memory_space<semaphore_mem>>, %arg17: memref<!tpu.dma_semaphore, #tpu.memory_space<semaphore_mem>>, %arg18: memref<!tpu.dma_semaphore, #tpu.memory_space<semaphore_mem>>, %arg19: memref<!tpu.dma_semaphore, #tpu.memory_space<semaphore_mem>>, %arg20: memref<!tpu.dma_semaphore, #tpu.memory_space<semaphore_mem>>, %arg21: memref<!tpu.dma_semaphore, #tpu.memory_space<semaphore_mem>>) attributes {dimension_semantics = [#tpu.dimension_semantics<core_parallel>, #tpu.dimension_semantics<subcore_parallel>], iteration_bounds = array<i64: 2, 16>, scalar_prefetch = 0 : i64, scratch_operands = 15 : i64, tpu.core_type = #tpu.core_type<sc_vector_subcore>, window_params = [{transform_indices = #map}, {transform_indices = #map1}, {transform_indices = #map}, {transform_indices = #map}, {transform_indices = #map}]} {
    %mul3A = arith.constant 2 : i32
    %mul3A_0 = arith.muli %arg1, %mul3A : i32
    %add3A = arith.addi %mul3A_0, %arg0 : i32
    %mul3A_1 = arith.constant 512 : i32
    %mul3A_2 = arith.muli %add3A, %mul3A_1 : i32
    %add3A_3 = arith.constant 0 : i32
    %add3A_4 = arith.addi %mul3A_2, %add3A_3 : i32
    %run_scoped3A = arith.constant 0 : i32
    "tpu.region"() ({
      %run_scoped3A_215 = tpu.sem_alloc : memref<!tpu.dma_semaphore, #tpu.memory_space<semaphore_mem>>
      %dma_start3A_216 = arith.constant 0 : i32
      %dma_start3A_217 = tpu.memref_slice %arg7[%run_scoped3A, %dma_start3A_216] : memref<4x128xi32, #tpu.memory_space<vmem>> -> memref<1x128xi32, #tpu.memory_space<vmem>>
      %dma_start3A_218 = tpu.memref_squeeze %dma_start3A_217 : memref<1x128xi32, #tpu.memory_space<vmem>> -> memref<128xi32, #tpu.memory_space<vmem>>
      %dma_start3A_219 = tpu.memref_slice %arg3[%add3A_4] : memref<16384xi32, #tpu.memory_space<hbm>> -> memref<128xi32, #tpu.memory_space<hbm>>
      %dma_start3A_220 = arith.constant 0 : i32
      %dma_start3A_221 = tpu.memref_slice %arg7[%run_scoped3A, %dma_start3A_220] : memref<4x128xi32, #tpu.memory_space<vmem>> -> memref<1x128xi32, #tpu.memory_space<vmem>>
      %dma_start3A_222 = tpu.memref_squeeze %dma_start3A_221 : memref<1x128xi32, #tpu.memory_space<vmem>> -> memref<128xi32, #tpu.memory_space<vmem>>
      %dma_start3A_223 = tpu.memref_slice %arg3[%add3A_4] : memref<16384xi32, #tpu.memory_space<hbm>> -> memref<128xi32, #tpu.memory_space<hbm>>
      tpu.enqueue_dma source(%dma_start3A_223 : memref<128xi32, #tpu.memory_space<hbm>>) target(%dma_start3A_222 : memref<128xi32, #tpu.memory_space<vmem>>) target_semaphore(%run_scoped3A_215 : memref<!tpu.dma_semaphore, #tpu.memory_space<semaphore_mem>>)
      %dma_wait3A_224 = arith.constant 0 : i32
      %dma_wait3A_225 = tpu.memref_slice %arg7[%run_scoped3A, %dma_wait3A_224] : memref<4x128xi32, #tpu.memory_space<vmem>> -> memref<1x128xi32, #tpu.memory_space<vmem>>
      %dma_wait3A_226 = tpu.memref_squeeze %dma_wait3A_225 : memref<1x128xi32, #tpu.memory_space<vmem>> -> memref<128xi32, #tpu.memory_space<vmem>>
      %dma_wait3A_227 = tpu.memref_slice %arg3[%add3A_4] : memref<16384xi32, #tpu.memory_space<hbm>> -> memref<128xi32, #tpu.memory_space<hbm>>
      %dma_wait3A_228 = arith.constant 0 : i32
      %dma_wait3A_229 = tpu.memref_slice %arg7[%run_scoped3A, %dma_wait3A_228] : memref<4x128xi32, #tpu.memory_space<vmem>> -> memref<1x128xi32, #tpu.memory_space<vmem>>
      %dma_wait3A_230 = tpu.memref_squeeze %dma_wait3A_229 : memref<1x128xi32, #tpu.memory_space<vmem>> -> memref<128xi32, #tpu.memory_space<vmem>>
      %dma_wait3A_231 = tpu.memref_slice %arg3[%add3A_4] : memref<16384xi32, #tpu.memory_space<hbm>> -> memref<128xi32, #tpu.memory_space<hbm>>
      tpu.wait_dma2 semaphore(%run_scoped3A_215 : memref<!tpu.dma_semaphore, #tpu.memory_space<semaphore_mem>>) src(%dma_wait3A_231 : memref<128xi32, #tpu.memory_space<hbm>>) dst(%dma_wait3A_230 : memref<128xi32, #tpu.memory_space<vmem>>)
      tpu.yield
    }) : () -> ()
    %add3A_5 = arith.constant 128 : i32
    %add3A_6 = arith.addi %mul3A_2, %add3A_5 : i32
    %run_scoped3A_7 = arith.constant 1 : i32
    "tpu.region"() ({
      %run_scoped3A_215 = tpu.sem_alloc : memref<!tpu.dma_semaphore, #tpu.memory_space<semaphore_mem>>
      %dma_start3A_216 = arith.constant 0 : i32
      %dma_start3A_217 = tpu.memref_slice %arg7[%run_scoped3A_7, %dma_start3A_216] : memref<4x128xi32, #tpu.memory_space<vmem>> -> memref<1x128xi32, #tpu.memory_space<vmem>>
      %dma_start3A_218 = tpu.memref_squeeze %dma_start3A_217 : memref<1x128xi32, #tpu.memory_space<vmem>> -> memref<128xi32, #tpu.memory_space<vmem>>
      %dma_start3A_219 = tpu.memref_slice %arg3[%add3A_6] : memref<16384xi32, #tpu.memory_space<hbm>> -> memref<128xi32, #tpu.memory_space<hbm>>
      %dma_start3A_220 = arith.constant 0 : i32
      %dma_start3A_221 = tpu.memref_slice %arg7[%run_scoped3A_7, %dma_start3A_220] : memref<4x128xi32, #tpu.memory_space<vmem>> -> memref<1x128xi32, #tpu.memory_space<vmem>>
      %dma_start3A_222 = tpu.memref_squeeze %dma_start3A_221 : memref<1x128xi32, #tpu.memory_space<vmem>> -> memref<128xi32, #tpu.memory_space<vmem>>
      %dma_start3A_223 = tpu.memref_slice %arg3[%add3A_6] : memref<16384xi32, #tpu.memory_space<hbm>> -> memref<128xi32, #tpu.memory_space<hbm>>
      tpu.enqueue_dma source(%dma_start3A_223 : memref<128xi32, #tpu.memory_space<hbm>>) target(%dma_start3A_222 : memref<128xi32, #tpu.memory_space<vmem>>) target_semaphore(%run_scoped3A_215 : memref<!tpu.dma_semaphore, #tpu.memory_space<semaphore_mem>>)
      %dma_wait3A_224 = arith.constant 0 : i32
      %dma_wait3A_225 = tpu.memref_slice %arg7[%run_scoped3A_7, %dma_wait3A_224] : memref<4x128xi32, #tpu.memory_space<vmem>> -> memref<1x128xi32, #tpu.memory_space<vmem>>
      %dma_wait3A_226 = tpu.memref_squeeze %dma_wait3A_225 : memref<1x128xi32, #tpu.memory_space<vmem>> -> memref<128xi32, #tpu.memory_space<vmem>>
      %dma_wait3A_227 = tpu.memref_slice %arg3[%add3A_6] : memref<16384xi32, #tpu.memory_space<hbm>> -> memref<128xi32, #tpu.memory_space<hbm>>
      %dma_wait3A_228 = arith.constant 0 : i32
      %dma_wait3A_229 = tpu.memref_slice %arg7[%run_scoped3A_7, %dma_wait3A_228] : memref<4x128xi32, #tpu.memory_space<vmem>> -> memref<1x128xi32, #tpu.memory_space<vmem>>
      %dma_wait3A_230 = tpu.memref_squeeze %dma_wait3A_229 : memref<1x128xi32, #tpu.memory_space<vmem>> -> memref<128xi32, #tpu.memory_space<vmem>>
      %dma_wait3A_231 = tpu.memref_slice %arg3[%add3A_6] : memref<16384xi32, #tpu.memory_space<hbm>> -> memref<128xi32, #tpu.memory_space<hbm>>
      tpu.wait_dma2 semaphore(%run_scoped3A_215 : memref<!tpu.dma_semaphore, #tpu.memory_space<semaphore_mem>>) src(%dma_wait3A_231 : memref<128xi32, #tpu.memory_space<hbm>>) dst(%dma_wait3A_230 : memref<128xi32, #tpu.memory_space<vmem>>)
      tpu.yield
    }) : () -> ()
    %add3A_8 = arith.constant 256 : i32
    %add3A_9 = arith.addi %mul3A_2, %add3A_8 : i32
    %run_scoped3A_10 = arith.constant 2 : i32
    "tpu.region"() ({
      %run_scoped3A_215 = tpu.sem_alloc : memref<!tpu.dma_semaphore, #tpu.memory_space<semaphore_mem>>
      %dma_start3A_216 = arith.constant 0 : i32
      %dma_start3A_217 = tpu.memref_slice %arg7[%run_scoped3A_10, %dma_start3A_216] : memref<4x128xi32, #tpu.memory_space<vmem>> -> memref<1x128xi32, #tpu.memory_space<vmem>>
      %dma_start3A_218 = tpu.memref_squeeze %dma_start3A_217 : memref<1x128xi32, #tpu.memory_space<vmem>> -> memref<128xi32, #tpu.memory_space<vmem>>
      %dma_start3A_219 = tpu.memref_slice %arg3[%add3A_9] : memref<16384xi32, #tpu.memory_space<hbm>> -> memref<128xi32, #tpu.memory_space<hbm>>
      %dma_start3A_220 = arith.constant 0 : i32
      %dma_start3A_221 = tpu.memref_slice %arg7[%run_scoped3A_10, %dma_start3A_220] : memref<4x128xi32, #tpu.memory_space<vmem>> -> memref<1x128xi32, #tpu.memory_space<vmem>>
      %dma_start3A_222 = tpu.memref_squeeze %dma_start3A_221 : memref<1x128xi32, #tpu.memory_space<vmem>> -> memref<128xi32, #tpu.memory_space<vmem>>
      %dma_start3A_223 = tpu.memref_slice %arg3[%add3A_9] : memref<16384xi32, #tpu.memory_space<hbm>> -> memref<128xi32, #tpu.memory_space<hbm>>
      tpu.enqueue_dma source(%dma_start3A_223 : memref<128xi32, #tpu.memory_space<hbm>>) target(%dma_start3A_222 : memref<128xi32, #tpu.memory_space<vmem>>) target_semaphore(%run_scoped3A_215 : memref<!tpu.dma_semaphore, #tpu.memory_space<semaphore_mem>>)
      %dma_wait3A_224 = arith.constant 0 : i32
      %dma_wait3A_225 = tpu.memref_slice %arg7[%run_scoped3A_10, %dma_wait3A_224] : memref<4x128xi32, #tpu.memory_space<vmem>> -> memref<1x128xi32, #tpu.memory_space<vmem>>
      %dma_wait3A_226 = tpu.memref_squeeze %dma_wait3A_225 : memref<1x128xi32, #tpu.memory_space<vmem>> -> memref<128xi32, #tpu.memory_space<vmem>>
      %dma_wait3A_227 = tpu.memref_slice %arg3[%add3A_9] : memref<16384xi32, #tpu.memory_space<hbm>> -> memref<128xi32, #tpu.memory_space<hbm>>
      %dma_wait3A_228 = arith.constant 0 : i32
      %dma_wait3A_229 = tpu.memref_slice %arg7[%run_scoped3A_10, %dma_wait3A_228] : memref<4x128xi32, #tpu.memory_space<vmem>> -> memref<1x128xi32, #tpu.memory_space<vmem>>
      %dma_wait3A_230 = tpu.memref_squeeze %dma_wait3A_229 : memref<1x128xi32, #tpu.memory_space<vmem>> -> memref<128xi32, #tpu.memory_space<vmem>>
      %dma_wait3A_231 = tpu.memref_slice %arg3[%add3A_9] : memref<16384xi32, #tpu.memory_space<hbm>> -> memref<128xi32, #tpu.memory_space<hbm>>
      tpu.wait_dma2 semaphore(%run_scoped3A_215 : memref<!tpu.dma_semaphore, #tpu.memory_space<semaphore_mem>>) src(%dma_wait3A_231 : memref<128xi32, #tpu.memory_space<hbm>>) dst(%dma_wait3A_230 : memref<128xi32, #tpu.memory_space<vmem>>)
      tpu.yield
    }) : () -> ()
    %add3A_11 = arith.constant 384 : i32
    %add3A_12 = arith.addi %mul3A_2, %add3A_11 : i32
    %run_scoped3A_13 = arith.constant 3 : i32
    "tpu.region"() ({
      %run_scoped3A_215 = tpu.sem_alloc : memref<!tpu.dma_semaphore, #tpu.memory_space<semaphore_mem>>
      %dma_start3A_216 = arith.constant 0 : i32
      %dma_start3A_217 = tpu.memref_slice %arg7[%run_scoped3A_13, %dma_start3A_216] : memref<4x128xi32, #tpu.memory_space<vmem>> -> memref<1x128xi32, #tpu.memory_space<vmem>>
      %dma_start3A_218 = tpu.memref_squeeze %dma_start3A_217 : memref<1x128xi32, #tpu.memory_space<vmem>> -> memref<128xi32, #tpu.memory_space<vmem>>
      %dma_start3A_219 = tpu.memref_slice %arg3[%add3A_12] : memref<16384xi32, #tpu.memory_space<hbm>> -> memref<128xi32, #tpu.memory_space<hbm>>
      %dma_start3A_220 = arith.constant 0 : i32
      %dma_start3A_221 = tpu.memref_slice %arg7[%run_scoped3A_13, %dma_start3A_220] : memref<4x128xi32, #tpu.memory_space<vmem>> -> memref<1x128xi32, #tpu.memory_space<vmem>>
      %dma_start3A_222 = tpu.memref_squeeze %dma_start3A_221 : memref<1x128xi32, #tpu.memory_space<vmem>> -> memref<128xi32, #tpu.memory_space<vmem>>
      %dma_start3A_223 = tpu.memref_slice %arg3[%add3A_12] : memref<16384xi32, #tpu.memory_space<hbm>> -> memref<128xi32, #tpu.memory_space<hbm>>
      tpu.enqueue_dma source(%dma_start3A_223 : memref<128xi32, #tpu.memory_space<hbm>>) target(%dma_start3A_222 : memref<128xi32, #tpu.memory_space<vmem>>) target_semaphore(%run_scoped3A_215 : memref<!tpu.dma_semaphore, #tpu.memory_space<semaphore_mem>>)
      %dma_wait3A_224 = arith.constant 0 : i32
      %dma_wait3A_225 = tpu.memref_slice %arg7[%run_scoped3A_13, %dma_wait3A_224] : memref<4x128xi32, #tpu.memory_space<vmem>> -> memref<1x128xi32, #tpu.memory_space<vmem>>
      %dma_wait3A_226 = tpu.memref_squeeze %dma_wait3A_225 : memref<1x128xi32, #tpu.memory_space<vmem>> -> memref<128xi32, #tpu.memory_space<vmem>>
      %dma_wait3A_227 = tpu.memref_slice %arg3[%add3A_12] : memref<16384xi32, #tpu.memory_space<hbm>> -> memref<128xi32, #tpu.memory_space<hbm>>
      %dma_wait3A_228 = arith.constant 0 : i32
      %dma_wait3A_229 = tpu.memref_slice %arg7[%run_scoped3A_13, %dma_wait3A_228] : memref<4x128xi32, #tpu.memory_space<vmem>> -> memref<1x128xi32, #tpu.memory_space<vmem>>
      %dma_wait3A_230 = tpu.memref_squeeze %dma_wait3A_229 : memref<1x128xi32, #tpu.memory_space<vmem>> -> memref<128xi32, #tpu.memory_space<vmem>>
      %dma_wait3A_231 = tpu.memref_slice %arg3[%add3A_12] : memref<16384xi32, #tpu.memory_space<hbm>> -> memref<128xi32, #tpu.memory_space<hbm>>
      tpu.wait_dma2 semaphore(%run_scoped3A_215 : memref<!tpu.dma_semaphore, #tpu.memory_space<semaphore_mem>>) src(%dma_wait3A_231 : memref<128xi32, #tpu.memory_space<hbm>>) dst(%dma_wait3A_230 : memref<128xi32, #tpu.memory_space<vmem>>)
      tpu.yield
    }) : () -> ()
    %add3A_14 = arith.constant 0 : i32
    %add3A_15 = arith.addi %mul3A_2, %add3A_14 : i32
    %dma_start3A = arith.constant 0 : i32
    %dma_start3A_16 = arith.constant 0 : i32
    %dma_start3A_17 = tpu.memref_slice %arg7[%dma_start3A, %dma_start3A_16] : memref<4x128xi32, #tpu.memory_space<vmem>> -> memref<1x128xi32, #tpu.memory_space<vmem>>
    %dma_start3A_18 = tpu.memref_squeeze %dma_start3A_17 : memref<1x128xi32, #tpu.memory_space<vmem>> -> memref<128xi32, #tpu.memory_space<vmem>>
    %dma_start3A_19 = arith.constant 0 : i32
    %dma_start3A_20 = arith.constant 0 : i32
    %dma_start3A_21 = tpu.memref_slice %arg4[%dma_start3A_19, %dma_start3A_20] : memref<100000x128xf32, #tpu.memory_space<hbm>> -> memref<100000x128xf32, #tpu.memory_space<hbm>>
    tpu.enqueue_indirect_dma source(%dma_start3A_21 : memref<100000x128xf32, #tpu.memory_space<hbm>>) target(%arg8 : memref<128x128xf32, #tpu.memory_space<vmem>>) offsets(%dma_start3A_18 : memref<128xi32, #tpu.memory_space<vmem>>) semaphore(%arg14 : memref<!tpu.dma_semaphore, #tpu.memory_space<semaphore_mem>>)
    %dma_start3A_22 = arith.constant 0 : i32
    %dma_start3A_23 = arith.constant 0 : i32
    %dma_start3A_24 = tpu.memref_slice %arg7[%dma_start3A_22, %dma_start3A_23] : memref<4x128xi32, #tpu.memory_space<vmem>> -> memref<1x128xi32, #tpu.memory_space<vmem>>
    %dma_start3A_25 = tpu.memref_squeeze %dma_start3A_24 : memref<1x128xi32, #tpu.memory_space<vmem>> -> memref<128xi32, #tpu.memory_space<vmem>>
    %dma_start3A_26 = arith.constant 0 : i32
    %dma_start3A_27 = arith.constant 0 : i32
    %dma_start3A_28 = tpu.memref_slice %arg5[%dma_start3A_26, %dma_start3A_27] : memref<100000x128xf32, #tpu.memory_space<hbm>> -> memref<100000x128xf32, #tpu.memory_space<hbm>>
    tpu.enqueue_indirect_dma source(%dma_start3A_28 : memref<100000x128xf32, #tpu.memory_space<hbm>>) target(%arg10 : memref<128x128xf32, #tpu.memory_space<vmem>>) offsets(%dma_start3A_25 : memref<128xi32, #tpu.memory_space<vmem>>) semaphore(%arg16 : memref<!tpu.dma_semaphore, #tpu.memory_space<semaphore_mem>>)
    %dma_start3A_29 = arith.constant 0 : i32
    %dma_start3A_30 = tpu.memref_slice %arg2[%add3A_15, %dma_start3A_29] : memref<16384x128xf32, #tpu.memory_space<hbm>> -> memref<128x128xf32, #tpu.memory_space<hbm>>
    %dma_start3A_31 = arith.constant 0 : i32
    %dma_start3A_32 = tpu.memref_slice %arg2[%add3A_15, %dma_start3A_31] : memref<16384x128xf32, #tpu.memory_space<hbm>> -> memref<128x128xf32, #tpu.memory_space<hbm>>
    tpu.enqueue_dma source(%dma_start3A_32 : memref<128x128xf32, #tpu.memory_space<hbm>>) target(%arg12 : memref<128x128xf32, #tpu.memory_space<vmem>>) target_semaphore(%arg18 : memref<!tpu.dma_semaphore, #tpu.memory_space<semaphore_mem>>)
    %add3A_33 = arith.constant 128 : i32
    %add3A_34 = arith.addi %mul3A_2, %add3A_33 : i32
    %dma_start3A_35 = arith.constant 1 : i32
    %dma_start3A_36 = arith.constant 0 : i32
    %dma_start3A_37 = tpu.memref_slice %arg7[%dma_start3A_35, %dma_start3A_36] : memref<4x128xi32, #tpu.memory_space<vmem>> -> memref<1x128xi32, #tpu.memory_space<vmem>>
    %dma_start3A_38 = tpu.memref_squeeze %dma_start3A_37 : memref<1x128xi32, #tpu.memory_space<vmem>> -> memref<128xi32, #tpu.memory_space<vmem>>
    %dma_start3A_39 = arith.constant 0 : i32
    %dma_start3A_40 = arith.constant 0 : i32
    %dma_start3A_41 = tpu.memref_slice %arg4[%dma_start3A_39, %dma_start3A_40] : memref<100000x128xf32, #tpu.memory_space<hbm>> -> memref<100000x128xf32, #tpu.memory_space<hbm>>
    tpu.enqueue_indirect_dma source(%dma_start3A_41 : memref<100000x128xf32, #tpu.memory_space<hbm>>) target(%arg9 : memref<128x128xf32, #tpu.memory_space<vmem>>) offsets(%dma_start3A_38 : memref<128xi32, #tpu.memory_space<vmem>>) semaphore(%arg15 : memref<!tpu.dma_semaphore, #tpu.memory_space<semaphore_mem>>)
    %dma_start3A_42 = arith.constant 1 : i32
    %dma_start3A_43 = arith.constant 0 : i32
    %dma_start3A_44 = tpu.memref_slice %arg7[%dma_start3A_42, %dma_start3A_43] : memref<4x128xi32, #tpu.memory_space<vmem>> -> memref<1x128xi32, #tpu.memory_space<vmem>>
    %dma_start3A_45 = tpu.memref_squeeze %dma_start3A_44 : memref<1x128xi32, #tpu.memory_space<vmem>> -> memref<128xi32, #tpu.memory_space<vmem>>
    %dma_start3A_46 = arith.constant 0 : i32
    %dma_start3A_47 = arith.constant 0 : i32
    %dma_start3A_48 = tpu.memref_slice %arg5[%dma_start3A_46, %dma_start3A_47] : memref<100000x128xf32, #tpu.memory_space<hbm>> -> memref<100000x128xf32, #tpu.memory_space<hbm>>
    tpu.enqueue_indirect_dma source(%dma_start3A_48 : memref<100000x128xf32, #tpu.memory_space<hbm>>) target(%arg11 : memref<128x128xf32, #tpu.memory_space<vmem>>) offsets(%dma_start3A_45 : memref<128xi32, #tpu.memory_space<vmem>>) semaphore(%arg17 : memref<!tpu.dma_semaphore, #tpu.memory_space<semaphore_mem>>)
    %dma_start3A_49 = arith.constant 0 : i32
    %dma_start3A_50 = tpu.memref_slice %arg2[%add3A_34, %dma_start3A_49] : memref<16384x128xf32, #tpu.memory_space<hbm>> -> memref<128x128xf32, #tpu.memory_space<hbm>>
    %dma_start3A_51 = arith.constant 0 : i32
    %dma_start3A_52 = tpu.memref_slice %arg2[%add3A_34, %dma_start3A_51] : memref<16384x128xf32, #tpu.memory_space<hbm>> -> memref<128x128xf32, #tpu.memory_space<hbm>>
    tpu.enqueue_dma source(%dma_start3A_52 : memref<128x128xf32, #tpu.memory_space<hbm>>) target(%arg13 : memref<128x128xf32, #tpu.memory_space<vmem>>) target_semaphore(%arg19 : memref<!tpu.dma_semaphore, #tpu.memory_space<semaphore_mem>>)
    %dma_wait3A = arith.constant 0 : i32
    %dma_wait3A_53 = arith.constant 0 : i32
    %dma_wait3A_54 = tpu.memref_slice %arg7[%dma_wait3A, %dma_wait3A_53] : memref<4x128xi32, #tpu.memory_space<vmem>> -> memref<1x128xi32, #tpu.memory_space<vmem>>
    %dma_wait3A_55 = tpu.memref_squeeze %dma_wait3A_54 : memref<1x128xi32, #tpu.memory_space<vmem>> -> memref<128xi32, #tpu.memory_space<vmem>>
    %dma_wait3A_56 = arith.constant 0 : i32
    %dma_wait3A_57 = arith.constant 0 : i32
    %dma_wait3A_58 = tpu.memref_slice %arg4[%dma_wait3A_56, %dma_wait3A_57] : memref<100000x128xf32, #tpu.memory_space<hbm>> -> memref<100000x128xf32, #tpu.memory_space<hbm>>
    tpu.wait_indirect_dma semaphore(%arg14 : memref<!tpu.dma_semaphore, #tpu.memory_space<semaphore_mem>>) src(%dma_wait3A_58 : memref<100000x128xf32, #tpu.memory_space<hbm>>) dst(%arg8 : memref<128x128xf32, #tpu.memory_space<vmem>>)
    %dma_wait3A_59 = arith.constant 0 : i32
    %dma_wait3A_60 = arith.constant 0 : i32
    %dma_wait3A_61 = tpu.memref_slice %arg7[%dma_wait3A_59, %dma_wait3A_60] : memref<4x128xi32, #tpu.memory_space<vmem>> -> memref<1x128xi32, #tpu.memory_space<vmem>>
    %dma_wait3A_62 = tpu.memref_squeeze %dma_wait3A_61 : memref<1x128xi32, #tpu.memory_space<vmem>> -> memref<128xi32, #tpu.memory_space<vmem>>
    %dma_wait3A_63 = arith.constant 0 : i32
    %dma_wait3A_64 = arith.constant 0 : i32
    %dma_wait3A_65 = tpu.memref_slice %arg5[%dma_wait3A_63, %dma_wait3A_64] : memref<100000x128xf32, #tpu.memory_space<hbm>> -> memref<100000x128xf32, #tpu.memory_space<hbm>>
    tpu.wait_indirect_dma semaphore(%arg16 : memref<!tpu.dma_semaphore, #tpu.memory_space<semaphore_mem>>) src(%dma_wait3A_65 : memref<100000x128xf32, #tpu.memory_space<hbm>>) dst(%arg10 : memref<128x128xf32, #tpu.memory_space<vmem>>)
    %dma_wait3A_66 = arith.constant 0 : i32
    %dma_wait3A_67 = tpu.memref_slice %arg2[%add3A_15, %dma_wait3A_66] : memref<16384x128xf32, #tpu.memory_space<hbm>> -> memref<128x128xf32, #tpu.memory_space<hbm>>
    %dma_wait3A_68 = arith.constant 0 : i32
    %dma_wait3A_69 = tpu.memref_slice %arg2[%add3A_15, %dma_wait3A_68] : memref<16384x128xf32, #tpu.memory_space<hbm>> -> memref<128x128xf32, #tpu.memory_space<hbm>>
    tpu.wait_dma2 semaphore(%arg18 : memref<!tpu.dma_semaphore, #tpu.memory_space<semaphore_mem>>) src(%dma_wait3A_69 : memref<128x128xf32, #tpu.memory_space<hbm>>) dst(%arg12 : memref<128x128xf32, #tpu.memory_space<vmem>>)
    %parallel_loop3A = arith.constant 0 : i32
    %parallel_loop3A_70 = arith.constant 128 : i32
    %parallel_loop3A_71 = arith.constant 1 : i32
    scf.for %parallel_loop3A_215 = %parallel_loop3A to %parallel_loop3A_70 step %parallel_loop3A_71  : i32 {
      %parallel_loop3A_216 = arith.index_cast %parallel_loop3A_215 : i32 to index
      %parallel_loop3A_217 = arith.constant 0 : index
      %parallel_loop3A_218 = tpu.vector_load %arg8[%parallel_loop3A_216, %parallel_loop3A_217] {strides = array<i32>} : memref<128x128xf32, #tpu.memory_space<vmem>>, vector<1x16xf32>,
      %parallel_loop3A_219 = vector.shape_cast %parallel_loop3A_218 : vector<1x16xf32> to vector<16xf32>
      %parallel_loop3A_220 = arith.index_cast %parallel_loop3A_215 : i32 to index
      %parallel_loop3A_221 = arith.constant 0 : index
      %parallel_loop3A_222 = tpu.vector_load %arg12[%parallel_loop3A_220, %parallel_loop3A_221] {strides = array<i32>} : memref<128x128xf32, #tpu.memory_space<vmem>>, vector<1x16xf32>,
      %parallel_loop3A_223 = vector.shape_cast %parallel_loop3A_222 : vector<1x16xf32> to vector<16xf32>
      %parallel_loop3A_224 = arith.mulf %parallel_loop3A_219, %parallel_loop3A_223 : vector<16xf32>
      %parallel_loop3A_225 = arith.index_cast %parallel_loop3A_215 : i32 to index
      %parallel_loop3A_226 = arith.constant 0 : index
      %parallel_loop3A_227 = tpu.vector_load %arg10[%parallel_loop3A_225, %parallel_loop3A_226] {strides = array<i32>} : memref<128x128xf32, #tpu.memory_space<vmem>>, vector<1x16xf32>,
      %parallel_loop3A_228 = vector.shape_cast %parallel_loop3A_227 : vector<1x16xf32> to vector<16xf32>
      %parallel_loop3A_229 = arith.addf %parallel_loop3A_224, %parallel_loop3A_228 : vector<16xf32>
      %parallel_loop3A_230 = arith.index_cast %parallel_loop3A_215 : i32 to index
      %parallel_loop3A_231 = arith.constant 0 : index
      %parallel_loop3A_232 = tpu.vector_load %arg8[%parallel_loop3A_230, %parallel_loop3A_231] {strides = array<i32>} : memref<128x128xf32, #tpu.memory_space<vmem>>, vector<1x16xf32>,
      %parallel_loop3A_233 = vector.shape_cast %parallel_loop3A_232 : vector<1x16xf32> to vector<16xf32>
      %parallel_loop3A_234 = vector.shape_cast %parallel_loop3A_229 : vector<16xf32> to vector<1x16xf32>
      tpu.vector_store %arg8[%parallel_loop3A_230, %parallel_loop3A_231], %parallel_loop3A_234 {strides = array<i32>} : memref<128x128xf32, #tpu.memory_space<vmem>>, vector<1x16xf32>,
      %parallel_loop3A_235 = arith.index_cast %parallel_loop3A_215 : i32 to index
      %parallel_loop3A_236 = arith.constant 16 : index
      %parallel_loop3A_237 = tpu.vector_load %arg8[%parallel_loop3A_235, %parallel_loop3A_236] {strides = array<i32>} : memref<128x128xf32, #tpu.memory_space<vmem>>, vector<1x16xf32>,
      %parallel_loop3A_238 = vector.shape_cast %parallel_loop3A_237 : vector<1x16xf32> to vector<16xf32>
      %parallel_loop3A_239 = arith.index_cast %parallel_loop3A_215 : i32 to index
      %parallel_loop3A_240 = arith.constant 16 : index
      %parallel_loop3A_241 = tpu.vector_load %arg12[%parallel_loop3A_239, %parallel_loop3A_240] {strides = array<i32>} : memref<128x128xf32, #tpu.memory_space<vmem>>, vector<1x16xf32>,
      %parallel_loop3A_242 = vector.shape_cast %parallel_loop3A_241 : vector<1x16xf32> to vector<16xf32>
      %parallel_loop3A_243 = arith.mulf %parallel_loop3A_238, %parallel_loop3A_242 : vector<16xf32>
      %parallel_loop3A_244 = arith.index_cast %parallel_loop3A_215 : i32 to index
      %parallel_loop3A_245 = arith.constant 16 : index
      %parallel_loop3A_246 = tpu.vector_load %arg10[%parallel_loop3A_244, %parallel_loop3A_245] {strides = array<i32>} : memref<128x128xf32, #tpu.memory_space<vmem>>, vector<1x16xf32>,
      %parallel_loop3A_247 = vector.shape_cast %parallel_loop3A_246 : vector<1x16xf32> to vector<16xf32>
      %parallel_loop3A_248 = arith.addf %parallel_loop3A_243, %parallel_loop3A_247 : vector<16xf32>
      %parallel_loop3A_249 = arith.index_cast %parallel_loop3A_215 : i32 to index
      %parallel_loop3A_250 = arith.constant 16 : index
      %parallel_loop3A_251 = tpu.vector_load %arg8[%parallel_loop3A_249, %parallel_loop3A_250] {strides = array<i32>} : memref<128x128xf32, #tpu.memory_space<vmem>>, vector<1x16xf32>,
      %parallel_loop3A_252 = vector.shape_cast %parallel_loop3A_251 : vector<1x16xf32> to vector<16xf32>
      %parallel_loop3A_253 = vector.shape_cast %parallel_loop3A_248 : vector<16xf32> to vector<1x16xf32>
      tpu.vector_store %arg8[%parallel_loop3A_249, %parallel_loop3A_250], %parallel_loop3A_253 {strides = array<i32>} : memref<128x128xf32, #tpu.memory_space<vmem>>, vector<1x16xf32>,
      %parallel_loop3A_254 = arith.index_cast %parallel_loop3A_215 : i32 to index
      %parallel_loop3A_255 = arith.constant 32 : index
      %parallel_loop3A_256 = tpu.vector_load %arg8[%parallel_loop3A_254, %parallel_loop3A_255] {strides = array<i32>} : memref<128x128xf32, #tpu.memory_space<vmem>>, vector<1x16xf32>,
      %parallel_loop3A_257 = vector.shape_cast %parallel_loop3A_256 : vector<1x16xf32> to vector<16xf32>
      %parallel_loop3A_258 = arith.index_cast %parallel_loop3A_215 : i32 to index
      %parallel_loop3A_259 = arith.constant 32 : index
      %parallel_loop3A_260 = tpu.vector_load %arg12[%parallel_loop3A_258, %parallel_loop3A_259] {strides = array<i32>} : memref<128x128xf32, #tpu.memory_space<vmem>>, vector<1x16xf32>,
      %parallel_loop3A_261 = vector.shape_cast %parallel_loop3A_260 : vector<1x16xf32> to vector<16xf32>
      %parallel_loop3A_262 = arith.mulf %parallel_loop3A_257, %parallel_loop3A_261 : vector<16xf32>
      %parallel_loop3A_263 = arith.index_cast %parallel_loop3A_215 : i32 to index
      %parallel_loop3A_264 = arith.constant 32 : index
      %parallel_loop3A_265 = tpu.vector_load %arg10[%parallel_loop3A_263, %parallel_loop3A_264] {strides = array<i32>} : memref<128x128xf32, #tpu.memory_space<vmem>>, vector<1x16xf32>,
      %parallel_loop3A_266 = vector.shape_cast %parallel_loop3A_265 : vector<1x16xf32> to vector<16xf32>
      %parallel_loop3A_267 = arith.addf %parallel_loop3A_262, %parallel_loop3A_266 : vector<16xf32>
      %parallel_loop3A_268 = arith.index_cast %parallel_loop3A_215 : i32 to index
      %parallel_loop3A_269 = arith.constant 32 : index
      %parallel_loop3A_270 = tpu.vector_load %arg8[%parallel_loop3A_268, %parallel_loop3A_269] {strides = array<i32>} : memref<128x128xf32, #tpu.memory_space<vmem>>, vector<1x16xf32>,
      %parallel_loop3A_271 = vector.shape_cast %parallel_loop3A_270 : vector<1x16xf32> to vector<16xf32>
      %parallel_loop3A_272 = vector.shape_cast %parallel_loop3A_267 : vector<16xf32> to vector<1x16xf32>
      tpu.vector_store %arg8[%parallel_loop3A_268, %parallel_loop3A_269], %parallel_loop3A_272 {strides = array<i32>} : memref<128x128xf32, #tpu.memory_space<vmem>>, vector<1x16xf32>,
      %parallel_loop3A_273 = arith.index_cast %parallel_loop3A_215 : i32 to index
      %parallel_loop3A_274 = arith.constant 48 : index
      %parallel_loop3A_275 = tpu.vector_load %arg8[%parallel_loop3A_273, %parallel_loop3A_274] {strides = array<i32>} : memref<128x128xf32, #tpu.memory_space<vmem>>, vector<1x16xf32>,
      %parallel_loop3A_276 = vector.shape_cast %parallel_loop3A_275 : vector<1x16xf32> to vector<16xf32>
      %parallel_loop3A_277 = arith.index_cast %parallel_loop3A_215 : i32 to index
      %parallel_loop3A_278 = arith.constant 48 : index
      %parallel_loop3A_279 = tpu.vector_load %arg12[%parallel_loop3A_277, %parallel_loop3A_278] {strides = array<i32>} : memref<128x128xf32, #tpu.memory_space<vmem>>, vector<1x16xf32>,
      %parallel_loop3A_280 = vector.shape_cast %parallel_loop3A_279 : vector<1x16xf32> to vector<16xf32>
      %parallel_loop3A_281 = arith.mulf %parallel_loop3A_276, %parallel_loop3A_280 : vector<16xf32>
      %parallel_loop3A_282 = arith.index_cast %parallel_loop3A_215 : i32 to index
      %parallel_loop3A_283 = arith.constant 48 : index
      %parallel_loop3A_284 = tpu.vector_load %arg10[%parallel_loop3A_282, %parallel_loop3A_283] {strides = array<i32>} : memref<128x128xf32, #tpu.memory_space<vmem>>, vector<1x16xf32>,
      %parallel_loop3A_285 = vector.shape_cast %parallel_loop3A_284 : vector<1x16xf32> to vector<16xf32>
      %parallel_loop3A_286 = arith.addf %parallel_loop3A_281, %parallel_loop3A_285 : vector<16xf32>
      %parallel_loop3A_287 = arith.index_cast %parallel_loop3A_215 : i32 to index
      %parallel_loop3A_288 = arith.constant 48 : index
      %parallel_loop3A_289 = tpu.vector_load %arg8[%parallel_loop3A_287, %parallel_loop3A_288] {strides = array<i32>} : memref<128x128xf32, #tpu.memory_space<vmem>>, vector<1x16xf32>,
      %parallel_loop3A_290 = vector.shape_cast %parallel_loop3A_289 : vector<1x16xf32> to vector<16xf32>
      %parallel_loop3A_291 = vector.shape_cast %parallel_loop3A_286 : vector<16xf32> to vector<1x16xf32>
      tpu.vector_store %arg8[%parallel_loop3A_287, %parallel_loop3A_288], %parallel_loop3A_291 {strides = array<i32>} : memref<128x128xf32, #tpu.memory_space<vmem>>, vector<1x16xf32>,
      %parallel_loop3A_292 = arith.index_cast %parallel_loop3A_215 : i32 to index
      %parallel_loop3A_293 = arith.constant 64 : index
      %parallel_loop3A_294 = tpu.vector_load %arg8[%parallel_loop3A_292, %parallel_loop3A_293] {strides = array<i32>} : memref<128x128xf32, #tpu.memory_space<vmem>>, vector<1x16xf32>,
      %parallel_loop3A_295 = vector.shape_cast %parallel_loop3A_294 : vector<1x16xf32> to vector<16xf32>
      %parallel_loop3A_296 = arith.index_cast %parallel_loop3A_215 : i32 to index
      %parallel_loop3A_297 = arith.constant 64 : index
      %parallel_loop3A_298 = tpu.vector_load %arg12[%parallel_loop3A_296, %parallel_loop3A_297] {strides = array<i32>} : memref<128x128xf32, #tpu.memory_space<vmem>>, vector<1x16xf32>,
      %parallel_loop3A_299 = vector.shape_cast %parallel_loop3A_298 : vector<1x16xf32> to vector<16xf32>
      %parallel_loop3A_300 = arith.mulf %parallel_loop3A_295, %parallel_loop3A_299 : vector<16xf32>
      %parallel_loop3A_301 = arith.index_cast %parallel_loop3A_215 : i32 to index
      %parallel_loop3A_302 = arith.constant 64 : index
      %parallel_loop3A_303 = tpu.vector_load %arg10[%parallel_loop3A_301, %parallel_loop3A_302] {strides = array<i32>} : memref<128x128xf32, #tpu.memory_space<vmem>>, vector<1x16xf32>,
      %parallel_loop3A_304 = vector.shape_cast %parallel_loop3A_303 : vector<1x16xf32> to vector<16xf32>
      %parallel_loop3A_305 = arith.addf %parallel_loop3A_300, %parallel_loop3A_304 : vector<16xf32>
      %parallel_loop3A_306 = arith.index_cast %parallel_loop3A_215 : i32 to index
      %parallel_loop3A_307 = arith.constant 64 : index
      %parallel_loop3A_308 = tpu.vector_load %arg8[%parallel_loop3A_306, %parallel_loop3A_307] {strides = array<i32>} : memref<128x128xf32, #tpu.memory_space<vmem>>, vector<1x16xf32>,
      %parallel_loop3A_309 = vector.shape_cast %parallel_loop3A_308 : vector<1x16xf32> to vector<16xf32>
      %parallel_loop3A_310 = vector.shape_cast %parallel_loop3A_305 : vector<16xf32> to vector<1x16xf32>
      tpu.vector_store %arg8[%parallel_loop3A_306, %parallel_loop3A_307], %parallel_loop3A_310 {strides = array<i32>} : memref<128x128xf32, #tpu.memory_space<vmem>>, vector<1x16xf32>,
      %parallel_loop3A_311 = arith.index_cast %parallel_loop3A_215 : i32 to index
      %parallel_loop3A_312 = arith.constant 80 : index
      %parallel_loop3A_313 = tpu.vector_load %arg8[%parallel_loop3A_311, %parallel_loop3A_312] {strides = array<i32>} : memref<128x128xf32, #tpu.memory_space<vmem>>, vector<1x16xf32>,
      %parallel_loop3A_314 = vector.shape_cast %parallel_loop3A_313 : vector<1x16xf32> to vector<16xf32>
      %parallel_loop3A_315 = arith.index_cast %parallel_loop3A_215 : i32 to index
      %parallel_loop3A_316 = arith.constant 80 : index
      %parallel_loop3A_317 = tpu.vector_load %arg12[%parallel_loop3A_315, %parallel_loop3A_316] {strides = array<i32>} : memref<128x128xf32, #tpu.memory_space<vmem>>, vector<1x16xf32>,
      %parallel_loop3A_318 = vector.shape_cast %parallel_loop3A_317 : vector<1x16xf32> to vector<16xf32>
      %parallel_loop3A_319 = arith.mulf %parallel_loop3A_314, %parallel_loop3A_318 : vector<16xf32>
      %parallel_loop3A_320 = arith.index_cast %parallel_loop3A_215 : i32 to index
      %parallel_loop3A_321 = arith.constant 80 : index
      %parallel_loop3A_322 = tpu.vector_load %arg10[%parallel_loop3A_320, %parallel_loop3A_321] {strides = array<i32>} : memref<128x128xf32, #tpu.memory_space<vmem>>, vector<1x16xf32>,
      %parallel_loop3A_323 = vector.shape_cast %parallel_loop3A_322 : vector<1x16xf32> to vector<16xf32>
      %parallel_loop3A_324 = arith.addf %parallel_loop3A_319, %parallel_loop3A_323 : vector<16xf32>
      %parallel_loop3A_325 = arith.index_cast %parallel_loop3A_215 : i32 to index
      %parallel_loop3A_326 = arith.constant 80 : index
      %parallel_loop3A_327 = tpu.vector_load %arg8[%parallel_loop3A_325, %parallel_loop3A_326] {strides = array<i32>} : memref<128x128xf32, #tpu.memory_space<vmem>>, vector<1x16xf32>,
      %parallel_loop3A_328 = vector.shape_cast %parallel_loop3A_327 : vector<1x16xf32> to vector<16xf32>
      %parallel_loop3A_329 = vector.shape_cast %parallel_loop3A_324 : vector<16xf32> to vector<1x16xf32>
      tpu.vector_store %arg8[%parallel_loop3A_325, %parallel_loop3A_326], %parallel_loop3A_329 {strides = array<i32>} : memref<128x128xf32, #tpu.memory_space<vmem>>, vector<1x16xf32>,
      %parallel_loop3A_330 = arith.index_cast %parallel_loop3A_215 : i32 to index
      %parallel_loop3A_331 = arith.constant 96 : index
      %parallel_loop3A_332 = tpu.vector_load %arg8[%parallel_loop3A_330, %parallel_loop3A_331] {strides = array<i32>} : memref<128x128xf32, #tpu.memory_space<vmem>>, vector<1x16xf32>,
      %parallel_loop3A_333 = vector.shape_cast %parallel_loop3A_332 : vector<1x16xf32> to vector<16xf32>
      %parallel_loop3A_334 = arith.index_cast %parallel_loop3A_215 : i32 to index
      %parallel_loop3A_335 = arith.constant 96 : index
      %parallel_loop3A_336 = tpu.vector_load %arg12[%parallel_loop3A_334, %parallel_loop3A_335] {strides = array<i32>} : memref<128x128xf32, #tpu.memory_space<vmem>>, vector<1x16xf32>,
      %parallel_loop3A_337 = vector.shape_cast %parallel_loop3A_336 : vector<1x16xf32> to vector<16xf32>
      %parallel_loop3A_338 = arith.mulf %parallel_loop3A_333, %parallel_loop3A_337 : vector<16xf32>
      %parallel_loop3A_339 = arith.index_cast %parallel_loop3A_215 : i32 to index
      %parallel_loop3A_340 = arith.constant 96 : index
      %parallel_loop3A_341 = tpu.vector_load %arg10[%parallel_loop3A_339, %parallel_loop3A_340] {strides = array<i32>} : memref<128x128xf32, #tpu.memory_space<vmem>>, vector<1x16xf32>,
      %parallel_loop3A_342 = vector.shape_cast %parallel_loop3A_341 : vector<1x16xf32> to vector<16xf32>
      %parallel_loop3A_343 = arith.addf %parallel_loop3A_338, %parallel_loop3A_342 : vector<16xf32>
      %parallel_loop3A_344 = arith.index_cast %parallel_loop3A_215 : i32 to index
      %parallel_loop3A_345 = arith.constant 96 : index
      %parallel_loop3A_346 = tpu.vector_load %arg8[%parallel_loop3A_344, %parallel_loop3A_345] {strides = array<i32>} : memref<128x128xf32, #tpu.memory_space<vmem>>, vector<1x16xf32>,
      %parallel_loop3A_347 = vector.shape_cast %parallel_loop3A_346 : vector<1x16xf32> to vector<16xf32>
      %parallel_loop3A_348 = vector.shape_cast %parallel_loop3A_343 : vector<16xf32> to vector<1x16xf32>
      tpu.vector_store %arg8[%parallel_loop3A_344, %parallel_loop3A_345], %parallel_loop3A_348 {strides = array<i32>} : memref<128x128xf32, #tpu.memory_space<vmem>>, vector<1x16xf32>,
      %parallel_loop3A_349 = arith.index_cast %parallel_loop3A_215 : i32 to index
      %parallel_loop3A_350 = arith.constant 112 : index
      %parallel_loop3A_351 = tpu.vector_load %arg8[%parallel_loop3A_349, %parallel_loop3A_350] {strides = array<i32>} : memref<128x128xf32, #tpu.memory_space<vmem>>, vector<1x16xf32>,
      %parallel_loop3A_352 = vector.shape_cast %parallel_loop3A_351 : vector<1x16xf32> to vector<16xf32>
      %parallel_loop3A_353 = arith.index_cast %parallel_loop3A_215 : i32 to index
      %parallel_loop3A_354 = arith.constant 112 : index
      %parallel_loop3A_355 = tpu.vector_load %arg12[%parallel_loop3A_353, %parallel_loop3A_354] {strides = array<i32>} : memref<128x128xf32, #tpu.memory_space<vmem>>, vector<1x16xf32>,
      %parallel_loop3A_356 = vector.shape_cast %parallel_loop3A_355 : vector<1x16xf32> to vector<16xf32>
      %parallel_loop3A_357 = arith.mulf %parallel_loop3A_352, %parallel_loop3A_356 : vector<16xf32>
      %parallel_loop3A_358 = arith.index_cast %parallel_loop3A_215 : i32 to index
      %parallel_loop3A_359 = arith.constant 112 : index
      %parallel_loop3A_360 = tpu.vector_load %arg10[%parallel_loop3A_358, %parallel_loop3A_359] {strides = array<i32>} : memref<128x128xf32, #tpu.memory_space<vmem>>, vector<1x16xf32>,
      %parallel_loop3A_361 = vector.shape_cast %parallel_loop3A_360 : vector<1x16xf32> to vector<16xf32>
      %parallel_loop3A_362 = arith.addf %parallel_loop3A_357, %parallel_loop3A_361 : vector<16xf32>
      %parallel_loop3A_363 = arith.index_cast %parallel_loop3A_215 : i32 to index
      %parallel_loop3A_364 = arith.constant 112 : index
      %parallel_loop3A_365 = tpu.vector_load %arg8[%parallel_loop3A_363, %parallel_loop3A_364] {strides = array<i32>} : memref<128x128xf32, #tpu.memory_space<vmem>>, vector<1x16xf32>,
      %parallel_loop3A_366 = vector.shape_cast %parallel_loop3A_365 : vector<1x16xf32> to vector<16xf32>
      %parallel_loop3A_367 = vector.shape_cast %parallel_loop3A_362 : vector<16xf32> to vector<1x16xf32>
      tpu.vector_store %arg8[%parallel_loop3A_363, %parallel_loop3A_364], %parallel_loop3A_367 {strides = array<i32>} : memref<128x128xf32, #tpu.memory_space<vmem>>, vector<1x16xf32>,
    } {sc.loop_unroll_factor = 4 : i64, sc.parallel_access}
    %add3A_72 = arith.constant 0 : i32
    %add3A_73 = arith.addi %mul3A_2, %add3A_72 : i32
    %dma_start3A_74 = arith.constant 0 : i32
    %dma_start3A_75 = tpu.memref_slice %arg6[%add3A_73, %dma_start3A_74] : memref<16384x128xf32, #tpu.memory_space<hbm>> -> memref<128x128xf32, #tpu.memory_space<hbm>>
    %dma_start3A_76 = arith.constant 0 : i32
    %dma_start3A_77 = tpu.memref_slice %arg6[%add3A_73, %dma_start3A_76] : memref<16384x128xf32, #tpu.memory_space<hbm>> -> memref<128x128xf32, #tpu.memory_space<hbm>>
    tpu.enqueue_dma source(%arg8 : memref<128x128xf32, #tpu.memory_space<vmem>>) target(%dma_start3A_77 : memref<128x128xf32, #tpu.memory_space<hbm>>) target_semaphore(%arg20 : memref<!tpu.dma_semaphore, #tpu.memory_space<semaphore_mem>>)
    %dma_wait3A_78 = arith.constant 0 : i32
    %dma_wait3A_79 = tpu.memref_slice %arg6[%add3A_73, %dma_wait3A_78] : memref<16384x128xf32, #tpu.memory_space<hbm>> -> memref<128x128xf32, #tpu.memory_space<hbm>>
    %dma_wait3A_80 = arith.constant 0 : i32
    %dma_wait3A_81 = tpu.memref_slice %arg6[%add3A_73, %dma_wait3A_80] : memref<16384x128xf32, #tpu.memory_space<hbm>> -> memref<128x128xf32, #tpu.memory_space<hbm>>
    tpu.wait_dma2 semaphore(%arg20 : memref<!tpu.dma_semaphore, #tpu.memory_space<semaphore_mem>>) src(%arg8 : memref<128x128xf32, #tpu.memory_space<vmem>>) dst(%dma_wait3A_81 : memref<128x128xf32, #tpu.memory_space<hbm>>)
    %add3A_82 = arith.constant 256 : i32
    %add3A_83 = arith.addi %mul3A_2, %add3A_82 : i32
    %dma_start3A_84 = arith.constant 2 : i32
    %dma_start3A_85 = arith.constant 0 : i32
    %dma_start3A_86 = tpu.memref_slice %arg7[%dma_start3A_84, %dma_start3A_85] : memref<4x128xi32, #tpu.memory_space<vmem>> -> memref<1x128xi32, #tpu.memory_space<vmem>>
    %dma_start3A_87 = tpu.memref_squeeze %dma_start3A_86 : memref<1x128xi32, #tpu.memory_space<vmem>> -> memref<128xi32, #tpu.memory_space<vmem>>
    %dma_start3A_88 = arith.constant 0 : i32
    %dma_start3A_89 = arith.constant 0 : i32
    %dma_start3A_90 = tpu.memref_slice %arg4[%dma_start3A_88, %dma_start3A_89] : memref<100000x128xf32, #tpu.memory_space<hbm>> -> memref<100000x128xf32, #tpu.memory_space<hbm>>
    tpu.enqueue_indirect_dma source(%dma_start3A_90 : memref<100000x128xf32, #tpu.memory_space<hbm>>) target(%arg8 : memref<128x128xf32, #tpu.memory_space<vmem>>) offsets(%dma_start3A_87 : memref<128xi32, #tpu.memory_space<vmem>>) semaphore(%arg14 : memref<!tpu.dma_semaphore, #tpu.memory_space<semaphore_mem>>)
    %dma_start3A_91 = arith.constant 2 : i32
    %dma_start3A_92 = arith.constant 0 : i32
    %dma_start3A_93 = tpu.memref_slice %arg7[%dma_start3A_91, %dma_start3A_92] : memref<4x128xi32, #tpu.memory_space<vmem>> -> memref<1x128xi32, #tpu.memory_space<vmem>>
    %dma_start3A_94 = tpu.memref_squeeze %dma_start3A_93 : memref<1x128xi32, #tpu.memory_space<vmem>> -> memref<128xi32, #tpu.memory_space<vmem>>
    %dma_start3A_95 = arith.constant 0 : i32
    %dma_start3A_96 = arith.constant 0 : i32
    %dma_start3A_97 = tpu.memref_slice %arg5[%dma_start3A_95, %dma_start3A_96] : memref<100000x128xf32, #tpu.memory_space<hbm>> -> memref<100000x128xf32, #tpu.memory_space<hbm>>
    tpu.enqueue_indirect_dma source(%dma_start3A_97 : memref<100000x128xf32, #tpu.memory_space<hbm>>) target(%arg10 : memref<128x128xf32, #tpu.memory_space<vmem>>) offsets(%dma_start3A_94 : memref<128xi32, #tpu.memory_space<vmem>>) semaphore(%arg16 : memref<!tpu.dma_semaphore, #tpu.memory_space<semaphore_mem>>)
    %dma_start3A_98 = arith.constant 0 : i32
    %dma_start3A_99 = tpu.memref_slice %arg2[%add3A_83, %dma_start3A_98] : memref<16384x128xf32, #tpu.memory_space<hbm>> -> memref<128x128xf32, #tpu.memory_space<hbm>>
    %dma_start3A_100 = arith.constant 0 : i32
    %dma_start3A_101 = tpu.memref_slice %arg2[%add3A_83, %dma_start3A_100] : memref<16384x128xf32, #tpu.memory_space<hbm>> -> memref<128x128xf32, #tpu.memory_space<hbm>>
    tpu.enqueue_dma source(%dma_start3A_101 : memref<128x128xf32, #tpu.memory_space<hbm>>) target(%arg12 : memref<128x128xf32, #tpu.memory_space<vmem>>) target_semaphore(%arg18 : memref<!tpu.dma_semaphore, #tpu.memory_space<semaphore_mem>>)
    %dma_wait3A_102 = arith.constant 1 : i32
    %dma_wait3A_103 = arith.constant 0 : i32
    %dma_wait3A_104 = tpu.memref_slice %arg7[%dma_wait3A_102, %dma_wait3A_103] : memref<4x128xi32, #tpu.memory_space<vmem>> -> memref<1x128xi32, #tpu.memory_space<vmem>>
    %dma_wait3A_105 = tpu.memref_squeeze %dma_wait3A_104 : memref<1x128xi32, #tpu.memory_space<vmem>> -> memref<128xi32, #tpu.memory_space<vmem>>
    %dma_wait3A_106 = arith.constant 0 : i32
    %dma_wait3A_107 = arith.constant 0 : i32
    %dma_wait3A_108 = tpu.memref_slice %arg4[%dma_wait3A_106, %dma_wait3A_107] : memref<100000x128xf32, #tpu.memory_space<hbm>> -> memref<100000x128xf32, #tpu.memory_space<hbm>>
    tpu.wait_indirect_dma semaphore(%arg15 : memref<!tpu.dma_semaphore, #tpu.memory_space<semaphore_mem>>) src(%dma_wait3A_108 : memref<100000x128xf32, #tpu.memory_space<hbm>>) dst(%arg9 : memref<128x128xf32, #tpu.memory_space<vmem>>)
    %dma_wait3A_109 = arith.constant 1 : i32
    %dma_wait3A_110 = arith.constant 0 : i32
    %dma_wait3A_111 = tpu.memref_slice %arg7[%dma_wait3A_109, %dma_wait3A_110] : memref<4x128xi32, #tpu.memory_space<vmem>> -> memref<1x128xi32, #tpu.memory_space<vmem>>
    %dma_wait3A_112 = tpu.memref_squeeze %dma_wait3A_111 : memref<1x128xi32, #tpu.memory_space<vmem>> -> memref<128xi32, #tpu.memory_space<vmem>>
    %dma_wait3A_113 = arith.constant 0 : i32
    %dma_wait3A_114 = arith.constant 0 : i32
    %dma_wait3A_115 = tpu.memref_slice %arg5[%dma_wait3A_113, %dma_wait3A_114] : memref<100000x128xf32, #tpu.memory_space<hbm>> -> memref<100000x128xf32, #tpu.memory_space<hbm>>
    tpu.wait_indirect_dma semaphore(%arg17 : memref<!tpu.dma_semaphore, #tpu.memory_space<semaphore_mem>>) src(%dma_wait3A_115 : memref<100000x128xf32, #tpu.memory_space<hbm>>) dst(%arg11 : memref<128x128xf32, #tpu.memory_space<vmem>>)
    %dma_wait3A_116 = arith.constant 0 : i32
    %dma_wait3A_117 = tpu.memref_slice %arg2[%add3A_34, %dma_wait3A_116] : memref<16384x128xf32, #tpu.memory_space<hbm>> -> memref<128x128xf32, #tpu.memory_space<hbm>>
    %dma_wait3A_118 = arith.constant 0 : i32
    %dma_wait3A_119 = tpu.memref_slice %arg2[%add3A_34, %dma_wait3A_118] : memref<16384x128xf32, #tpu.memory_space<hbm>> -> memref<128x128xf32, #tpu.memory_space<hbm>>
    tpu.wait_dma2 semaphore(%arg19 : memref<!tpu.dma_semaphore, #tpu.memory_space<semaphore_mem>>) src(%dma_wait3A_119 : memref<128x128xf32, #tpu.memory_space<hbm>>) dst(%arg13 : memref<128x128xf32, #tpu.memory_space<vmem>>)
    %parallel_loop3A_120 = arith.constant 0 : i32
    %parallel_loop3A_121 = arith.constant 128 : i32
    %parallel_loop3A_122 = arith.constant 1 : i32
    scf.for %parallel_loop3A_215 = %parallel_loop3A_120 to %parallel_loop3A_121 step %parallel_loop3A_122  : i32 {
      %parallel_loop3A_216 = arith.index_cast %parallel_loop3A_215 : i32 to index
      %parallel_loop3A_217 = arith.constant 0 : index
      %parallel_loop3A_218 = tpu.vector_load %arg9[%parallel_loop3A_216, %parallel_loop3A_217] {strides = array<i32>} : memref<128x128xf32, #tpu.memory_space<vmem>>, vector<1x16xf32>,
      %parallel_loop3A_219 = vector.shape_cast %parallel_loop3A_218 : vector<1x16xf32> to vector<16xf32>
      %parallel_loop3A_220 = arith.index_cast %parallel_loop3A_215 : i32 to index
      %parallel_loop3A_221 = arith.constant 0 : index
      %parallel_loop3A_222 = tpu.vector_load %arg13[%parallel_loop3A_220, %parallel_loop3A_221] {strides = array<i32>} : memref<128x128xf32, #tpu.memory_space<vmem>>, vector<1x16xf32>,
      %parallel_loop3A_223 = vector.shape_cast %parallel_loop3A_222 : vector<1x16xf32> to vector<16xf32>
      %parallel_loop3A_224 = arith.mulf %parallel_loop3A_219, %parallel_loop3A_223 : vector<16xf32>
      %parallel_loop3A_225 = arith.index_cast %parallel_loop3A_215 : i32 to index
      %parallel_loop3A_226 = arith.constant 0 : index
      %parallel_loop3A_227 = tpu.vector_load %arg11[%parallel_loop3A_225, %parallel_loop3A_226] {strides = array<i32>} : memref<128x128xf32, #tpu.memory_space<vmem>>, vector<1x16xf32>,
      %parallel_loop3A_228 = vector.shape_cast %parallel_loop3A_227 : vector<1x16xf32> to vector<16xf32>
      %parallel_loop3A_229 = arith.addf %parallel_loop3A_224, %parallel_loop3A_228 : vector<16xf32>
      %parallel_loop3A_230 = arith.index_cast %parallel_loop3A_215 : i32 to index
      %parallel_loop3A_231 = arith.constant 0 : index
      %parallel_loop3A_232 = tpu.vector_load %arg9[%parallel_loop3A_230, %parallel_loop3A_231] {strides = array<i32>} : memref<128x128xf32, #tpu.memory_space<vmem>>, vector<1x16xf32>,
      %parallel_loop3A_233 = vector.shape_cast %parallel_loop3A_232 : vector<1x16xf32> to vector<16xf32>
      %parallel_loop3A_234 = vector.shape_cast %parallel_loop3A_229 : vector<16xf32> to vector<1x16xf32>
      tpu.vector_store %arg9[%parallel_loop3A_230, %parallel_loop3A_231], %parallel_loop3A_234 {strides = array<i32>} : memref<128x128xf32, #tpu.memory_space<vmem>>, vector<1x16xf32>,
      %parallel_loop3A_235 = arith.index_cast %parallel_loop3A_215 : i32 to index
      %parallel_loop3A_236 = arith.constant 16 : index
      %parallel_loop3A_237 = tpu.vector_load %arg9[%parallel_loop3A_235, %parallel_loop3A_236] {strides = array<i32>} : memref<128x128xf32, #tpu.memory_space<vmem>>, vector<1x16xf32>,
      %parallel_loop3A_238 = vector.shape_cast %parallel_loop3A_237 : vector<1x16xf32> to vector<16xf32>
      %parallel_loop3A_239 = arith.index_cast %parallel_loop3A_215 : i32 to index
      %parallel_loop3A_240 = arith.constant 16 : index
      %parallel_loop3A_241 = tpu.vector_load %arg13[%parallel_loop3A_239, %parallel_loop3A_240] {strides = array<i32>} : memref<128x128xf32, #tpu.memory_space<vmem>>, vector<1x16xf32>,
      %parallel_loop3A_242 = vector.shape_cast %parallel_loop3A_241 : vector<1x16xf32> to vector<16xf32>
      %parallel_loop3A_243 = arith.mulf %parallel_loop3A_238, %parallel_loop3A_242 : vector<16xf32>
      %parallel_loop3A_244 = arith.index_cast %parallel_loop3A_215 : i32 to index
      %parallel_loop3A_245 = arith.constant 16 : index
      %parallel_loop3A_246 = tpu.vector_load %arg11[%parallel_loop3A_244, %parallel_loop3A_245] {strides = array<i32>} : memref<128x128xf32, #tpu.memory_space<vmem>>, vector<1x16xf32>,
      %parallel_loop3A_247 = vector.shape_cast %parallel_loop3A_246 : vector<1x16xf32> to vector<16xf32>
      %parallel_loop3A_248 = arith.addf %parallel_loop3A_243, %parallel_loop3A_247 : vector<16xf32>
      %parallel_loop3A_249 = arith.index_cast %parallel_loop3A_215 : i32 to index
      %parallel_loop3A_250 = arith.constant 16 : index
      %parallel_loop3A_251 = tpu.vector_load %arg9[%parallel_loop3A_249, %parallel_loop3A_250] {strides = array<i32>} : memref<128x128xf32, #tpu.memory_space<vmem>>, vector<1x16xf32>,
      %parallel_loop3A_252 = vector.shape_cast %parallel_loop3A_251 : vector<1x16xf32> to vector<16xf32>
      %parallel_loop3A_253 = vector.shape_cast %parallel_loop3A_248 : vector<16xf32> to vector<1x16xf32>
      tpu.vector_store %arg9[%parallel_loop3A_249, %parallel_loop3A_250], %parallel_loop3A_253 {strides = array<i32>} : memref<128x128xf32, #tpu.memory_space<vmem>>, vector<1x16xf32>,
      %parallel_loop3A_254 = arith.index_cast %parallel_loop3A_215 : i32 to index
      %parallel_loop3A_255 = arith.constant 32 : index
      %parallel_loop3A_256 = tpu.vector_load %arg9[%parallel_loop3A_254, %parallel_loop3A_255] {strides = array<i32>} : memref<128x128xf32, #tpu.memory_space<vmem>>, vector<1x16xf32>,
      %parallel_loop3A_257 = vector.shape_cast %parallel_loop3A_256 : vector<1x16xf32> to vector<16xf32>
      %parallel_loop3A_258 = arith.index_cast %parallel_loop3A_215 : i32 to index
      %parallel_loop3A_259 = arith.constant 32 : index
      %parallel_loop3A_260 = tpu.vector_load %arg13[%parallel_loop3A_258, %parallel_loop3A_259] {strides = array<i32>} : memref<128x128xf32, #tpu.memory_space<vmem>>, vector<1x16xf32>,
      %parallel_loop3A_261 = vector.shape_cast %parallel_loop3A_260 : vector<1x16xf32> to vector<16xf32>
      %parallel_loop3A_262 = arith.mulf %parallel_loop3A_257, %parallel_loop3A_261 : vector<16xf32>
      %parallel_loop3A_263 = arith.index_cast %parallel_loop3A_215 : i32 to index
      %parallel_loop3A_264 = arith.constant 32 : index
      %parallel_loop3A_265 = tpu.vector_load %arg11[%parallel_loop3A_263, %parallel_loop3A_264] {strides = array<i32>} : memref<128x128xf32, #tpu.memory_space<vmem>>, vector<1x16xf32>,
      %parallel_loop3A_266 = vector.shape_cast %parallel_loop3A_265 : vector<1x16xf32> to vector<16xf32>
      %parallel_loop3A_267 = arith.addf %parallel_loop3A_262, %parallel_loop3A_266 : vector<16xf32>
      %parallel_loop3A_268 = arith.index_cast %parallel_loop3A_215 : i32 to index
      %parallel_loop3A_269 = arith.constant 32 : index
      %parallel_loop3A_270 = tpu.vector_load %arg9[%parallel_loop3A_268, %parallel_loop3A_269] {strides = array<i32>} : memref<128x128xf32, #tpu.memory_space<vmem>>, vector<1x16xf32>,
      %parallel_loop3A_271 = vector.shape_cast %parallel_loop3A_270 : vector<1x16xf32> to vector<16xf32>
      %parallel_loop3A_272 = vector.shape_cast %parallel_loop3A_267 : vector<16xf32> to vector<1x16xf32>
      tpu.vector_store %arg9[%parallel_loop3A_268, %parallel_loop3A_269], %parallel_loop3A_272 {strides = array<i32>} : memref<128x128xf32, #tpu.memory_space<vmem>>, vector<1x16xf32>,
      %parallel_loop3A_273 = arith.index_cast %parallel_loop3A_215 : i32 to index
      %parallel_loop3A_274 = arith.constant 48 : index
      %parallel_loop3A_275 = tpu.vector_load %arg9[%parallel_loop3A_273, %parallel_loop3A_274] {strides = array<i32>} : memref<128x128xf32, #tpu.memory_space<vmem>>, vector<1x16xf32>,
      %parallel_loop3A_276 = vector.shape_cast %parallel_loop3A_275 : vector<1x16xf32> to vector<16xf32>
      %parallel_loop3A_277 = arith.index_cast %parallel_loop3A_215 : i32 to index
      %parallel_loop3A_278 = arith.constant 48 : index
      %parallel_loop3A_279 = tpu.vector_load %arg13[%parallel_loop3A_277, %parallel_loop3A_278] {strides = array<i32>} : memref<128x128xf32, #tpu.memory_space<vmem>>, vector<1x16xf32>,
      %parallel_loop3A_280 = vector.shape_cast %parallel_loop3A_279 : vector<1x16xf32> to vector<16xf32>
      %parallel_loop3A_281 = arith.mulf %parallel_loop3A_276, %parallel_loop3A_280 : vector<16xf32>
      %parallel_loop3A_282 = arith.index_cast %parallel_loop3A_215 : i32 to index
      %parallel_loop3A_283 = arith.constant 48 : index
      %parallel_loop3A_284 = tpu.vector_load %arg11[%parallel_loop3A_282, %parallel_loop3A_283] {strides = array<i32>} : memref<128x128xf32, #tpu.memory_space<vmem>>, vector<1x16xf32>,
      %parallel_loop3A_285 = vector.shape_cast %parallel_loop3A_284 : vector<1x16xf32> to vector<16xf32>
      %parallel_loop3A_286 = arith.addf %parallel_loop3A_281, %parallel_loop3A_285 : vector<16xf32>
      %parallel_loop3A_287 = arith.index_cast %parallel_loop3A_215 : i32 to index
      %parallel_loop3A_288 = arith.constant 48 : index
      %parallel_loop3A_289 = tpu.vector_load %arg9[%parallel_loop3A_287, %parallel_loop3A_288] {strides = array<i32>} : memref<128x128xf32, #tpu.memory_space<vmem>>, vector<1x16xf32>,
      %parallel_loop3A_290 = vector.shape_cast %parallel_loop3A_289 : vector<1x16xf32> to vector<16xf32>
      %parallel_loop3A_291 = vector.shape_cast %parallel_loop3A_286 : vector<16xf32> to vector<1x16xf32>
      tpu.vector_store %arg9[%parallel_loop3A_287, %parallel_loop3A_288], %parallel_loop3A_291 {strides = array<i32>} : memref<128x128xf32, #tpu.memory_space<vmem>>, vector<1x16xf32>,
      %parallel_loop3A_292 = arith.index_cast %parallel_loop3A_215 : i32 to index
      %parallel_loop3A_293 = arith.constant 64 : index
      %parallel_loop3A_294 = tpu.vector_load %arg9[%parallel_loop3A_292, %parallel_loop3A_293] {strides = array<i32>} : memref<128x128xf32, #tpu.memory_space<vmem>>, vector<1x16xf32>,
      %parallel_loop3A_295 = vector.shape_cast %parallel_loop3A_294 : vector<1x16xf32> to vector<16xf32>
      %parallel_loop3A_296 = arith.index_cast %parallel_loop3A_215 : i32 to index
      %parallel_loop3A_297 = arith.constant 64 : index
      %parallel_loop3A_298 = tpu.vector_load %arg13[%parallel_loop3A_296, %parallel_loop3A_297] {strides = array<i32>} : memref<128x128xf32, #tpu.memory_space<vmem>>, vector<1x16xf32>,
      %parallel_loop3A_299 = vector.shape_cast %parallel_loop3A_298 : vector<1x16xf32> to vector<16xf32>
      %parallel_loop3A_300 = arith.mulf %parallel_loop3A_295, %parallel_loop3A_299 : vector<16xf32>
      %parallel_loop3A_301 = arith.index_cast %parallel_loop3A_215 : i32 to index
      %parallel_loop3A_302 = arith.constant 64 : index
      %parallel_loop3A_303 = tpu.vector_load %arg11[%parallel_loop3A_301, %parallel_loop3A_302] {strides = array<i32>} : memref<128x128xf32, #tpu.memory_space<vmem>>, vector<1x16xf32>,
      %parallel_loop3A_304 = vector.shape_cast %parallel_loop3A_303 : vector<1x16xf32> to vector<16xf32>
      %parallel_loop3A_305 = arith.addf %parallel_loop3A_300, %parallel_loop3A_304 : vector<16xf32>
      %parallel_loop3A_306 = arith.index_cast %parallel_loop3A_215 : i32 to index
      %parallel_loop3A_307 = arith.constant 64 : index
      %parallel_loop3A_308 = tpu.vector_load %arg9[%parallel_loop3A_306, %parallel_loop3A_307] {strides = array<i32>} : memref<128x128xf32, #tpu.memory_space<vmem>>, vector<1x16xf32>,
      %parallel_loop3A_309 = vector.shape_cast %parallel_loop3A_308 : vector<1x16xf32> to vector<16xf32>
      %parallel_loop3A_310 = vector.shape_cast %parallel_loop3A_305 : vector<16xf32> to vector<1x16xf32>
      tpu.vector_store %arg9[%parallel_loop3A_306, %parallel_loop3A_307], %parallel_loop3A_310 {strides = array<i32>} : memref<128x128xf32, #tpu.memory_space<vmem>>, vector<1x16xf32>,
      %parallel_loop3A_311 = arith.index_cast %parallel_loop3A_215 : i32 to index
      %parallel_loop3A_312 = arith.constant 80 : index
      %parallel_loop3A_313 = tpu.vector_load %arg9[%parallel_loop3A_311, %parallel_loop3A_312] {strides = array<i32>} : memref<128x128xf32, #tpu.memory_space<vmem>>, vector<1x16xf32>,
      %parallel_loop3A_314 = vector.shape_cast %parallel_loop3A_313 : vector<1x16xf32> to vector<16xf32>
      %parallel_loop3A_315 = arith.index_cast %parallel_loop3A_215 : i32 to index
      %parallel_loop3A_316 = arith.constant 80 : index
      %parallel_loop3A_317 = tpu.vector_load %arg13[%parallel_loop3A_315, %parallel_loop3A_316] {strides = array<i32>} : memref<128x128xf32, #tpu.memory_space<vmem>>, vector<1x16xf32>,
      %parallel_loop3A_318 = vector.shape_cast %parallel_loop3A_317 : vector<1x16xf32> to vector<16xf32>
      %parallel_loop3A_319 = arith.mulf %parallel_loop3A_314, %parallel_loop3A_318 : vector<16xf32>
      %parallel_loop3A_320 = arith.index_cast %parallel_loop3A_215 : i32 to index
      %parallel_loop3A_321 = arith.constant 80 : index
      %parallel_loop3A_322 = tpu.vector_load %arg11[%parallel_loop3A_320, %parallel_loop3A_321] {strides = array<i32>} : memref<128x128xf32, #tpu.memory_space<vmem>>, vector<1x16xf32>,
      %parallel_loop3A_323 = vector.shape_cast %parallel_loop3A_322 : vector<1x16xf32> to vector<16xf32>
      %parallel_loop3A_324 = arith.addf %parallel_loop3A_319, %parallel_loop3A_323 : vector<16xf32>
      %parallel_loop3A_325 = arith.index_cast %parallel_loop3A_215 : i32 to index
      %parallel_loop3A_326 = arith.constant 80 : index
      %parallel_loop3A_327 = tpu.vector_load %arg9[%parallel_loop3A_325, %parallel_loop3A_326] {strides = array<i32>} : memref<128x128xf32, #tpu.memory_space<vmem>>, vector<1x16xf32>,
      %parallel_loop3A_328 = vector.shape_cast %parallel_loop3A_327 : vector<1x16xf32> to vector<16xf32>
      %parallel_loop3A_329 = vector.shape_cast %parallel_loop3A_324 : vector<16xf32> to vector<1x16xf32>
      tpu.vector_store %arg9[%parallel_loop3A_325, %parallel_loop3A_326], %parallel_loop3A_329 {strides = array<i32>} : memref<128x128xf32, #tpu.memory_space<vmem>>, vector<1x16xf32>,
      %parallel_loop3A_330 = arith.index_cast %parallel_loop3A_215 : i32 to index
      %parallel_loop3A_331 = arith.constant 96 : index
      %parallel_loop3A_332 = tpu.vector_load %arg9[%parallel_loop3A_330, %parallel_loop3A_331] {strides = array<i32>} : memref<128x128xf32, #tpu.memory_space<vmem>>, vector<1x16xf32>,
      %parallel_loop3A_333 = vector.shape_cast %parallel_loop3A_332 : vector<1x16xf32> to vector<16xf32>
      %parallel_loop3A_334 = arith.index_cast %parallel_loop3A_215 : i32 to index
      %parallel_loop3A_335 = arith.constant 96 : index
      %parallel_loop3A_336 = tpu.vector_load %arg13[%parallel_loop3A_334, %parallel_loop3A_335] {strides = array<i32>} : memref<128x128xf32, #tpu.memory_space<vmem>>, vector<1x16xf32>,
      %parallel_loop3A_337 = vector.shape_cast %parallel_loop3A_336 : vector<1x16xf32> to vector<16xf32>
      %parallel_loop3A_338 = arith.mulf %parallel_loop3A_333, %parallel_loop3A_337 : vector<16xf32>
      %parallel_loop3A_339 = arith.index_cast %parallel_loop3A_215 : i32 to index
      %parallel_loop3A_340 = arith.constant 96 : index
      %parallel_loop3A_341 = tpu.vector_load %arg11[%parallel_loop3A_339, %parallel_loop3A_340] {strides = array<i32>} : memref<128x128xf32, #tpu.memory_space<vmem>>, vector<1x16xf32>,
      %parallel_loop3A_342 = vector.shape_cast %parallel_loop3A_341 : vector<1x16xf32> to vector<16xf32>
      %parallel_loop3A_343 = arith.addf %parallel_loop3A_338, %parallel_loop3A_342 : vector<16xf32>
      %parallel_loop3A_344 = arith.index_cast %parallel_loop3A_215 : i32 to index
      %parallel_loop3A_345 = arith.constant 96 : index
      %parallel_loop3A_346 = tpu.vector_load %arg9[%parallel_loop3A_344, %parallel_loop3A_345] {strides = array<i32>} : memref<128x128xf32, #tpu.memory_space<vmem>>, vector<1x16xf32>,
      %parallel_loop3A_347 = vector.shape_cast %parallel_loop3A_346 : vector<1x16xf32> to vector<16xf32>
      %parallel_loop3A_348 = vector.shape_cast %parallel_loop3A_343 : vector<16xf32> to vector<1x16xf32>
      tpu.vector_store %arg9[%parallel_loop3A_344, %parallel_loop3A_345], %parallel_loop3A_348 {strides = array<i32>} : memref<128x128xf32, #tpu.memory_space<vmem>>, vector<1x16xf32>,
      %parallel_loop3A_349 = arith.index_cast %parallel_loop3A_215 : i32 to index
      %parallel_loop3A_350 = arith.constant 112 : index
      %parallel_loop3A_351 = tpu.vector_load %arg9[%parallel_loop3A_349, %parallel_loop3A_350] {strides = array<i32>} : memref<128x128xf32, #tpu.memory_space<vmem>>, vector<1x16xf32>,
      %parallel_loop3A_352 = vector.shape_cast %parallel_loop3A_351 : vector<1x16xf32> to vector<16xf32>
      %parallel_loop3A_353 = arith.index_cast %parallel_loop3A_215 : i32 to index
      %parallel_loop3A_354 = arith.constant 112 : index
      %parallel_loop3A_355 = tpu.vector_load %arg13[%parallel_loop3A_353, %parallel_loop3A_354] {strides = array<i32>} : memref<128x128xf32, #tpu.memory_space<vmem>>, vector<1x16xf32>,
      %parallel_loop3A_356 = vector.shape_cast %parallel_loop3A_355 : vector<1x16xf32> to vector<16xf32>
      %parallel_loop3A_357 = arith.mulf %parallel_loop3A_352, %parallel_loop3A_356 : vector<16xf32>
      %parallel_loop3A_358 = arith.index_cast %parallel_loop3A_215 : i32 to index
      %parallel_loop3A_359 = arith.constant 112 : index
      %parallel_loop3A_360 = tpu.vector_load %arg11[%parallel_loop3A_358, %parallel_loop3A_359] {strides = array<i32>} : memref<128x128xf32, #tpu.memory_space<vmem>>, vector<1x16xf32>,
      %parallel_loop3A_361 = vector.shape_cast %parallel_loop3A_360 : vector<1x16xf32> to vector<16xf32>
      %parallel_loop3A_362 = arith.addf %parallel_loop3A_357, %parallel_loop3A_361 : vector<16xf32>
      %parallel_loop3A_363 = arith.index_cast %parallel_loop3A_215 : i32 to index
      %parallel_loop3A_364 = arith.constant 112 : index
      %parallel_loop3A_365 = tpu.vector_load %arg9[%parallel_loop3A_363, %parallel_loop3A_364] {strides = array<i32>} : memref<128x128xf32, #tpu.memory_space<vmem>>, vector<1x16xf32>,
      %parallel_loop3A_366 = vector.shape_cast %parallel_loop3A_365 : vector<1x16xf32> to vector<16xf32>
      %parallel_loop3A_367 = vector.shape_cast %parallel_loop3A_362 : vector<16xf32> to vector<1x16xf32>
      tpu.vector_store %arg9[%parallel_loop3A_363, %parallel_loop3A_364], %parallel_loop3A_367 {strides = array<i32>} : memref<128x128xf32, #tpu.memory_space<vmem>>, vector<1x16xf32>,
    } {sc.loop_unroll_factor = 4 : i64, sc.parallel_access}
    %add3A_123 = arith.constant 128 : i32
    %add3A_124 = arith.addi %mul3A_2, %add3A_123 : i32
    %dma_start3A_125 = arith.constant 0 : i32
    %dma_start3A_126 = tpu.memref_slice %arg6[%add3A_124, %dma_start3A_125] : memref<16384x128xf32, #tpu.memory_space<hbm>> -> memref<128x128xf32, #tpu.memory_space<hbm>>
    %dma_start3A_127 = arith.constant 0 : i32
    %dma_start3A_128 = tpu.memref_slice %arg6[%add3A_124, %dma_start3A_127] : memref<16384x128xf32, #tpu.memory_space<hbm>> -> memref<128x128xf32, #tpu.memory_space<hbm>>
    tpu.enqueue_dma source(%arg9 : memref<128x128xf32, #tpu.memory_space<vmem>>) target(%dma_start3A_128 : memref<128x128xf32, #tpu.memory_space<hbm>>) target_semaphore(%arg21 : memref<!tpu.dma_semaphore, #tpu.memory_space<semaphore_mem>>)
    %dma_wait3A_129 = arith.constant 0 : i32
    %dma_wait3A_130 = tpu.memref_slice %arg6[%add3A_124, %dma_wait3A_129] : memref<16384x128xf32, #tpu.memory_space<hbm>> -> memref<128x128xf32, #tpu.memory_space<hbm>>
    %dma_wait3A_131 = arith.constant 0 : i32
    %dma_wait3A_132 = tpu.memref_slice %arg6[%add3A_124, %dma_wait3A_131] : memref<16384x128xf32, #tpu.memory_space<hbm>> -> memref<128x128xf32, #tpu.memory_space<hbm>>
    tpu.wait_dma2 semaphore(%arg21 : memref<!tpu.dma_semaphore, #tpu.memory_space<semaphore_mem>>) src(%arg9 : memref<128x128xf32, #tpu.memory_space<vmem>>) dst(%dma_wait3A_132 : memref<128x128xf32, #tpu.memory_space<hbm>>)
    %add3A_133 = arith.constant 384 : i32
    %add3A_134 = arith.addi %mul3A_2, %add3A_133 : i32
    %dma_start3A_135 = arith.constant 3 : i32
    %dma_start3A_136 = arith.constant 0 : i32
    %dma_start3A_137 = tpu.memref_slice %arg7[%dma_start3A_135, %dma_start3A_136] : memref<4x128xi32, #tpu.memory_space<vmem>> -> memref<1x128xi32, #tpu.memory_space<vmem>>
    %dma_start3A_138 = tpu.memref_squeeze %dma_start3A_137 : memref<1x128xi32, #tpu.memory_space<vmem>> -> memref<128xi32, #tpu.memory_space<vmem>>
    %dma_start3A_139 = arith.constant 0 : i32
    %dma_start3A_140 = arith.constant 0 : i32
    %dma_start3A_141 = tpu.memref_slice %arg4[%dma_start3A_139, %dma_start3A_140] : memref<100000x128xf32, #tpu.memory_space<hbm>> -> memref<100000x128xf32, #tpu.memory_space<hbm>>
    tpu.enqueue_indirect_dma source(%dma_start3A_141 : memref<100000x128xf32, #tpu.memory_space<hbm>>) target(%arg9 : memref<128x128xf32, #tpu.memory_space<vmem>>) offsets(%dma_start3A_138 : memref<128xi32, #tpu.memory_space<vmem>>) semaphore(%arg15 : memref<!tpu.dma_semaphore, #tpu.memory_space<semaphore_mem>>)
    %dma_start3A_142 = arith.constant 3 : i32
    %dma_start3A_143 = arith.constant 0 : i32
    %dma_start3A_144 = tpu.memref_slice %arg7[%dma_start3A_142, %dma_start3A_143] : memref<4x128xi32, #tpu.memory_space<vmem>> -> memref<1x128xi32, #tpu.memory_space<vmem>>
    %dma_start3A_145 = tpu.memref_squeeze %dma_start3A_144 : memref<1x128xi32, #tpu.memory_space<vmem>> -> memref<128xi32, #tpu.memory_space<vmem>>
    %dma_start3A_146 = arith.constant 0 : i32
    %dma_start3A_147 = arith.constant 0 : i32
    %dma_start3A_148 = tpu.memref_slice %arg5[%dma_start3A_146, %dma_start3A_147] : memref<100000x128xf32, #tpu.memory_space<hbm>> -> memref<100000x128xf32, #tpu.memory_space<hbm>>
    tpu.enqueue_indirect_dma source(%dma_start3A_148 : memref<100000x128xf32, #tpu.memory_space<hbm>>) target(%arg11 : memref<128x128xf32, #tpu.memory_space<vmem>>) offsets(%dma_start3A_145 : memref<128xi32, #tpu.memory_space<vmem>>) semaphore(%arg17 : memref<!tpu.dma_semaphore, #tpu.memory_space<semaphore_mem>>)
    %dma_start3A_149 = arith.constant 0 : i32
    %dma_start3A_150 = tpu.memref_slice %arg2[%add3A_134, %dma_start3A_149] : memref<16384x128xf32, #tpu.memory_space<hbm>> -> memref<128x128xf32, #tpu.memory_space<hbm>>
    %dma_start3A_151 = arith.constant 0 : i32
    %dma_start3A_152 = tpu.memref_slice %arg2[%add3A_134, %dma_start3A_151] : memref<16384x128xf32, #tpu.memory_space<hbm>> -> memref<128x128xf32, #tpu.memory_space<hbm>>
    tpu.enqueue_dma source(%dma_start3A_152 : memref<128x128xf32, #tpu.memory_space<hbm>>) target(%arg13 : memref<128x128xf32, #tpu.memory_space<vmem>>) target_semaphore(%arg19 : memref<!tpu.dma_semaphore, #tpu.memory_space<semaphore_mem>>)
    %dma_wait3A_153 = arith.constant 2 : i32
    %dma_wait3A_154 = arith.constant 0 : i32
    %dma_wait3A_155 = tpu.memref_slice %arg7[%dma_wait3A_153, %dma_wait3A_154] : memref<4x128xi32, #tpu.memory_space<vmem>> -> memref<1x128xi32, #tpu.memory_space<vmem>>
    %dma_wait3A_156 = tpu.memref_squeeze %dma_wait3A_155 : memref<1x128xi32, #tpu.memory_space<vmem>> -> memref<128xi32, #tpu.memory_space<vmem>>
    %dma_wait3A_157 = arith.constant 0 : i32
    %dma_wait3A_158 = arith.constant 0 : i32
    %dma_wait3A_159 = tpu.memref_slice %arg4[%dma_wait3A_157, %dma_wait3A_158] : memref<100000x128xf32, #tpu.memory_space<hbm>> -> memref<100000x128xf32, #tpu.memory_space<hbm>>
    tpu.wait_indirect_dma semaphore(%arg14 : memref<!tpu.dma_semaphore, #tpu.memory_space<semaphore_mem>>) src(%dma_wait3A_159 : memref<100000x128xf32, #tpu.memory_space<hbm>>) dst(%arg8 : memref<128x128xf32, #tpu.memory_space<vmem>>)
    %dma_wait3A_160 = arith.constant 2 : i32
    %dma_wait3A_161 = arith.constant 0 : i32
    %dma_wait3A_162 = tpu.memref_slice %arg7[%dma_wait3A_160, %dma_wait3A_161] : memref<4x128xi32, #tpu.memory_space<vmem>> -> memref<1x128xi32, #tpu.memory_space<vmem>>
    %dma_wait3A_163 = tpu.memref_squeeze %dma_wait3A_162 : memref<1x128xi32, #tpu.memory_space<vmem>> -> memref<128xi32, #tpu.memory_space<vmem>>
    %dma_wait3A_164 = arith.constant 0 : i32
    %dma_wait3A_165 = arith.constant 0 : i32
    %dma_wait3A_166 = tpu.memref_slice %arg5[%dma_wait3A_164, %dma_wait3A_165] : memref<100000x128xf32, #tpu.memory_space<hbm>> -> memref<100000x128xf32, #tpu.memory_space<hbm>>
    tpu.wait_indirect_dma semaphore(%arg16 : memref<!tpu.dma_semaphore, #tpu.memory_space<semaphore_mem>>) src(%dma_wait3A_166 : memref<100000x128xf32, #tpu.memory_space<hbm>>) dst(%arg10 : memref<128x128xf32, #tpu.memory_space<vmem>>)
    %dma_wait3A_167 = arith.constant 0 : i32
    %dma_wait3A_168 = tpu.memref_slice %arg2[%add3A_83, %dma_wait3A_167] : memref<16384x128xf32, #tpu.memory_space<hbm>> -> memref<128x128xf32, #tpu.memory_space<hbm>>
    %dma_wait3A_169 = arith.constant 0 : i32
    %dma_wait3A_170 = tpu.memref_slice %arg2[%add3A_83, %dma_wait3A_169] : memref<16384x128xf32, #tpu.memory_space<hbm>> -> memref<128x128xf32, #tpu.memory_space<hbm>>
    tpu.wait_dma2 semaphore(%arg18 : memref<!tpu.dma_semaphore, #tpu.memory_space<semaphore_mem>>) src(%dma_wait3A_170 : memref<128x128xf32, #tpu.memory_space<hbm>>) dst(%arg12 : memref<128x128xf32, #tpu.memory_space<vmem>>)
    %parallel_loop3A_171 = arith.constant 0 : i32
    %parallel_loop3A_172 = arith.constant 128 : i32
    %parallel_loop3A_173 = arith.constant 1 : i32
    scf.for %parallel_loop3A_215 = %parallel_loop3A_171 to %parallel_loop3A_172 step %parallel_loop3A_173  : i32 {
      %parallel_loop3A_216 = arith.index_cast %parallel_loop3A_215 : i32 to index
      %parallel_loop3A_217 = arith.constant 0 : index
      %parallel_loop3A_218 = tpu.vector_load %arg8[%parallel_loop3A_216, %parallel_loop3A_217] {strides = array<i32>} : memref<128x128xf32, #tpu.memory_space<vmem>>, vector<1x16xf32>,
      %parallel_loop3A_219 = vector.shape_cast %parallel_loop3A_218 : vector<1x16xf32> to vector<16xf32>
      %parallel_loop3A_220 = arith.index_cast %parallel_loop3A_215 : i32 to index
      %parallel_loop3A_221 = arith.constant 0 : index
      %parallel_loop3A_222 = tpu.vector_load %arg12[%parallel_loop3A_220, %parallel_loop3A_221] {strides = array<i32>} : memref<128x128xf32, #tpu.memory_space<vmem>>, vector<1x16xf32>,
      %parallel_loop3A_223 = vector.shape_cast %parallel_loop3A_222 : vector<1x16xf32> to vector<16xf32>
      %parallel_loop3A_224 = arith.mulf %parallel_loop3A_219, %parallel_loop3A_223 : vector<16xf32>
      %parallel_loop3A_225 = arith.index_cast %parallel_loop3A_215 : i32 to index
      %parallel_loop3A_226 = arith.constant 0 : index
      %parallel_loop3A_227 = tpu.vector_load %arg10[%parallel_loop3A_225, %parallel_loop3A_226] {strides = array<i32>} : memref<128x128xf32, #tpu.memory_space<vmem>>, vector<1x16xf32>,
      %parallel_loop3A_228 = vector.shape_cast %parallel_loop3A_227 : vector<1x16xf32> to vector<16xf32>
      %parallel_loop3A_229 = arith.addf %parallel_loop3A_224, %parallel_loop3A_228 : vector<16xf32>
      %parallel_loop3A_230 = arith.index_cast %parallel_loop3A_215 : i32 to index
      %parallel_loop3A_231 = arith.constant 0 : index
      %parallel_loop3A_232 = tpu.vector_load %arg8[%parallel_loop3A_230, %parallel_loop3A_231] {strides = array<i32>} : memref<128x128xf32, #tpu.memory_space<vmem>>, vector<1x16xf32>,
      %parallel_loop3A_233 = vector.shape_cast %parallel_loop3A_232 : vector<1x16xf32> to vector<16xf32>
      %parallel_loop3A_234 = vector.shape_cast %parallel_loop3A_229 : vector<16xf32> to vector<1x16xf32>
      tpu.vector_store %arg8[%parallel_loop3A_230, %parallel_loop3A_231], %parallel_loop3A_234 {strides = array<i32>} : memref<128x128xf32, #tpu.memory_space<vmem>>, vector<1x16xf32>,
      %parallel_loop3A_235 = arith.index_cast %parallel_loop3A_215 : i32 to index
      %parallel_loop3A_236 = arith.constant 16 : index
      %parallel_loop3A_237 = tpu.vector_load %arg8[%parallel_loop3A_235, %parallel_loop3A_236] {strides = array<i32>} : memref<128x128xf32, #tpu.memory_space<vmem>>, vector<1x16xf32>,
      %parallel_loop3A_238 = vector.shape_cast %parallel_loop3A_237 : vector<1x16xf32> to vector<16xf32>
      %parallel_loop3A_239 = arith.index_cast %parallel_loop3A_215 : i32 to index
      %parallel_loop3A_240 = arith.constant 16 : index
      %parallel_loop3A_241 = tpu.vector_load %arg12[%parallel_loop3A_239, %parallel_loop3A_240] {strides = array<i32>} : memref<128x128xf32, #tpu.memory_space<vmem>>, vector<1x16xf32>,
      %parallel_loop3A_242 = vector.shape_cast %parallel_loop3A_241 : vector<1x16xf32> to vector<16xf32>
      %parallel_loop3A_243 = arith.mulf %parallel_loop3A_238, %parallel_loop3A_242 : vector<16xf32>
      %parallel_loop3A_244 = arith.index_cast %parallel_loop3A_215 : i32 to index
      %parallel_loop3A_245 = arith.constant 16 : index
      %parallel_loop3A_246 = tpu.vector_load %arg10[%parallel_loop3A_244, %parallel_loop3A_245] {strides = array<i32>} : memref<128x128xf32, #tpu.memory_space<vmem>>, vector<1x16xf32>,
      %parallel_loop3A_247 = vector.shape_cast %parallel_loop3A_246 : vector<1x16xf32> to vector<16xf32>
      %parallel_loop3A_248 = arith.addf %parallel_loop3A_243, %parallel_loop3A_247 : vector<16xf32>
      %parallel_loop3A_249 = arith.index_cast %parallel_loop3A_215 : i32 to index
      %parallel_loop3A_250 = arith.constant 16 : index
      %parallel_loop3A_251 = tpu.vector_load %arg8[%parallel_loop3A_249, %parallel_loop3A_250] {strides = array<i32>} : memref<128x128xf32, #tpu.memory_space<vmem>>, vector<1x16xf32>,
      %parallel_loop3A_252 = vector.shape_cast %parallel_loop3A_251 : vector<1x16xf32> to vector<16xf32>
      %parallel_loop3A_253 = vector.shape_cast %parallel_loop3A_248 : vector<16xf32> to vector<1x16xf32>
      tpu.vector_store %arg8[%parallel_loop3A_249, %parallel_loop3A_250], %parallel_loop3A_253 {strides = array<i32>} : memref<128x128xf32, #tpu.memory_space<vmem>>, vector<1x16xf32>,
      %parallel_loop3A_254 = arith.index_cast %parallel_loop3A_215 : i32 to index
      %parallel_loop3A_255 = arith.constant 32 : index
      %parallel_loop3A_256 = tpu.vector_load %arg8[%parallel_loop3A_254, %parallel_loop3A_255] {strides = array<i32>} : memref<128x128xf32, #tpu.memory_space<vmem>>, vector<1x16xf32>,
      %parallel_loop3A_257 = vector.shape_cast %parallel_loop3A_256 : vector<1x16xf32> to vector<16xf32>
      %parallel_loop3A_258 = arith.index_cast %parallel_loop3A_215 : i32 to index
      %parallel_loop3A_259 = arith.constant 32 : index
      %parallel_loop3A_260 = tpu.vector_load %arg12[%parallel_loop3A_258, %parallel_loop3A_259] {strides = array<i32>} : memref<128x128xf32, #tpu.memory_space<vmem>>, vector<1x16xf32>,
      %parallel_loop3A_261 = vector.shape_cast %parallel_loop3A_260 : vector<1x16xf32> to vector<16xf32>
      %parallel_loop3A_262 = arith.mulf %parallel_loop3A_257, %parallel_loop3A_261 : vector<16xf32>
      %parallel_loop3A_263 = arith.index_cast %parallel_loop3A_215 : i32 to index
      %parallel_loop3A_264 = arith.constant 32 : index
      %parallel_loop3A_265 = tpu.vector_load %arg10[%parallel_loop3A_263, %parallel_loop3A_264] {strides = array<i32>} : memref<128x128xf32, #tpu.memory_space<vmem>>, vector<1x16xf32>,
      %parallel_loop3A_266 = vector.shape_cast %parallel_loop3A_265 : vector<1x16xf32> to vector<16xf32>
      %parallel_loop3A_267 = arith.addf %parallel_loop3A_262, %parallel_loop3A_266 : vector<16xf32>
      %parallel_loop3A_268 = arith.index_cast %parallel_loop3A_215 : i32 to index
      %parallel_loop3A_269 = arith.constant 32 : index
      %parallel_loop3A_270 = tpu.vector_load %arg8[%parallel_loop3A_268, %parallel_loop3A_269] {strides = array<i32>} : memref<128x128xf32, #tpu.memory_space<vmem>>, vector<1x16xf32>,
      %parallel_loop3A_271 = vector.shape_cast %parallel_loop3A_270 : vector<1x16xf32> to vector<16xf32>
      %parallel_loop3A_272 = vector.shape_cast %parallel_loop3A_267 : vector<16xf32> to vector<1x16xf32>
      tpu.vector_store %arg8[%parallel_loop3A_268, %parallel_loop3A_269], %parallel_loop3A_272 {strides = array<i32>} : memref<128x128xf32, #tpu.memory_space<vmem>>, vector<1x16xf32>,
      %parallel_loop3A_273 = arith.index_cast %parallel_loop3A_215 : i32 to index
      %parallel_loop3A_274 = arith.constant 48 : index
      %parallel_loop3A_275 = tpu.vector_load %arg8[%parallel_loop3A_273, %parallel_loop3A_274] {strides = array<i32>} : memref<128x128xf32, #tpu.memory_space<vmem>>, vector<1x16xf32>,
      %parallel_loop3A_276 = vector.shape_cast %parallel_loop3A_275 : vector<1x16xf32> to vector<16xf32>
      %parallel_loop3A_277 = arith.index_cast %parallel_loop3A_215 : i32 to index
      %parallel_loop3A_278 = arith.constant 48 : index
      %parallel_loop3A_279 = tpu.vector_load %arg12[%parallel_loop3A_277, %parallel_loop3A_278] {strides = array<i32>} : memref<128x128xf32, #tpu.memory_space<vmem>>, vector<1x16xf32>,
      %parallel_loop3A_280 = vector.shape_cast %parallel_loop3A_279 : vector<1x16xf32> to vector<16xf32>
      %parallel_loop3A_281 = arith.mulf %parallel_loop3A_276, %parallel_loop3A_280 : vector<16xf32>
      %parallel_loop3A_282 = arith.index_cast %parallel_loop3A_215 : i32 to index
      %parallel_loop3A_283 = arith.constant 48 : index
      %parallel_loop3A_284 = tpu.vector_load %arg10[%parallel_loop3A_282, %parallel_loop3A_283] {strides = array<i32>} : memref<128x128xf32, #tpu.memory_space<vmem>>, vector<1x16xf32>,
      %parallel_loop3A_285 = vector.shape_cast %parallel_loop3A_284 : vector<1x16xf32> to vector<16xf32>
      %parallel_loop3A_286 = arith.addf %parallel_loop3A_281, %parallel_loop3A_285 : vector<16xf32>
      %parallel_loop3A_287 = arith.index_cast %parallel_loop3A_215 : i32 to index
      %parallel_loop3A_288 = arith.constant 48 : index
      %parallel_loop3A_289 = tpu.vector_load %arg8[%parallel_loop3A_287, %parallel_loop3A_288] {strides = array<i32>} : memref<128x128xf32, #tpu.memory_space<vmem>>, vector<1x16xf32>,
      %parallel_loop3A_290 = vector.shape_cast %parallel_loop3A_289 : vector<1x16xf32> to vector<16xf32>
      %parallel_loop3A_291 = vector.shape_cast %parallel_loop3A_286 : vector<16xf32> to vector<1x16xf32>
      tpu.vector_store %arg8[%parallel_loop3A_287, %parallel_loop3A_288], %parallel_loop3A_291 {strides = array<i32>} : memref<128x128xf32, #tpu.memory_space<vmem>>, vector<1x16xf32>,
      %parallel_loop3A_292 = arith.index_cast %parallel_loop3A_215 : i32 to index
      %parallel_loop3A_293 = arith.constant 64 : index
      %parallel_loop3A_294 = tpu.vector_load %arg8[%parallel_loop3A_292, %parallel_loop3A_293] {strides = array<i32>} : memref<128x128xf32, #tpu.memory_space<vmem>>, vector<1x16xf32>,
      %parallel_loop3A_295 = vector.shape_cast %parallel_loop3A_294 : vector<1x16xf32> to vector<16xf32>
      %parallel_loop3A_296 = arith.index_cast %parallel_loop3A_215 : i32 to index
      %parallel_loop3A_297 = arith.constant 64 : index
      %parallel_loop3A_298 = tpu.vector_load %arg12[%parallel_loop3A_296, %parallel_loop3A_297] {strides = array<i32>} : memref<128x128xf32, #tpu.memory_space<vmem>>, vector<1x16xf32>,
      %parallel_loop3A_299 = vector.shape_cast %parallel_loop3A_298 : vector<1x16xf32> to vector<16xf32>
      %parallel_loop3A_300 = arith.mulf %parallel_loop3A_295, %parallel_loop3A_299 : vector<16xf32>
      %parallel_loop3A_301 = arith.index_cast %parallel_loop3A_215 : i32 to index
      %parallel_loop3A_302 = arith.constant 64 : index
      %parallel_loop3A_303 = tpu.vector_load %arg10[%parallel_loop3A_301, %parallel_loop3A_302] {strides = array<i32>} : memref<128x128xf32, #tpu.memory_space<vmem>>, vector<1x16xf32>,
      %parallel_loop3A_304 = vector.shape_cast %parallel_loop3A_303 : vector<1x16xf32> to vector<16xf32>
      %parallel_loop3A_305 = arith.addf %parallel_loop3A_300, %parallel_loop3A_304 : vector<16xf32>
      %parallel_loop3A_306 = arith.index_cast %parallel_loop3A_215 : i32 to index
      %parallel_loop3A_307 = arith.constant 64 : index
      %parallel_loop3A_308 = tpu.vector_load %arg8[%parallel_loop3A_306, %parallel_loop3A_307] {strides = array<i32>} : memref<128x128xf32, #tpu.memory_space<vmem>>, vector<1x16xf32>,
      %parallel_loop3A_309 = vector.shape_cast %parallel_loop3A_308 : vector<1x16xf32> to vector<16xf32>
      %parallel_loop3A_310 = vector.shape_cast %parallel_loop3A_305 : vector<16xf32> to vector<1x16xf32>
      tpu.vector_store %arg8[%parallel_loop3A_306, %parallel_loop3A_307], %parallel_loop3A_310 {strides = array<i32>} : memref<128x128xf32, #tpu.memory_space<vmem>>, vector<1x16xf32>,
      %parallel_loop3A_311 = arith.index_cast %parallel_loop3A_215 : i32 to index
      %parallel_loop3A_312 = arith.constant 80 : index
      %parallel_loop3A_313 = tpu.vector_load %arg8[%parallel_loop3A_311, %parallel_loop3A_312] {strides = array<i32>} : memref<128x128xf32, #tpu.memory_space<vmem>>, vector<1x16xf32>,
      %parallel_loop3A_314 = vector.shape_cast %parallel_loop3A_313 : vector<1x16xf32> to vector<16xf32>
      %parallel_loop3A_315 = arith.index_cast %parallel_loop3A_215 : i32 to index
      %parallel_loop3A_316 = arith.constant 80 : index
      %parallel_loop3A_317 = tpu.vector_load %arg12[%parallel_loop3A_315, %parallel_loop3A_316] {strides = array<i32>} : memref<128x128xf32, #tpu.memory_space<vmem>>, vector<1x16xf32>,
      %parallel_loop3A_318 = vector.shape_cast %parallel_loop3A_317 : vector<1x16xf32> to vector<16xf32>
      %parallel_loop3A_319 = arith.mulf %parallel_loop3A_314, %parallel_loop3A_318 : vector<16xf32>
      %parallel_loop3A_320 = arith.index_cast %parallel_loop3A_215 : i32 to index
      %parallel_loop3A_321 = arith.constant 80 : index
      %parallel_loop3A_322 = tpu.vector_load %arg10[%parallel_loop3A_320, %parallel_loop3A_321] {strides = array<i32>} : memref<128x128xf32, #tpu.memory_space<vmem>>, vector<1x16xf32>,
      %parallel_loop3A_323 = vector.shape_cast %parallel_loop3A_322 : vector<1x16xf32> to vector<16xf32>
      %parallel_loop3A_324 = arith.addf %parallel_loop3A_319, %parallel_loop3A_323 : vector<16xf32>
      %parallel_loop3A_325 = arith.index_cast %parallel_loop3A_215 : i32 to index
      %parallel_loop3A_326 = arith.constant 80 : index
      %parallel_loop3A_327 = tpu.vector_load %arg8[%parallel_loop3A_325, %parallel_loop3A_326] {strides = array<i32>} : memref<128x128xf32, #tpu.memory_space<vmem>>, vector<1x16xf32>,
      %parallel_loop3A_328 = vector.shape_cast %parallel_loop3A_327 : vector<1x16xf32> to vector<16xf32>
      %parallel_loop3A_329 = vector.shape_cast %parallel_loop3A_324 : vector<16xf32> to vector<1x16xf32>
      tpu.vector_store %arg8[%parallel_loop3A_325, %parallel_loop3A_326], %parallel_loop3A_329 {strides = array<i32>} : memref<128x128xf32, #tpu.memory_space<vmem>>, vector<1x16xf32>,
      %parallel_loop3A_330 = arith.index_cast %parallel_loop3A_215 : i32 to index
      %parallel_loop3A_331 = arith.constant 96 : index
      %parallel_loop3A_332 = tpu.vector_load %arg8[%parallel_loop3A_330, %parallel_loop3A_331] {strides = array<i32>} : memref<128x128xf32, #tpu.memory_space<vmem>>, vector<1x16xf32>,
      %parallel_loop3A_333 = vector.shape_cast %parallel_loop3A_332 : vector<1x16xf32> to vector<16xf32>
      %parallel_loop3A_334 = arith.index_cast %parallel_loop3A_215 : i32 to index
      %parallel_loop3A_335 = arith.constant 96 : index
      %parallel_loop3A_336 = tpu.vector_load %arg12[%parallel_loop3A_334, %parallel_loop3A_335] {strides = array<i32>} : memref<128x128xf32, #tpu.memory_space<vmem>>, vector<1x16xf32>,
      %parallel_loop3A_337 = vector.shape_cast %parallel_loop3A_336 : vector<1x16xf32> to vector<16xf32>
      %parallel_loop3A_338 = arith.mulf %parallel_loop3A_333, %parallel_loop3A_337 : vector<16xf32>
      %parallel_loop3A_339 = arith.index_cast %parallel_loop3A_215 : i32 to index
      %parallel_loop3A_340 = arith.constant 96 : index
      %parallel_loop3A_341 = tpu.vector_load %arg10[%parallel_loop3A_339, %parallel_loop3A_340] {strides = array<i32>} : memref<128x128xf32, #tpu.memory_space<vmem>>, vector<1x16xf32>,
      %parallel_loop3A_342 = vector.shape_cast %parallel_loop3A_341 : vector<1x16xf32> to vector<16xf32>
      %parallel_loop3A_343 = arith.addf %parallel_loop3A_338, %parallel_loop3A_342 : vector<16xf32>
      %parallel_loop3A_344 = arith.index_cast %parallel_loop3A_215 : i32 to index
      %parallel_loop3A_345 = arith.constant 96 : index
      %parallel_loop3A_346 = tpu.vector_load %arg8[%parallel_loop3A_344, %parallel_loop3A_345] {strides = array<i32>} : memref<128x128xf32, #tpu.memory_space<vmem>>, vector<1x16xf32>,
      %parallel_loop3A_347 = vector.shape_cast %parallel_loop3A_346 : vector<1x16xf32> to vector<16xf32>
      %parallel_loop3A_348 = vector.shape_cast %parallel_loop3A_343 : vector<16xf32> to vector<1x16xf32>
      tpu.vector_store %arg8[%parallel_loop3A_344, %parallel_loop3A_345], %parallel_loop3A_348 {strides = array<i32>} : memref<128x128xf32, #tpu.memory_space<vmem>>, vector<1x16xf32>,
      %parallel_loop3A_349 = arith.index_cast %parallel_loop3A_215 : i32 to index
      %parallel_loop3A_350 = arith.constant 112 : index
      %parallel_loop3A_351 = tpu.vector_load %arg8[%parallel_loop3A_349, %parallel_loop3A_350] {strides = array<i32>} : memref<128x128xf32, #tpu.memory_space<vmem>>, vector<1x16xf32>,
      %parallel_loop3A_352 = vector.shape_cast %parallel_loop3A_351 : vector<1x16xf32> to vector<16xf32>
      %parallel_loop3A_353 = arith.index_cast %parallel_loop3A_215 : i32 to index
      %parallel_loop3A_354 = arith.constant 112 : index
      %parallel_loop3A_355 = tpu.vector_load %arg12[%parallel_loop3A_353, %parallel_loop3A_354] {strides = array<i32>} : memref<128x128xf32, #tpu.memory_space<vmem>>, vector<1x16xf32>,
      %parallel_loop3A_356 = vector.shape_cast %parallel_loop3A_355 : vector<1x16xf32> to vector<16xf32>
      %parallel_loop3A_357 = arith.mulf %parallel_loop3A_352, %parallel_loop3A_356 : vector<16xf32>
      %parallel_loop3A_358 = arith.index_cast %parallel_loop3A_215 : i32 to index
      %parallel_loop3A_359 = arith.constant 112 : index
      %parallel_loop3A_360 = tpu.vector_load %arg10[%parallel_loop3A_358, %parallel_loop3A_359] {strides = array<i32>} : memref<128x128xf32, #tpu.memory_space<vmem>>, vector<1x16xf32>,
      %parallel_loop3A_361 = vector.shape_cast %parallel_loop3A_360 : vector<1x16xf32> to vector<16xf32>
      %parallel_loop3A_362 = arith.addf %parallel_loop3A_357, %parallel_loop3A_361 : vector<16xf32>
      %parallel_loop3A_363 = arith.index_cast %parallel_loop3A_215 : i32 to index
      %parallel_loop3A_364 = arith.constant 112 : index
      %parallel_loop3A_365 = tpu.vector_load %arg8[%parallel_loop3A_363, %parallel_loop3A_364] {strides = array<i32>} : memref<128x128xf32, #tpu.memory_space<vmem>>, vector<1x16xf32>,
      %parallel_loop3A_366 = vector.shape_cast %parallel_loop3A_365 : vector<1x16xf32> to vector<16xf32>
      %parallel_loop3A_367 = vector.shape_cast %parallel_loop3A_362 : vector<16xf32> to vector<1x16xf32>
      tpu.vector_store %arg8[%parallel_loop3A_363, %parallel_loop3A_364], %parallel_loop3A_367 {strides = array<i32>} : memref<128x128xf32, #tpu.memory_space<vmem>>, vector<1x16xf32>,
    } {sc.loop_unroll_factor = 4 : i64, sc.parallel_access}
    %add3A_174 = arith.constant 256 : i32
    %add3A_175 = arith.addi %mul3A_2, %add3A_174 : i32
    %dma_start3A_176 = arith.constant 0 : i32
    %dma_start3A_177 = tpu.memref_slice %arg6[%add3A_175, %dma_start3A_176] : memref<16384x128xf32, #tpu.memory_space<hbm>> -> memref<128x128xf32, #tpu.memory_space<hbm>>
    %dma_start3A_178 = arith.constant 0 : i32
    %dma_start3A_179 = tpu.memref_slice %arg6[%add3A_175, %dma_start3A_178] : memref<16384x128xf32, #tpu.memory_space<hbm>> -> memref<128x128xf32, #tpu.memory_space<hbm>>
    tpu.enqueue_dma source(%arg8 : memref<128x128xf32, #tpu.memory_space<vmem>>) target(%dma_start3A_179 : memref<128x128xf32, #tpu.memory_space<hbm>>) target_semaphore(%arg20 : memref<!tpu.dma_semaphore, #tpu.memory_space<semaphore_mem>>)
    %dma_wait3A_180 = arith.constant 3 : i32
    %dma_wait3A_181 = arith.constant 0 : i32
    %dma_wait3A_182 = tpu.memref_slice %arg7[%dma_wait3A_180, %dma_wait3A_181] : memref<4x128xi32, #tpu.memory_space<vmem>> -> memref<1x128xi32, #tpu.memory_space<vmem>>
    %dma_wait3A_183 = tpu.memref_squeeze %dma_wait3A_182 : memref<1x128xi32, #tpu.memory_space<vmem>> -> memref<128xi32, #tpu.memory_space<vmem>>
    %dma_wait3A_184 = arith.constant 0 : i32
    %dma_wait3A_185 = arith.constant 0 : i32
    %dma_wait3A_186 = tpu.memref_slice %arg4[%dma_wait3A_184, %dma_wait3A_185] : memref<100000x128xf32, #tpu.memory_space<hbm>> -> memref<100000x128xf32, #tpu.memory_space<hbm>>
    tpu.wait_indirect_dma semaphore(%arg15 : memref<!tpu.dma_semaphore, #tpu.memory_space<semaphore_mem>>) src(%dma_wait3A_186 : memref<100000x128xf32, #tpu.memory_space<hbm>>) dst(%arg9 : memref<128x128xf32, #tpu.memory_space<vmem>>)
    %dma_wait3A_187 = arith.constant 3 : i32
    %dma_wait3A_188 = arith.constant 0 : i32
    %dma_wait3A_189 = tpu.memref_slice %arg7[%dma_wait3A_187, %dma_wait3A_188] : memref<4x128xi32, #tpu.memory_space<vmem>> -> memref<1x128xi32, #tpu.memory_space<vmem>>
    %dma_wait3A_190 = tpu.memref_squeeze %dma_wait3A_189 : memref<1x128xi32, #tpu.memory_space<vmem>> -> memref<128xi32, #tpu.memory_space<vmem>>
    %dma_wait3A_191 = arith.constant 0 : i32
    %dma_wait3A_192 = arith.constant 0 : i32
    %dma_wait3A_193 = tpu.memref_slice %arg5[%dma_wait3A_191, %dma_wait3A_192] : memref<100000x128xf32, #tpu.memory_space<hbm>> -> memref<100000x128xf32, #tpu.memory_space<hbm>>
    tpu.wait_indirect_dma semaphore(%arg17 : memref<!tpu.dma_semaphore, #tpu.memory_space<semaphore_mem>>) src(%dma_wait3A_193 : memref<100000x128xf32, #tpu.memory_space<hbm>>) dst(%arg11 : memref<128x128xf32, #tpu.memory_space<vmem>>)
    %dma_wait3A_194 = arith.constant 0 : i32
    %dma_wait3A_195 = tpu.memref_slice %arg2[%add3A_134, %dma_wait3A_194] : memref<16384x128xf32, #tpu.memory_space<hbm>> -> memref<128x128xf32, #tpu.memory_space<hbm>>
    %dma_wait3A_196 = arith.constant 0 : i32
    %dma_wait3A_197 = tpu.memref_slice %arg2[%add3A_134, %dma_wait3A_196] : memref<16384x128xf32, #tpu.memory_space<hbm>> -> memref<128x128xf32, #tpu.memory_space<hbm>>
    tpu.wait_dma2 semaphore(%arg19 : memref<!tpu.dma_semaphore, #tpu.memory_space<semaphore_mem>>) src(%dma_wait3A_197 : memref<128x128xf32, #tpu.memory_space<hbm>>) dst(%arg13 : memref<128x128xf32, #tpu.memory_space<vmem>>)
    %parallel_loop3A_198 = arith.constant 0 : i32
    %parallel_loop3A_199 = arith.constant 128 : i32
    %parallel_loop3A_200 = arith.constant 1 : i32
    scf.for %parallel_loop3A_215 = %parallel_loop3A_198 to %parallel_loop3A_199 step %parallel_loop3A_200  : i32 {
      %parallel_loop3A_216 = arith.index_cast %parallel_loop3A_215 : i32 to index
      %parallel_loop3A_217 = arith.constant 0 : index
      %parallel_loop3A_218 = tpu.vector_load %arg9[%parallel_loop3A_216, %parallel_loop3A_217] {strides = array<i32>} : memref<128x128xf32, #tpu.memory_space<vmem>>, vector<1x16xf32>,
      %parallel_loop3A_219 = vector.shape_cast %parallel_loop3A_218 : vector<1x16xf32> to vector<16xf32>
      %parallel_loop3A_220 = arith.index_cast %parallel_loop3A_215 : i32 to index
      %parallel_loop3A_221 = arith.constant 0 : index
      %parallel_loop3A_222 = tpu.vector_load %arg13[%parallel_loop3A_220, %parallel_loop3A_221] {strides = array<i32>} : memref<128x128xf32, #tpu.memory_space<vmem>>, vector<1x16xf32>,
      %parallel_loop3A_223 = vector.shape_cast %parallel_loop3A_222 : vector<1x16xf32> to vector<16xf32>
      %parallel_loop3A_224 = arith.mulf %parallel_loop3A_219, %parallel_loop3A_223 : vector<16xf32>
      %parallel_loop3A_225 = arith.index_cast %parallel_loop3A_215 : i32 to index
      %parallel_loop3A_226 = arith.constant 0 : index
      %parallel_loop3A_227 = tpu.vector_load %arg11[%parallel_loop3A_225, %parallel_loop3A_226] {strides = array<i32>} : memref<128x128xf32, #tpu.memory_space<vmem>>, vector<1x16xf32>,
      %parallel_loop3A_228 = vector.shape_cast %parallel_loop3A_227 : vector<1x16xf32> to vector<16xf32>
      %parallel_loop3A_229 = arith.addf %parallel_loop3A_224, %parallel_loop3A_228 : vector<16xf32>
      %parallel_loop3A_230 = arith.index_cast %parallel_loop3A_215 : i32 to index
      %parallel_loop3A_231 = arith.constant 0 : index
      %parallel_loop3A_232 = tpu.vector_load %arg9[%parallel_loop3A_230, %parallel_loop3A_231] {strides = array<i32>} : memref<128x128xf32, #tpu.memory_space<vmem>>, vector<1x16xf32>,
      %parallel_loop3A_233 = vector.shape_cast %parallel_loop3A_232 : vector<1x16xf32> to vector<16xf32>
      %parallel_loop3A_234 = vector.shape_cast %parallel_loop3A_229 : vector<16xf32> to vector<1x16xf32>
      tpu.vector_store %arg9[%parallel_loop3A_230, %parallel_loop3A_231], %parallel_loop3A_234 {strides = array<i32>} : memref<128x128xf32, #tpu.memory_space<vmem>>, vector<1x16xf32>,
      %parallel_loop3A_235 = arith.index_cast %parallel_loop3A_215 : i32 to index
      %parallel_loop3A_236 = arith.constant 16 : index
      %parallel_loop3A_237 = tpu.vector_load %arg9[%parallel_loop3A_235, %parallel_loop3A_236] {strides = array<i32>} : memref<128x128xf32, #tpu.memory_space<vmem>>, vector<1x16xf32>,
      %parallel_loop3A_238 = vector.shape_cast %parallel_loop3A_237 : vector<1x16xf32> to vector<16xf32>
      %parallel_loop3A_239 = arith.index_cast %parallel_loop3A_215 : i32 to index
      %parallel_loop3A_240 = arith.constant 16 : index
      %parallel_loop3A_241 = tpu.vector_load %arg13[%parallel_loop3A_239, %parallel_loop3A_240] {strides = array<i32>} : memref<128x128xf32, #tpu.memory_space<vmem>>, vector<1x16xf32>,
      %parallel_loop3A_242 = vector.shape_cast %parallel_loop3A_241 : vector<1x16xf32> to vector<16xf32>
      %parallel_loop3A_243 = arith.mulf %parallel_loop3A_238, %parallel_loop3A_242 : vector<16xf32>
      %parallel_loop3A_244 = arith.index_cast %parallel_loop3A_215 : i32 to index
      %parallel_loop3A_245 = arith.constant 16 : index
      %parallel_loop3A_246 = tpu.vector_load %arg11[%parallel_loop3A_244, %parallel_loop3A_245] {strides = array<i32>} : memref<128x128xf32, #tpu.memory_space<vmem>>, vector<1x16xf32>,
      %parallel_loop3A_247 = vector.shape_cast %parallel_loop3A_246 : vector<1x16xf32> to vector<16xf32>
      %parallel_loop3A_248 = arith.addf %parallel_loop3A_243, %parallel_loop3A_247 : vector<16xf32>
      %parallel_loop3A_249 = arith.index_cast %parallel_loop3A_215 : i32 to index
      %parallel_loop3A_250 = arith.constant 16 : index
      %parallel_loop3A_251 = tpu.vector_load %arg9[%parallel_loop3A_249, %parallel_loop3A_250] {strides = array<i32>} : memref<128x128xf32, #tpu.memory_space<vmem>>, vector<1x16xf32>,
      %parallel_loop3A_252 = vector.shape_cast %parallel_loop3A_251 : vector<1x16xf32> to vector<16xf32>
      %parallel_loop3A_253 = vector.shape_cast %parallel_loop3A_248 : vector<16xf32> to vector<1x16xf32>
      tpu.vector_store %arg9[%parallel_loop3A_249, %parallel_loop3A_250], %parallel_loop3A_253 {strides = array<i32>} : memref<128x128xf32, #tpu.memory_space<vmem>>, vector<1x16xf32>,
      %parallel_loop3A_254 = arith.index_cast %parallel_loop3A_215 : i32 to index
      %parallel_loop3A_255 = arith.constant 32 : index
      %parallel_loop3A_256 = tpu.vector_load %arg9[%parallel_loop3A_254, %parallel_loop3A_255] {strides = array<i32>} : memref<128x128xf32, #tpu.memory_space<vmem>>, vector<1x16xf32>,
      %parallel_loop3A_257 = vector.shape_cast %parallel_loop3A_256 : vector<1x16xf32> to vector<16xf32>
      %parallel_loop3A_258 = arith.index_cast %parallel_loop3A_215 : i32 to index
      %parallel_loop3A_259 = arith.constant 32 : index
      %parallel_loop3A_260 = tpu.vector_load %arg13[%parallel_loop3A_258, %parallel_loop3A_259] {strides = array<i32>} : memref<128x128xf32, #tpu.memory_space<vmem>>, vector<1x16xf32>,
      %parallel_loop3A_261 = vector.shape_cast %parallel_loop3A_260 : vector<1x16xf32> to vector<16xf32>
      %parallel_loop3A_262 = arith.mulf %parallel_loop3A_257, %parallel_loop3A_261 : vector<16xf32>
      %parallel_loop3A_263 = arith.index_cast %parallel_loop3A_215 : i32 to index
      %parallel_loop3A_264 = arith.constant 32 : index
      %parallel_loop3A_265 = tpu.vector_load %arg11[%parallel_loop3A_263, %parallel_loop3A_264] {strides = array<i32>} : memref<128x128xf32, #tpu.memory_space<vmem>>, vector<1x16xf32>,
      %parallel_loop3A_266 = vector.shape_cast %parallel_loop3A_265 : vector<1x16xf32> to vector<16xf32>
      %parallel_loop3A_267 = arith.addf %parallel_loop3A_262, %parallel_loop3A_266 : vector<16xf32>
      %parallel_loop3A_268 = arith.index_cast %parallel_loop3A_215 : i32 to index
      %parallel_loop3A_269 = arith.constant 32 : index
      %parallel_loop3A_270 = tpu.vector_load %arg9[%parallel_loop3A_268, %parallel_loop3A_269] {strides = array<i32>} : memref<128x128xf32, #tpu.memory_space<vmem>>, vector<1x16xf32>,
      %parallel_loop3A_271 = vector.shape_cast %parallel_loop3A_270 : vector<1x16xf32> to vector<16xf32>
      %parallel_loop3A_272 = vector.shape_cast %parallel_loop3A_267 : vector<16xf32> to vector<1x16xf32>
      tpu.vector_store %arg9[%parallel_loop3A_268, %parallel_loop3A_269], %parallel_loop3A_272 {strides = array<i32>} : memref<128x128xf32, #tpu.memory_space<vmem>>, vector<1x16xf32>,
      %parallel_loop3A_273 = arith.index_cast %parallel_loop3A_215 : i32 to index
      %parallel_loop3A_274 = arith.constant 48 : index
      %parallel_loop3A_275 = tpu.vector_load %arg9[%parallel_loop3A_273, %parallel_loop3A_274] {strides = array<i32>} : memref<128x128xf32, #tpu.memory_space<vmem>>, vector<1x16xf32>,
      %parallel_loop3A_276 = vector.shape_cast %parallel_loop3A_275 : vector<1x16xf32> to vector<16xf32>
      %parallel_loop3A_277 = arith.index_cast %parallel_loop3A_215 : i32 to index
      %parallel_loop3A_278 = arith.constant 48 : index
      %parallel_loop3A_279 = tpu.vector_load %arg13[%parallel_loop3A_277, %parallel_loop3A_278] {strides = array<i32>} : memref<128x128xf32, #tpu.memory_space<vmem>>, vector<1x16xf32>,
      %parallel_loop3A_280 = vector.shape_cast %parallel_loop3A_279 : vector<1x16xf32> to vector<16xf32>
      %parallel_loop3A_281 = arith.mulf %parallel_loop3A_276, %parallel_loop3A_280 : vector<16xf32>
      %parallel_loop3A_282 = arith.index_cast %parallel_loop3A_215 : i32 to index
      %parallel_loop3A_283 = arith.constant 48 : index
      %parallel_loop3A_284 = tpu.vector_load %arg11[%parallel_loop3A_282, %parallel_loop3A_283] {strides = array<i32>} : memref<128x128xf32, #tpu.memory_space<vmem>>, vector<1x16xf32>,
      %parallel_loop3A_285 = vector.shape_cast %parallel_loop3A_284 : vector<1x16xf32> to vector<16xf32>
      %parallel_loop3A_286 = arith.addf %parallel_loop3A_281, %parallel_loop3A_285 : vector<16xf32>
      %parallel_loop3A_287 = arith.index_cast %parallel_loop3A_215 : i32 to index
      %parallel_loop3A_288 = arith.constant 48 : index
      %parallel_loop3A_289 = tpu.vector_load %arg9[%parallel_loop3A_287, %parallel_loop3A_288] {strides = array<i32>} : memref<128x128xf32, #tpu.memory_space<vmem>>, vector<1x16xf32>,
      %parallel_loop3A_290 = vector.shape_cast %parallel_loop3A_289 : vector<1x16xf32> to vector<16xf32>
      %parallel_loop3A_291 = vector.shape_cast %parallel_loop3A_286 : vector<16xf32> to vector<1x16xf32>
      tpu.vector_store %arg9[%parallel_loop3A_287, %parallel_loop3A_288], %parallel_loop3A_291 {strides = array<i32>} : memref<128x128xf32, #tpu.memory_space<vmem>>, vector<1x16xf32>,
      %parallel_loop3A_292 = arith.index_cast %parallel_loop3A_215 : i32 to index
      %parallel_loop3A_293 = arith.constant 64 : index
      %parallel_loop3A_294 = tpu.vector_load %arg9[%parallel_loop3A_292, %parallel_loop3A_293] {strides = array<i32>} : memref<128x128xf32, #tpu.memory_space<vmem>>, vector<1x16xf32>,
      %parallel_loop3A_295 = vector.shape_cast %parallel_loop3A_294 : vector<1x16xf32> to vector<16xf32>
      %parallel_loop3A_296 = arith.index_cast %parallel_loop3A_215 : i32 to index
      %parallel_loop3A_297 = arith.constant 64 : index
      %parallel_loop3A_298 = tpu.vector_load %arg13[%parallel_loop3A_296, %parallel_loop3A_297] {strides = array<i32>} : memref<128x128xf32, #tpu.memory_space<vmem>>, vector<1x16xf32>,
      %parallel_loop3A_299 = vector.shape_cast %parallel_loop3A_298 : vector<1x16xf32> to vector<16xf32>
      %parallel_loop3A_300 = arith.mulf %parallel_loop3A_295, %parallel_loop3A_299 : vector<16xf32>
      %parallel_loop3A_301 = arith.index_cast %parallel_loop3A_215 : i32 to index
      %parallel_loop3A_302 = arith.constant 64 : index
      %parallel_loop3A_303 = tpu.vector_load %arg11[%parallel_loop3A_301, %parallel_loop3A_302] {strides = array<i32>} : memref<128x128xf32, #tpu.memory_space<vmem>>, vector<1x16xf32>,
      %parallel_loop3A_304 = vector.shape_cast %parallel_loop3A_303 : vector<1x16xf32> to vector<16xf32>
      %parallel_loop3A_305 = arith.addf %parallel_loop3A_300, %parallel_loop3A_304 : vector<16xf32>
      %parallel_loop3A_306 = arith.index_cast %parallel_loop3A_215 : i32 to index
      %parallel_loop3A_307 = arith.constant 64 : index
      %parallel_loop3A_308 = tpu.vector_load %arg9[%parallel_loop3A_306, %parallel_loop3A_307] {strides = array<i32>} : memref<128x128xf32, #tpu.memory_space<vmem>>, vector<1x16xf32>,
      %parallel_loop3A_309 = vector.shape_cast %parallel_loop3A_308 : vector<1x16xf32> to vector<16xf32>
      %parallel_loop3A_310 = vector.shape_cast %parallel_loop3A_305 : vector<16xf32> to vector<1x16xf32>
      tpu.vector_store %arg9[%parallel_loop3A_306, %parallel_loop3A_307], %parallel_loop3A_310 {strides = array<i32>} : memref<128x128xf32, #tpu.memory_space<vmem>>, vector<1x16xf32>,
      %parallel_loop3A_311 = arith.index_cast %parallel_loop3A_215 : i32 to index
      %parallel_loop3A_312 = arith.constant 80 : index
      %parallel_loop3A_313 = tpu.vector_load %arg9[%parallel_loop3A_311, %parallel_loop3A_312] {strides = array<i32>} : memref<128x128xf32, #tpu.memory_space<vmem>>, vector<1x16xf32>,
      %parallel_loop3A_314 = vector.shape_cast %parallel_loop3A_313 : vector<1x16xf32> to vector<16xf32>
      %parallel_loop3A_315 = arith.index_cast %parallel_loop3A_215 : i32 to index
      %parallel_loop3A_316 = arith.constant 80 : index
      %parallel_loop3A_317 = tpu.vector_load %arg13[%parallel_loop3A_315, %parallel_loop3A_316] {strides = array<i32>} : memref<128x128xf32, #tpu.memory_space<vmem>>, vector<1x16xf32>,
      %parallel_loop3A_318 = vector.shape_cast %parallel_loop3A_317 : vector<1x16xf32> to vector<16xf32>
      %parallel_loop3A_319 = arith.mulf %parallel_loop3A_314, %parallel_loop3A_318 : vector<16xf32>
      %parallel_loop3A_320 = arith.index_cast %parallel_loop3A_215 : i32 to index
      %parallel_loop3A_321 = arith.constant 80 : index
      %parallel_loop3A_322 = tpu.vector_load %arg11[%parallel_loop3A_320, %parallel_loop3A_321] {strides = array<i32>} : memref<128x128xf32, #tpu.memory_space<vmem>>, vector<1x16xf32>,
      %parallel_loop3A_323 = vector.shape_cast %parallel_loop3A_322 : vector<1x16xf32> to vector<16xf32>
      %parallel_loop3A_324 = arith.addf %parallel_loop3A_319, %parallel_loop3A_323 : vector<16xf32>
      %parallel_loop3A_325 = arith.index_cast %parallel_loop3A_215 : i32 to index
      %parallel_loop3A_326 = arith.constant 80 : index
      %parallel_loop3A_327 = tpu.vector_load %arg9[%parallel_loop3A_325, %parallel_loop3A_326] {strides = array<i32>} : memref<128x128xf32, #tpu.memory_space<vmem>>, vector<1x16xf32>,
      %parallel_loop3A_328 = vector.shape_cast %parallel_loop3A_327 : vector<1x16xf32> to vector<16xf32>
      %parallel_loop3A_329 = vector.shape_cast %parallel_loop3A_324 : vector<16xf32> to vector<1x16xf32>
      tpu.vector_store %arg9[%parallel_loop3A_325, %parallel_loop3A_326], %parallel_loop3A_329 {strides = array<i32>} : memref<128x128xf32, #tpu.memory_space<vmem>>, vector<1x16xf32>,
      %parallel_loop3A_330 = arith.index_cast %parallel_loop3A_215 : i32 to index
      %parallel_loop3A_331 = arith.constant 96 : index
      %parallel_loop3A_332 = tpu.vector_load %arg9[%parallel_loop3A_330, %parallel_loop3A_331] {strides = array<i32>} : memref<128x128xf32, #tpu.memory_space<vmem>>, vector<1x16xf32>,
      %parallel_loop3A_333 = vector.shape_cast %parallel_loop3A_332 : vector<1x16xf32> to vector<16xf32>
      %parallel_loop3A_334 = arith.index_cast %parallel_loop3A_215 : i32 to index
      %parallel_loop3A_335 = arith.constant 96 : index
      %parallel_loop3A_336 = tpu.vector_load %arg13[%parallel_loop3A_334, %parallel_loop3A_335] {strides = array<i32>} : memref<128x128xf32, #tpu.memory_space<vmem>>, vector<1x16xf32>,
      %parallel_loop3A_337 = vector.shape_cast %parallel_loop3A_336 : vector<1x16xf32> to vector<16xf32>
      %parallel_loop3A_338 = arith.mulf %parallel_loop3A_333, %parallel_loop3A_337 : vector<16xf32>
      %parallel_loop3A_339 = arith.index_cast %parallel_loop3A_215 : i32 to index
      %parallel_loop3A_340 = arith.constant 96 : index
      %parallel_loop3A_341 = tpu.vector_load %arg11[%parallel_loop3A_339, %parallel_loop3A_340] {strides = array<i32>} : memref<128x128xf32, #tpu.memory_space<vmem>>, vector<1x16xf32>,
      %parallel_loop3A_342 = vector.shape_cast %parallel_loop3A_341 : vector<1x16xf32> to vector<16xf32>
      %parallel_loop3A_343 = arith.addf %parallel_loop3A_338, %parallel_loop3A_342 : vector<16xf32>
      %parallel_loop3A_344 = arith.index_cast %parallel_loop3A_215 : i32 to index
      %parallel_loop3A_345 = arith.constant 96 : index
      %parallel_loop3A_346 = tpu.vector_load %arg9[%parallel_loop3A_344, %parallel_loop3A_345] {strides = array<i32>} : memref<128x128xf32, #tpu.memory_space<vmem>>, vector<1x16xf32>,
      %parallel_loop3A_347 = vector.shape_cast %parallel_loop3A_346 : vector<1x16xf32> to vector<16xf32>
      %parallel_loop3A_348 = vector.shape_cast %parallel_loop3A_343 : vector<16xf32> to vector<1x16xf32>
      tpu.vector_store %arg9[%parallel_loop3A_344, %parallel_loop3A_345], %parallel_loop3A_348 {strides = array<i32>} : memref<128x128xf32, #tpu.memory_space<vmem>>, vector<1x16xf32>,
      %parallel_loop3A_349 = arith.index_cast %parallel_loop3A_215 : i32 to index
      %parallel_loop3A_350 = arith.constant 112 : index
      %parallel_loop3A_351 = tpu.vector_load %arg9[%parallel_loop3A_349, %parallel_loop3A_350] {strides = array<i32>} : memref<128x128xf32, #tpu.memory_space<vmem>>, vector<1x16xf32>,
      %parallel_loop3A_352 = vector.shape_cast %parallel_loop3A_351 : vector<1x16xf32> to vector<16xf32>
      %parallel_loop3A_353 = arith.index_cast %parallel_loop3A_215 : i32 to index
      %parallel_loop3A_354 = arith.constant 112 : index
      %parallel_loop3A_355 = tpu.vector_load %arg13[%parallel_loop3A_353, %parallel_loop3A_354] {strides = array<i32>} : memref<128x128xf32, #tpu.memory_space<vmem>>, vector<1x16xf32>,
      %parallel_loop3A_356 = vector.shape_cast %parallel_loop3A_355 : vector<1x16xf32> to vector<16xf32>
      %parallel_loop3A_357 = arith.mulf %parallel_loop3A_352, %parallel_loop3A_356 : vector<16xf32>
      %parallel_loop3A_358 = arith.index_cast %parallel_loop3A_215 : i32 to index
      %parallel_loop3A_359 = arith.constant 112 : index
      %parallel_loop3A_360 = tpu.vector_load %arg11[%parallel_loop3A_358, %parallel_loop3A_359] {strides = array<i32>} : memref<128x128xf32, #tpu.memory_space<vmem>>, vector<1x16xf32>,
      %parallel_loop3A_361 = vector.shape_cast %parallel_loop3A_360 : vector<1x16xf32> to vector<16xf32>
      %parallel_loop3A_362 = arith.addf %parallel_loop3A_357, %parallel_loop3A_361 : vector<16xf32>
      %parallel_loop3A_363 = arith.index_cast %parallel_loop3A_215 : i32 to index
      %parallel_loop3A_364 = arith.constant 112 : index
      %parallel_loop3A_365 = tpu.vector_load %arg9[%parallel_loop3A_363, %parallel_loop3A_364] {strides = array<i32>} : memref<128x128xf32, #tpu.memory_space<vmem>>, vector<1x16xf32>,
      %parallel_loop3A_366 = vector.shape_cast %parallel_loop3A_365 : vector<1x16xf32> to vector<16xf32>
      %parallel_loop3A_367 = vector.shape_cast %parallel_loop3A_362 : vector<16xf32> to vector<1x16xf32>
      tpu.vector_store %arg9[%parallel_loop3A_363, %parallel_loop3A_364], %parallel_loop3A_367 {strides = array<i32>} : memref<128x128xf32, #tpu.memory_space<vmem>>, vector<1x16xf32>,
    } {sc.loop_unroll_factor = 4 : i64, sc.parallel_access}
    %add3A_201 = arith.constant 384 : i32
    %add3A_202 = arith.addi %mul3A_2, %add3A_201 : i32
    %dma_start3A_203 = arith.constant 0 : i32
    %dma_start3A_204 = tpu.memref_slice %arg6[%add3A_202, %dma_start3A_203] : memref<16384x128xf32, #tpu.memory_space<hbm>> -> memref<128x128xf32, #tpu.memory_space<hbm>>
    %dma_start3A_205 = arith.constant 0 : i32
    %dma_start3A_206 = tpu.memref_slice %arg6[%add3A_202, %dma_start3A_205] : memref<16384x128xf32, #tpu.memory_space<hbm>> -> memref<128x128xf32, #tpu.memory_space<hbm>>
    tpu.enqueue_dma source(%arg9 : memref<128x128xf32, #tpu.memory_space<vmem>>) target(%dma_start3A_206 : memref<128x128xf32, #tpu.memory_space<hbm>>) target_semaphore(%arg21 : memref<!tpu.dma_semaphore, #tpu.memory_space<semaphore_mem>>)
    %dma_wait3A_207 = arith.constant 0 : i32
    %dma_wait3A_208 = tpu.memref_slice %arg6[%add3A_175, %dma_wait3A_207] : memref<16384x128xf32, #tpu.memory_space<hbm>> -> memref<128x128xf32, #tpu.memory_space<hbm>>
    %dma_wait3A_209 = arith.constant 0 : i32
    %dma_wait3A_210 = tpu.memref_slice %arg6[%add3A_175, %dma_wait3A_209] : memref<16384x128xf32, #tpu.memory_space<hbm>> -> memref<128x128xf32, #tpu.memory_space<hbm>>
    tpu.wait_dma2 semaphore(%arg20 : memref<!tpu.dma_semaphore, #tpu.memory_space<semaphore_mem>>) src(%arg8 : memref<128x128xf32, #tpu.memory_space<vmem>>) dst(%dma_wait3A_210 : memref<128x128xf32, #tpu.memory_space<hbm>>)
    %dma_wait3A_211 = arith.constant 0 : i32
    %dma_wait3A_212 = tpu.memref_slice %arg6[%add3A_202, %dma_wait3A_211] : memref<16384x128xf32, #tpu.memory_space<hbm>> -> memref<128x128xf32, #tpu.memory_space<hbm>>
    %dma_wait3A_213 = arith.constant 0 : i32
    %dma_wait3A_214 = tpu.memref_slice %arg6[%add3A_202, %dma_wait3A_213] : memref<16384x128xf32, #tpu.memory_space<hbm>> -> memref<128x128xf32, #tpu.memory_space<hbm>>
    tpu.wait_dma2 semaphore(%arg21 : memref<!tpu.dma_semaphore, #tpu.memory_space<semaphore_mem>>) src(%arg9 : memref<128x128xf32, #tpu.memory_space<vmem>>) dst(%dma_wait3A_214 : memref<128x128xf32, #tpu.memory_space<hbm>>)
    return
  }
}

</mosaic_0001>

<sc_bundles>
// kernel: kernel.3.cloned.1.call-start
scs
__scs_entry_jumppad:
0x0: {  	(pc) =	sbr.rel $0x88, $3  }
0x1: {  	(tag) =	ssettag $0x0;
	lr =	simm.s32 $0x1  }
0x2: {  	[smem:$0x3F9D] =	sst lr;
	_ =	strace $0xD0000000  }
0x3: {  	_ = 	snop  }
0x4: {  	_ = 	snop  }
0x5: {  	_ = 	snop  }
0x6: {  	_ = 	snop  }
0x7: {  	_ = 	snop  }
__scs_overlays_trampoline_lowered:
0x8: {  	[smem:$0x3FAC] =	sst s0  }
0x9: {  	[smem:$0x3FAD] =	sst s1  }
0xa: {  	[smem:$0x3FAE] =	sst s2  }
0xb: {  	[smem:$0x3FAF] =	sst s3  }
0xc: {  	[smem:$0x3FB0] =	sst s4  }
0xd: {  	[smem:$0x3FB1] =	sst s5  }
0xe: {  	[smem:$0x3FB2] =	sst s6  }
0xf: {  	[smem:$0x3FB3] =	sst s7  }
0x10: {  	[smem:$0x3FB4] =	sst s8  }
0x11: {  	[smem:$0x3FB5] =	sst s9;
	s0 =	simm.s32 @!p0 $0x0  }
0x12: {  	s1 =	sld [smem:$0x3F9B];
	s0 =	simm.s32 @p0 $0x1  }
0x13: {  	[smem:$0x3FB6] =	sst s0;
	s0 =	simm.s32 @!p1 $0x0  }
0x14: {  	s2 =	sld [smem:$0x3F9A];
	s0 =	simm.s32 @p1 $0x1  }
0x15: {  	[smem:$0x3FB7] =	sst s0;
	s0 =	simm.s32 @!p2 $0x0  }
0x16: {  	s3 =	sld [smem:$0x3FDB];
	s0 =	simm.s32 @p2 $0x1  }
0x17: {  	s4 =	simm.s32 $0x1BF5;
	[smem:$0x3FB9] =	sst s0  }
0x18: {  	s0 =	sld [smem:$0x3F9C];
	_ =	swait.ge [sflag:s4], $0x0  }
0x19: {  	s7 =	sld [smem:$0x3F9D]  }
0x1a: {  	s8 =	sadd.s32 $0xFFFFE003, lr  }
0x1b: {  	s9 =	sadd.s32 $0xFFFFFEF7, lr;
	s5 =	simm.s32 $0xFFFFFFFF;
	p2 =	slt.u32 s8, $0xFFFFF086  }
0x1c: {  	p1 =	slt.u32 s9, $0xF7A;
	s5 =	simm.s32 @!p2 $0x0  }
0x1d: {  	s5 =	simm.s32 @p1 $0x1;
	p0 =	seq.s32 s7, s2  }
0x1e: {  	s7 =	smul.u32 @!p0 $0xF7A, s2;
	p2 =	seq.s32 @!p0 s5, $0x0  }
0x1f: {  	s9 =	smul.u32 $0xF7A, s1;
	s8 =	simm.s32 @!p0 $0x1BF5;
	p2 =	por !p2, p0  }
0x20: {  	[sflag:s8] =	ssyncset.s32 @!p0 $0xFFFFF086;
	s6 =	sadd.s32 @!p0 s3, s7;
	s7 =	simm.s32 @!p0 $0x108  }
0x21: {  	s3 =	sadd.s32 s3, s9;
	s6 =	sadd.s32 @!p0 $0x88, s6;
	s7 =	simm.s32 @p2 $0x1082  }
0x22: {  	[simem:s7], [sflag:s8] =	dma.local @!p0 [hbm:s6], $0xF7A  }
0x23: {  	s9 =	sor.u32 $0xD0000000, s2;
	s6 =	simm.s32 $0x108;
	_ =	swait.ge @!p0 [sflag:s8], $0x0  }
0x24: {  	s3 =	sadd.s32 $0x88, s3;
	s6 =	simm.s32 @!p1 $0x1082;
	[sflag:s4] =	ssyncset.s32 $0xFFFFF086  }
0x25: {  	[simem:s6], [sflag:s4] =	dma.local [hbm:s3], $0xF7A  }
0x26: {  	[smem:$0x3F9D] =	sst s1;
	(tag) =	ssettag s2;
	_ =	strace s9  }
0x27: {  	s1 =	sld [smem:$0x3FAD]  }
0x28: {  	s2 =	sld [smem:$0x3FAE]  }
0x29: {  	s4 =	sld [smem:$0x3FB0]  }
0x2a: {  	p0 =	seq.s32 s5, $0x0;
	s5 =	sld [smem:$0x3FB1]  }
0x2b: {  	s6 =	sld [smem:$0x3FB2]  }
0x2c: {  	s7 =	sld [smem:$0x3FB3]  }
0x2d: {  	s3 =	simm.s32 $0x108;
	s8 =	sld [smem:$0x3FB4]  }
0x2e: {  	s3 =	simm.s32 @!p0 $0x1082;
	s9 =	sld [smem:$0x3FB5]  }
0x2f: {  	lr =	sadd.s32 s0, s3;
	s0 =	sld [smem:$0x3FAC]  }
0x30: {  	s3 =	sld [smem:$0x3FAF]  }
0x31: {  	[smem:$0x3FB8] =	sst s10  }
0x32: {  	s10 =	sld [smem:$0x3FB6];
	_ =	sdelay $0x3  }
0x33: {  	p0 =	seq.s32 s10, $0x1;
	s10 =	sld [smem:$0x3FB8];
	_ =	sdelay $0x3  }
0x34: {  	[smem:$0x3FB8] =	sst s10  }
0x35: {  	s10 =	sld [smem:$0x3FB7];
	_ =	sdelay $0x3  }
0x36: {  	p1 =	seq.s32 s10, $0x1;
	s10 =	sld [smem:$0x3FB8];
	_ =	sdelay $0x3  }
0x37: {  	[smem:$0x3FB8] =	sst s10  }
0x38: {  	s10 =	sld [smem:$0x3FB9]  }
0x39: {  	_ = 	snop;
	(pc) =	sbr.ind lr, $3  }
0x3a: {  	_ = 	snop  }
0x3b: {  	_ = 	snop  }
0x3c: {  	p2 =	seq.s32 s10, $0x1;
	s10 =	sld [smem:$0x3FB8]  }
0x3d: {  	_ =	shalt  }
0x3e: {  	_ =	shalt  }
0x3f: {  	_ =	shalt  }
0x40: {  	_ =	shalt  }
0x41: {  	_ =	shalt  }
0x42: {  	_ =	shalt  }
0x43: {  	_ =	shalt  }
0x44: {  	_ =	shalt  }
0x45: {  	_ =	shalt  }
0x46: {  	_ =	shalt  }
0x47: {  	_ =	shalt  }
0x48: {  	_ =	shalt  }
0x49: {  	_ =	shalt  }
0x4a: {  	_ =	shalt  }
0x4b: {  	_ =	shalt  }
0x4c: {  	_ =	shalt  }
0x4d: {  	_ =	shalt  }
0x4e: {  	_ =	shalt  }
0x4f: {  	_ =	shalt  }
0x50: {  	_ =	shalt  }
0x51: {  	_ =	shalt  }
0x52: {  	_ =	shalt  }
0x53: {  	_ =	shalt  }
0x54: {  	_ =	shalt  }
0x55: {  	_ =	shalt  }
0x56: {  	_ =	shalt  }
0x57: {  	_ =	shalt  }
0x58: {  	_ =	shalt  }
0x59: {  	_ =	shalt  }
0x5a: {  	_ =	shalt  }
0x5b: {  	_ =	shalt  }
0x5c: {  	_ =	shalt  }
0x5d: {  	_ =	shalt  }
0x5e: {  	_ =	shalt  }
0x5f: {  	_ =	shalt  }
0x60: {  	_ =	shalt  }
0x61: {  	_ =	shalt  }
0x62: {  	_ =	shalt  }
0x63: {  	_ =	shalt  }
0x64: {  	_ =	shalt  }
0x65: {  	_ =	shalt  }
0x66: {  	_ =	shalt  }
0x67: {  	_ =	shalt  }
0x68: {  	_ =	shalt  }
0x69: {  	_ =	shalt  }
0x6a: {  	_ =	shalt  }
0x6b: {  	_ =	shalt  }
0x6c: {  	_ =	shalt  }
0x6d: {  	_ =	shalt  }
0x6e: {  	_ =	shalt  }
0x6f: {  	_ =	shalt  }
0x70: {  	_ =	shalt  }
0x71: {  	_ =	shalt  }
0x72: {  	_ =	shalt  }
0x73: {  	_ =	shalt  }
0x74: {  	_ =	shalt  }
0x75: {  	_ =	shalt  }
0x76: {  	_ =	shalt  }
0x77: {  	_ =	shalt  }
0x78: {  	_ =	shalt  }
0x79: {  	_ =	shalt  }
0x7a: {  	_ =	shalt  }
0x7b: {  	_ =	shalt  }
0x7c: {  	_ =	shalt  }
0x7d: {  	_ =	shalt  }
0x7e: {  	_ =	shalt  }
0x7f: {  	_ =	shalt  }
0x80: {  	_ =	shalt  }
0x81: {  	_ =	shalt  }
0x82: {  	_ =	shalt  }
0x83: {  	_ =	shalt  }
0x84: {  	_ =	shalt  }
0x85: {  	_ =	shalt  }
0x86: {  	_ =	shalt  }
0x87: {  	_ =	shalt  }
.Lfunc_end0:
.L_simem_size_0:
called_computation_lowered:
.L_overlay_start_0:
0x88: {  	s2 =	sld [smem:$0x3FD9]  }
0x89: {  	s3 =	sld [smem:$0x3FFE];
	_ =	sdelay $0x1  }
0x8a: {  	s1 =	srdreg.scid  }
0x8b: {  	s0 =	sand.u32 $0x1, s1  }
0x8c: {  	s18 =	sshll.u32 s0, $0xA;
	s2 =	sadd.s32 s3, s2  }
0x8d: {  	s2 =	sadd.s32 s2, s18  }
0x8e: {  	[smem:$0x3FC4] =	sst s2  }
0x8f: {  	_ = 	snop  }
0x90: {  	s2 =	sld [smem:$0x3FC9]  }
0x91: {  	s19 =	sld [smem:$0x3FC8]  }
0x92: {  	s4 =	sld [smem:$0x3FC7]  }
0x93: {  	s5 =	sld [smem:$0x3FC6]  }
0x94: {  	s6 =	sld [smem:$0x3FD0];
	(tm) =	ssettm $0x1  }
0x95: {  	s7 =	sld [smem:$0x3FFB];
	_ =	sdelay $0x3  }
0x96: {  	_ =	strace s7  }
0x97: {  	s7 =	sld [smem:$0x3FFC];
	_ =	sdelay $0x3  }
0x98: {  	_ =	strace s7  }
0x99: {  	s7 =	sld [smem:$0x3FFD];
	_ =	sdelay $0x3  }
0x9a: {  	_ =	strace s7  }
0x9b: {  	_ =	strace $0x8FFFFFFF  }
0x9c: {  	s20 =	sld [smem:$0x3FDB];
	_ =	sdelay $0x1  }
0x9d: {  	s8 =	simm.s32 $_scs_section_size  }
0x9e: {  	s9 =	simm.s32 $_size__tile_overlayer_lowered;
	s10 =	simm.s32 $_tile_overlayer_lowered  }
0x9f: {  	s23 =	simm.s32 $0x1BFF;
	s22 =	sshll.u32 s10, $0x1;
	s7 =	sadd.s32 s8, s20  }
0xa0: {  	s11 =	simm.s32 $0x0;
	s21 =	sshll.u32 s9, $0x1;
	s9 =	sadd.s32 s22, s7  }
0xa1: {  	[timem:s11], [sflag:s23] =	dma.local [hbm:s9], s21  }
0xa2: {  	_ =	swait.ge [sflag:s23], s21  }
0xa3: {  	s8 =	ssub.s32 $0x0, s21;
	[sflag:s23] =	ssyncset.done $0x0  }
0xa4: {  	[sflag:s23] =	ssyncadd.s32 s8;
	_ =	sdelay $0x1  }
0xa5: {  	s24 =	simm.s32 $0x1B8B  }
0xa6: {  	_ =	swait.ge [sflag:s24], $0x1  }
0xa7: {  	[sflag:s24] =	ssyncset.done $0x0  }
0xa8: {  	s25 =	simm.s32 $0x1B8E;
	[sflag:s24] =	ssyncadd.s32 $0xFFFFFFFF  }
0xa9: {  	s26 =	simm.s32 $execute0_lowered;
	[smem:$0x3FD2] =	sst s25  }
0xaa: {  	s8 =	sshll.u32 s26, $0x1;
	_ =	strace $0x80000046;
	[dreg:$0x1] =	wrdreg $0xFFFFFFFF  }
0xab: {  	s28 =	simm.s32 $_size_execute0_lowered;
	s7 =	sadd.s32 s7, s8;
	[dreg:$0x0] =	wrdreg $0x0  }
0xac: {  	s8 =	sshll.u32 s28, $0x1;
	[dreg:$0x2] =	wrdreg s7  }
0xad: {  	[dreg:$0x3] =	wrdreg s8  }
0xae: {  	[dreg:$0x4] =	wrdreg $0xC0  }
0xaf: {  	_ =	task [dreg:s11], $0x5FFFF  }
0xb0: {  	[dreg:$0x1] =	wrdreg $0xFFFFFFFF  }
0xb1: {  	[dreg:$0x0] =	wrdreg $0x60  }
0xb2: {  	[dreg:$0x2] =	wrdreg s2  }
0xb3: {  	[dreg:$0x3] =	wrdreg s19  }
0xb4: {  	[dreg:$0x4] =	wrdreg s4  }
0xb5: {  	[dreg:$0x5] =	wrdreg s5  }
0xb6: {  	[dreg:$0x6] =	wrdreg s6  }
0xb7: {  	[dreg:$0x7] =	wrdreg $0x9  }
0xb8: {  	_ =	task.clear_ibuf [dreg:s11], $0x8FFFF;
	_ =	strace $0x90000046  }
0xb9: {  	s29 =	simm.s32 $0x9;
	_ =	strace $0x80000048  }
0xba: {  	_ =	swait.ge [sflag:s29], $0x1  }
0xbb: {  	[sflag:s29] =	ssyncadd.s32 $0xFFFFFFFF  }
0xbc: {  	_ =	strace $0x90000048  }
0xbd: {  	_ =	sfence  }
0xbe: {  	s30 =	sld [smem:$0x0];
	_ =	sdelay $0x2  }
0xbf: {  	s31 =	sshll.u32 s1, $0xD;
	s1 =	sshrl.u32 s1, $0x2  }
0xc0: {  	s3 =	sand.u32 $0x4000, s31;
	s1 =	sadd.s32 s1, s30  }
0xc1: {  	s0 =	sor.u32 s3, s0;
	s1 =	sshll.u32 s1, $0x11  }
0xc2: {  	s0 =	sor.u32 s1, s0  }
0xc3: {  	s0 =	sadd.s32 $0x8F2B, s0  }
0xc4: {  	[sflag:s0] =	ssyncadd.remote.s32 $0x1  }
0xc5: {  	_ =	sfence.sel $0xFFFF  }
0xc6: {  	[dreg:$0x0] =	wrdreg $0xFFFFFFFF;
	(pc) =	sbr.abs _section_cstart, $3  }
0xc7: {  	[dreg:$0x1] =	wrdreg $0xFFFFFFFF  }
0xc8: {  	_ =	task.clear_ibuf [dreg:s11], $0x2FFFF;
	_ =	strace $0x9FFFFFFF  }
0xc9: {  	(tm) =	ssettm $0x7FFFFFFF  }
tec
execute0_lowered:
.L_overlay_start_1:
0x0: {  	(tag) =	ssettag $0x1  }
0x1: {  	s0 =	rddreg [dreg:$0x0]  }
0x2: {  	s3 =	rddreg [dreg:$0x1]  }
0x3: {  	s1 =	rddreg [dreg:$0x2]  }
0x4: {  	s2 =	rddreg [dreg:$0x3]  }
0x5: {  	s5 =	rddreg [dreg:$0x4];
	s6 =	srdreg.scid;
	s4 =	simm.s32 $0x0  }
0x6: {  	s8 =	stileid.u32;
	s29 =	simm.s32 $0x1;
	s30 =	simm.s32 $0x3  }
0x7: {  	s31 =	simm.s32 $0x5;
	s28 =	simm.s32 $0x0;
	s6 =	sand.u32 $0x1, s6  }
0x8: {  	s8 =	sshll.u32 s8, $0xA;
	s7 =	ssub.s32 $0x2, s6;
	s6 =	sshll.u32 s6, $0x9  }
0x9: {  	[smem:$0x7FF] =	sst s4;
	s9 =	sshrl.u32 s7, $0x1;
	s6 =	sor.u32 s6, s8  }
0xa: {  	_ =	strace $0x80000047;
	s7 =	ssub.s32 s7, s9;
	s8 =	sshrl.u32 s6, $0x3  }
0xb: {  	s16 =	sor.u32 $0x80, s6;
	s17 =	sor.u32 $0x100, s6;
	s12 =	sor.u32 $0x180, s6  }
0xc: {  	s20 =	sshll.u32 s6, $0x4;
	s8 =	sadd.s32 s3, s8;
	s10 =	sshrl.u32 s16, $0x3  }
0xd: {  	s11 =	sshrl.u32 s17, $0x3;
	s19 =	sshrl.u32 s12, $0x3;
	s21 =	sshll.u32 s16, $0x4  }
0xe: {  	s22 =	sadd.s32 s0, s20;
	s24 =	sshll.u32 s17, $0x4;
	s26 =	sshll.u32 s12, $0x4  }
0xf: {  	s17 =	smax.u32 s7, $0x1;
	[dreg:$0x6] =	wrdreg s8;
	s10 =	sadd.s32 s3, s10  }
0x10: {  	s18 =	sadd.s32 s3, s11;
	s3 =	sadd.s32 s3, s19;
	[dreg:$0xa] =	wrdreg s22  }
0x11: {  	s23 =	sadd.s32 s0, s21;
	s25 =	sadd.s32 s0, s24;
	s13 =	sadd.s32 s5, s21  }
0x12: {  	s14 =	sadd.s32 s0, s26;
	s15 =	sadd.s32 s5, s24;
	[dreg:$0x7] =	wrdreg s10  }
0x13: {  	s16 =	sadd.s32 s5, s26;
	s19 =	simm.s32 $0x80;
	[dreg:$0x8] =	wrdreg s18  }
0x14: {  	s21 =	simm.s32 $0x180;
	s22 =	simm.s32 $0x200;
	[dreg:$0x9] =	wrdreg s3  }
0x15: {  	s0 =	simm.s32 $0x7;
	s24 =	simm.s32 $0x6;
	[dreg:$0xb] =	wrdreg s23  }
0x16: {  	s26 =	simm.s32 $0x8;
	s3 =	sadd.s32 s5, s20;
	[dreg:$0xd] =	wrdreg s25  }
0x17: {  	s18 =	simm.s32 $0x9;
	s20 =	simm.s32 $0x100;
	s25 =	simm.s32 $0x4200  }
0x18: {  	s23 =	simm.s32 $0x4;
	[dreg:$0xc] =	wrdreg s3;
	s3 =	simm.s32 $0x2  }
.LBB2_1:
0x19: {  	s5 =	rddreg [dreg:$0x6]  }
0x1a: {  	[tilespmem:s4], [sflag:$0x9] =	stream.linear.gather [hbm4b:s5+s4], $0x80, $0x38;
	[tilespmem:$0x18200] =	vst v63  }
0x1b: {  	_ =	swait.ge [sflag:s18], $0x80  }
0x1c: {  	[sflag:s18] =	ssyncset.done $0x0  }
0x1d: {  	s12 =	rddreg [dreg:$0x7];
	[sflag:s18] =	ssyncadd.s32 $0xFFFFFF80  }
0x1e: {  	[tilespmem:s19], [sflag:$0x9] =	stream.linear.gather [hbm4b:s12+s4], $0x80, $0x38;
	[tilespmem:$0x18200] =	vst v63  }
0x1f: {  	_ =	swait.ge [sflag:s18], $0x80  }
0x20: {  	[sflag:s18] =	ssyncset.done $0x0  }
0x21: {  	s6 =	rddreg [dreg:$0x8];
	[sflag:s18] =	ssyncadd.s32 $0xFFFFFF80  }
0x22: {  	[tilespmem:s20], [sflag:$0x9] =	stream.linear.gather [hbm4b:s6+s4], $0x80, $0x38;
	[tilespmem:$0x18200] =	vst v63  }
0x23: {  	_ =	swait.ge [sflag:s18], $0x80  }
0x24: {  	[sflag:s18] =	ssyncset.done $0x0  }
0x25: {  	s7 =	rddreg [dreg:$0x9];
	[sflag:s18] =	ssyncadd.s32 $0xFFFFFF80  }
0x26: {  	[tilespmem:s21], [sflag:$0x9] =	stream.linear.gather [hbm4b:s7+s4], $0x80, $0x38;
	[tilespmem:$0x18200] =	vst v63  }
0x27: {  	_ =	swait.ge [sflag:s18], $0x80  }
0x28: {  	[sflag:s18] =	ssyncset.done $0x0  }
0x29: {  	[sflag:s18] =	ssyncadd.s32 $0xFFFFFF80  }
0x2a: {  	[tilespmem:s22], [sflag:$0x1] =	stream.indirect.gather [hbm4b:s1+s19], $0x80, s4, s19, $0xb8;
	[tilespmem:$0x18200] =	vst v63  }
0x2b: {  	s8 =	simm.s32 $0x8200  }
0x2c: {  	[tilespmem:s8], [sflag:$0x3] =	stream.indirect.gather [hbm4b:s2+s19], $0x80, s4, s19, $0xb8;
	[tilespmem:$0x18200] =	vst v63  }
0x2d: {  	s6 =	simm.s32 $0x10200;
	s9 =	rddreg [dreg:$0xa]  }
0x2e: {  	[tilespmem:s6], [sflag:$0x5] =	stream.linear.gather [hbm4b:s9+s4], $0x4000, $0x38;
	[tilespmem:$0x18200] =	vst v63  }
0x2f: {  	_ = 	snop  }
0x30: {  	[tilespmem:s25], [sflag:$0x2] =	stream.indirect.gather [hbm4b:s1+s19], $0x80, s19, s19, $0xb8;
	[tilespmem:$0x18200] =	vst v63  }
0x31: {  	s10 =	simm.s32 $0xC200  }
0x32: {  	[tilespmem:s10], [sflag:$0x4] =	stream.indirect.gather [hbm4b:s2+s19], $0x80, s19, s19, $0xb8;
	[tilespmem:$0x18200] =	vst v63  }
0x33: {  	s12 =	simm.s32 $0x14200;
	s11 =	rddreg [dreg:$0xb]  }
0x34: {  	[tilespmem:s12], [sflag:$0x6] =	stream.linear.gather [hbm4b:s11+s4], $0x4000, $0x38;
	[tilespmem:$0x18200] =	vst v63  }
0x35: {  	_ =	swait.ge [sflag:s29], $0x4000  }
0x36: {  	[sflag:s29] =	ssyncset.done $0x0  }
0x37: {  	[sflag:s29] =	ssyncadd.s32 $0xFFFFC000  }
0x38: {  	_ =	swait.ge [sflag:s30], $0x4000  }
0x39: {  	[sflag:s30] =	ssyncset.done $0x0  }
0x3a: {  	[sflag:s30] =	ssyncadd.s32 $0xFFFFC000  }
0x3b: {  	_ =	swait.ge [sflag:s31], $0x4000  }
0x3c: {  	[sflag:s31] =	ssyncset.done $0x0  }
0x3d: {  	s5 =	simm.s32 $0x300;
	[sflag:s31] =	ssyncadd.s32 $0xFFFFC000  }
0x3e: {  	s10 =	simm.s32 $0x10300;
	v0 =	vld [tilespmem:s5+$0x80]  }
0x3f: {  	s9 =	simm.s32 $0x8300;
	v1 =	vld [tilespmem:s10+$0x80]  }
0x40: {  	v2 =	vld [tilespmem:s9+$0x80]  }
0x41: {  	v3 =	vld [tilespmem:s5+$0xFFFFFF80]  }
0x42: {  	v5 =	vld [tilespmem:s10+$0xFFFFFF80]  }
0x43: {  	v6 =	vld [tilespmem:s5+$0x0]  }
0x44: {  	v7 =	vld [tilespmem:s5+$0xFFFFFF00]  }
0x45: {  	v8 =	vld [tilespmem:s9+$0xFFFFFF00]  }
0x46: {  	v9 =	vld [tilespmem:s9+$0x0]  }
0x47: {  	v10 =	vld [tilespmem:s5+$0xFFFFFF60]  }
0x48: {  	s7 =	simm.s32 $0x10500;
	v11 =	vld [tilespmem:s5+$0xFFFFFFE0]  }
0x49: {  	s8 =	simm.s32 $0x8500;
	v13 =	vld [tilespmem:s7+$0x80]  }
0x4a: {  	v14 =	vld [tilespmem:s8+$0x80]  }
0x4b: {  	s6 =	simm.s32 $0x500;
	v16 =	vld [tilespmem:s7+$0xFFFFFF80];
	v0 =	vmul.f32 v1, v0  }
0x4c: {  	v17 =	vld [tilespmem:s6+$0x0]  }
0x4d: {  	v18 =	vld [tilespmem:s6+$0xFFFFFF00];
	v0 =	vadd.f32 v2, v0  }
0x4e: {  	v19 =	vld [tilespmem:s8+$0xFFFFFF00]  }
0x4f: {  	[tilespmem:s5+$0x80] =	vst v0;
	v0 =	vld [tilespmem:s5+$0x90]  }
0x50: {  	v2 =	vld [tilespmem:s10+$0x90]  }
0x51: {  	v20 =	vld [tilespmem:s8+$0x0]  }
0x52: {  	v4 =	vld [tilespmem:s9+$0x90]  }
0x53: {  	v29 =	vld [tilespmem:s6+$0xFFFFFF10]  }
0x54: {  	v1 =	vld [tilespmem:s10+$0xFFFFFF00]  }
0x55: {  	v31 =	vld [tilespmem:s6+$0xFFFFFF90];
	v0 =	vmul.f32 v2, v0  }
0x56: {  	v36 =	vld [tilespmem:s6+$0xFFFFFF20]  }
0x57: {  	v2 =	vld [tilespmem:s10+$0x0];
	v0 =	vadd.f32 v4, v0  }
0x58: {  	v4 =	vld [tilespmem:s9+$0xFFFFFF80]  }
0x59: {  	[tilespmem:s5+$0x90] =	vst v0;
	v0 =	vmul.f32 v1, v7;
	v1 =	vld [tilespmem:s5+$0xA0]  }
0x5a: {  	v7 =	vld [tilespmem:s10+$0xA0]  }
0x5b: {  	v3 =	vmul.f32 v5, v3;
	v5 =	vld [tilespmem:s9+$0xA0]  }
0x5c: {  	v2 =	vmul.f32 v2, v6;
	v6 =	vld [tilespmem:s5+$0xFFFFFF90];
	v0 =	vadd.f32 v8, v0  }
0x5d: {  	v8 =	vld [tilespmem:s5+$0xFFFFFF10]  }
0x5e: {  	v2 =	vadd.f32 v9, v2;
	[tilespmem:s5+$0xFFFFFF00] =	vst v0;
	v0 =	vadd.f32 v4, v3;
	v4 =	vld [tilespmem:s5+$0x10]  }
0x5f: {  	v3 =	vld [tilespmem:s10+$0xFFFFFF10]  }
0x60: {  	[tilespmem:s5+$0x0] =	vst v2;
	v1 =	vmul.f32 v7, v1;
	v7 =	vld [tilespmem:s9+$0xFFFFFF10]  }
0x61: {  	[tilespmem:s5+$0xFFFFFF80] =	vst v0;
	v2 =	vld [tilespmem:s10+$0x10]  }
0x62: {  	v0 =	vld [tilespmem:s10+$0xFFFFFF90];
	v1 =	vadd.f32 v5, v1  }
0x63: {  	v5 =	vld [tilespmem:s9+$0xFFFFFF90]  }
0x64: {  	v3 =	vmul.f32 v3, v8;
	[tilespmem:s5+$0xA0] =	vst v1;
	v1 =	vld [tilespmem:s5+$0xB0]  }
0x65: {  	v8 =	vld [tilespmem:s9+$0x10]  }
0x66: {  	v3 =	vadd.f32 v7, v3;
	v7 =	vld [tilespmem:s10+$0xB0]  }
0x67: {  	v0 =	vmul.f32 v0, v6;
	v6 =	vld [tilespmem:s5+$0xFFFFFF20]  }
0x68: {  	[tilespmem:s5+$0xFFFFFF10] =	vst v3;
	v3 =	vld [tilespmem:s9+$0xB0]  }
0x69: {  	v0 =	vadd.f32 v5, v0;
	v5 =	vld [tilespmem:s5+$0xFFFFFFA0]  }
0x6a: {  	v2 =	vmul.f32 v2, v4;
	v9 =	vld [tilespmem:s10+$0xFFFFFF20]  }
0x6b: {  	[tilespmem:s5+$0xFFFFFF90] =	vst v0;
	v0 =	vld [tilespmem:s5+$0x20]  }
0x6c: {  	v2 =	vadd.f32 v8, v2;
	v1 =	vmul.f32 v7, v1;
	v4 =	vld [tilespmem:s10+$0xFFFFFFA0]  }
0x6d: {  	v7 =	vld [tilespmem:s9+$0xFFFFFFA0]  }
0x6e: {  	[tilespmem:s5+$0x10] =	vst v2;
	v1 =	vadd.f32 v3, v1;
	v3 =	vld [tilespmem:s9+$0xFFFFFF20]  }
0x6f: {  	v8 =	vld [tilespmem:s10+$0x20]  }
0x70: {  	[tilespmem:s5+$0xB0] =	vst v1;
	v1 =	vld [tilespmem:s5+$0xC0]  }
0x71: {  	v6 =	vmul.f32 v9, v6;
	v2 =	vld [tilespmem:s10+$0xC0]  }
0x72: {  	v9 =	vld [tilespmem:s9+$0x20]  }
0x73: {  	v4 =	vmul.f32 v4, v5;
	v5 =	vld [tilespmem:s9+$0xC0];
	v3 =	vadd.f32 v3, v6  }
0x74: {  	v6 =	vld [tilespmem:s5+$0xFFFFFF30]  }
0x75: {  	v0 =	vmul.f32 v8, v0;
	v4 =	vadd.f32 v7, v4;
	v7 =	vld [tilespmem:s5+$0xFFFFFFB0];
	[tilespmem:s5+$0xFFFFFF20] =	vst v3  }
0x76: {  	v1 =	vmul.f32 v2, v1;
	v2 =	vld [tilespmem:s10+$0xFFFFFF30]  }
0x77: {  	v0 =	vadd.f32 v9, v0;
	v9 =	vld [tilespmem:s5+$0x30]  }
0x78: {  	[tilespmem:s5+$0xFFFFFFA0] =	vst v4;
	v4 =	vld [tilespmem:s9+$0xFFFFFF30];
	v1 =	vadd.f32 v5, v1  }
0x79: {  	v3 =	vld [tilespmem:s10+$0xFFFFFFB0]  }
0x7a: {  	[tilespmem:s5+$0xC0] =	vst v1;
	v1 =	vld [tilespmem:s5+$0xD0]  }
0x7b: {  	[tilespmem:s5+$0x20] =	vst v0;
	v0 =	vld [tilespmem:s10+$0xD0];
	v2 =	vmul.f32 v2, v6  }
0x7c: {  	v5 =	vld [tilespmem:s9+$0xFFFFFFB0]  }
0x7d: {  	v6 =	vld [tilespmem:s9+$0xD0];
	v2 =	vadd.f32 v4, v2  }
0x7e: {  	v8 =	vld [tilespmem:s10+$0x30]  }
0x7f: {  	v3 =	vmul.f32 v3, v7;
	v4 =	vld [tilespmem:s5+$0xFFFFFF40];
	[tilespmem:s5+$0xFFFFFF30] =	vst v2  }
0x80: {  	v0 =	vmul.f32 v0, v1;
	v2 =	vld [tilespmem:s10+$0xFFFFFF40]  }
0x81: {  	v7 =	vld [tilespmem:s9+$0x30];
	v3 =	vadd.f32 v5, v3  }
0x82: {  	v0 =	vadd.f32 v6, v0;
	v6 =	vld [tilespmem:s9+$0xFFFFFF40]  }
0x83: {  	[tilespmem:s5+$0xFFFFFFB0] =	vst v3;
	v1 =	vld [tilespmem:s5+$0xFFFFFFC0]  }
0x84: {  	v5 =	vmul.f32 v8, v9;
	v3 =	vld [tilespmem:s10+$0xFFFFFFC0]  }
0x85: {  	[tilespmem:s5+$0xD0] =	vst v0;
	v0 =	vld [tilespmem:s5+$0xE0];
	v2 =	vmul.f32 v2, v4  }
0x86: {  	v5 =	vadd.f32 v7, v5;
	v7 =	vld [tilespmem:s10+$0xE0]  }
0x87: {  	v2 =	vadd.f32 v6, v2;
	v6 =	vld [tilespmem:s9+$0xFFFFFFC0]  }
0x88: {  	v8 =	vld [tilespmem:s5+$0x40]  }
0x89: {  	[tilespmem:s5+$0x30] =	vst v5;
	v4 =	vld [tilespmem:s9+$0xE0]  }
0x8a: {  	v5 =	vld [tilespmem:s10+$0x40];
	v1 =	vmul.f32 v3, v1  }
0x8b: {  	v38 =	vld [tilespmem:s6+$0xFFFFFFA0]  }
0x8c: {  	v9 =	vld [tilespmem:s9+$0x40];
	v0 =	vmul.f32 v7, v0;
	v1 =	vadd.f32 v6, v1  }
0x8d: {  	v7 =	vld [tilespmem:s5+$0xFFFFFF50]  }
0x8e: {  	v0 =	vadd.f32 v4, v0;
	v4 =	vld [tilespmem:s5+$0xFFFFFFD0];
	[tilespmem:s5+$0xFFFFFFC0] =	vst v1  }
0x8f: {  	[tilespmem:s5+$0xFFFFFF40] =	vst v2;
	v2 =	vmul.f32 v5, v8;
	v5 =	vld [tilespmem:s10+$0xFFFFFFD0]  }
0x90: {  	v3 =	vld [tilespmem:s10+$0xFFFFFF50]  }
0x91: {  	v2 =	vadd.f32 v9, v2;
	v9 =	vld [tilespmem:s9+$0xFFFFFFD0]  }
0x92: {  	v43 =	vld [tilespmem:s6+$0xFFFFFF30]  }
0x93: {  	v8 =	vld [tilespmem:s9+$0xFFFFFF50]  }
0x94: {  	v6 =	vld [tilespmem:s5+$0x50];
	[tilespmem:s5+$0x40] =	vst v2;
	v4 =	vmul.f32 v5, v4  }
0x95: {  	v3 =	vmul.f32 v3, v7;
	v7 =	vld [tilespmem:s10+$0x50]  }
0x96: {  	v44 =	vld [tilespmem:s6+$0xFFFFFFB0];
	v4 =	vadd.f32 v9, v4  }
0x97: {  	v48 =	vld [tilespmem:s6+$0x30]  }
0x98: {  	v53 =	vld [tilespmem:s6+$0x40];
	v3 =	vadd.f32 v8, v3;
	[tilespmem:s5+$0xFFFFFFD0] =	vst v4  }
0x99: {  	v4 =	vld [tilespmem:s10+$0xFFFFFFE0]  }
0x9a: {  	[tilespmem:s5+$0xFFFFFF50] =	vst v3;
	v3 =	vmul.f32 v7, v6;
	v7 =	vld [tilespmem:s6+$0x80]  }
0x9b: {  	v6 =	vld [tilespmem:s9+$0xFFFFFFE0]  }
0x9c: {  	v56 =	vld [tilespmem:s6+$0x50]  }
0x9d: {  	v57 =	vld [tilespmem:s6+$0xF0]  }
0x9e: {  	v5 =	vld [tilespmem:s9+$0x50];
	v11 =	vmul.f32 v4, v11  }
0x9f: {  	[tilespmem:s5+$0xE0] =	vst v0;
	v0 =	vld [tilespmem:s5+$0xF0]  }
0xa0: {  	v9 =	vld [tilespmem:s10+$0xFFFFFF60];
	v6 =	vadd.f32 v6, v11;
	v11 =	vmul.f32 v13, v7  }
0xa1: {  	v1 =	vld [tilespmem:s10+$0xF0]  }
0xa2: {  	v12 =	vld [tilespmem:s9+$0xFFFFFF60];
	v11 =	vadd.f32 v14, v11  }
0xa3: {  	v2 =	vld [tilespmem:s9+$0xF0];
	v5 =	vadd.f32 v5, v3  }
0xa4: {  	[tilespmem:s6+$0x80] =	vst v11;
	v11 =	vld [tilespmem:s6+$0x90]  }
0xa5: {  	[tilespmem:s5+$0x50] =	vst v5;
	v5 =	vmul.f32 v9, v10;
	v13 =	vld [tilespmem:s7+$0x90]  }
0xa6: {  	v61 =	vld [tilespmem:s6+$0x60]  }
0xa7: {  	v12 =	vadd.f32 v12, v5;
	v15 =	vld [tilespmem:s8+$0x90]  }
0xa8: {  	v8 =	vld [tilespmem:s5+$0x60];
	v0 =	vmul.f32 v1, v0  }
0xa9: {  	[tilespmem:s5+$0xFFFFFF60] =	vst v12;
	v12 =	vld [tilespmem:s7+$0xFFFFFF00]  }
0xaa: {  	v2 =	vadd.f32 v2, v0;
	v0 =	vld [tilespmem:s6+$0x70];
	v11 =	vmul.f32 v13, v11  }
0xab: {  	v3 =	vld [tilespmem:s5+$0xFFFFFF70]  }
0xac: {  	v14 =	vld [tilespmem:s6+$0xFFFFFF80];
	v11 =	vadd.f32 v15, v11  }
0xad: {  	v10 =	vld [tilespmem:s10+$0x60]  }
0xae: {  	v15 =	vld [tilespmem:s8+$0xFFFFFF80];
	[tilespmem:s6+$0x90] =	vst v11;
	v11 =	vmul.f32 v12, v18  }
0xaf: {  	v12 =	vld [tilespmem:s6+$0xA0]  }
0xb0: {  	v28 =	vld [tilespmem:s7+$0xA0];
	v11 =	vadd.f32 v19, v11  }
0xb1: {  	v14 =	vmul.f32 v16, v14;
	v13 =	vld [tilespmem:s7+$0x0]  }
0xb2: {  	v30 =	vld [tilespmem:s8+$0xA0];
	[tilespmem:s6+$0xFFFFFF00] =	vst v11  }
0xb3: {  	v11 =	vadd.f32 v15, v14;
	v14 =	vld [tilespmem:s7+$0xFFFFFF10]  }
0xb4: {  	v9 =	vld [tilespmem:s9+$0x60]  }
0xb5: {  	v32 =	vld [tilespmem:s8+$0xFFFFFF10];
	v12 =	vmul.f32 v28, v12;
	[tilespmem:s6+$0xFFFFFF80] =	vst v11  }
0xb6: {  	v13 =	vmul.f32 v13, v17;
	v11 =	vld [tilespmem:s7+$0xFFFFFF90]  }
0xb7: {  	v15 =	vld [tilespmem:s6+$0x10];
	v12 =	vadd.f32 v30, v12  }
0xb8: {  	v13 =	vadd.f32 v20, v13;
	v33 =	vld [tilespmem:s8+$0xFFFFFF90];
	v14 =	vmul.f32 v14, v29  }
0xb9: {  	[tilespmem:s6+$0xA0] =	vst v12;
	v12 =	vld [tilespmem:s6+$0xB0]  }
0xba: {  	[tilespmem:s6+$0x0] =	vst v13;
	v34 =	vld [tilespmem:s7+$0xB0];
	v14 =	vadd.f32 v32, v14  }
0xbb: {  	v13 =	vld [tilespmem:s7+$0x10];
	v11 =	vmul.f32 v11, v31  }
0xbc: {  	[tilespmem:s6+$0xFFFFFF10] =	vst v14;
	v14 =	vld [tilespmem:s8+$0xB0]  }
0xbd: {  	v35 =	vld [tilespmem:s8+$0x10];
	v11 =	vadd.f32 v33, v11  }
0xbe: {  	v37 =	vld [tilespmem:s7+$0xFFFFFF20]  }
0xbf: {  	v12 =	vmul.f32 v34, v12;
	[tilespmem:s6+$0xFFFFFF90] =	vst v11;
	v11 =	vld [tilespmem:s6+$0x20]  }
0xc0: {  	v13 =	vmul.f32 v13, v15;
	v15 =	vld [tilespmem:s7+$0xFFFFFFA0]  }
0xc1: {  	v12 =	vadd.f32 v14, v12;
	v14 =	vld [tilespmem:s8+$0xFFFFFF20]  }
0xc2: {  	v13 =	vadd.f32 v35, v13;
	v39 =	vld [tilespmem:s8+$0xFFFFFFA0]  }
0xc3: {  	[tilespmem:s6+$0xB0] =	vst v12;
	v12 =	vld [tilespmem:s6+$0xC0]  }
0xc4: {  	[tilespmem:s6+$0x10] =	vst v13;
	v17 =	vmul.f32 v37, v36;
	v13 =	vld [tilespmem:s7+$0xC0]  }
0xc5: {  	v40 =	vld [tilespmem:s7+$0x20];
	v15 =	vmul.f32 v15, v38  }
0xc6: {  	v41 =	vld [tilespmem:s8+$0xC0];
	v14 =	vadd.f32 v14, v17  }
0xc7: {  	v42 =	vld [tilespmem:s8+$0x20];
	v15 =	vadd.f32 v39, v15  }
0xc8: {  	v5 =	vld [tilespmem:s5+$0x70];
	[tilespmem:s6+$0xFFFFFF20] =	vst v14  }
0xc9: {  	[tilespmem:s6+$0xFFFFFFA0] =	vst v15;
	v12 =	vmul.f32 v13, v12;
	v13 =	vld [tilespmem:s7+$0xFFFFFF30]  }
0xca: {  	v11 =	vmul.f32 v40, v11;
	v14 =	vld [tilespmem:s7+$0xFFFFFFB0]  }
0xcb: {  	v15 =	vld [tilespmem:s8+$0xFFFFFF30];
	v12 =	vadd.f32 v41, v12  }
0xcc: {  	v11 =	vadd.f32 v42, v11;
	v45 =	vld [tilespmem:s8+$0xFFFFFFB0]  }
0xcd: {  	[tilespmem:s6+$0xC0] =	vst v12;
	v12 =	vld [tilespmem:s6+$0xD0]  }
0xce: {  	[tilespmem:s6+$0x20] =	vst v11;
	v11 =	vld [tilespmem:s7+$0xD0]  }
0xcf: {  	v46 =	vld [tilespmem:s7+$0x30];
	v13 =	vmul.f32 v13, v43  }
0xd0: {  	v47 =	vld [tilespmem:s8+$0xD0];
	v14 =	vmul.f32 v14, v44  }
0xd1: {  	v49 =	vld [tilespmem:s8+$0x30];
	v13 =	vadd.f32 v15, v13  }
0xd2: {  	v15 =	vld [tilespmem:s6+$0xFFFFFF40];
	v14 =	vadd.f32 v45, v14  }
0xd3: {  	[tilespmem:s6+$0xFFFFFF30] =	vst v13;
	v11 =	vmul.f32 v11, v12;
	v12 =	vld [tilespmem:s6+$0xFFFFFFC0]  }
0xd4: {  	[tilespmem:s6+$0xFFFFFFB0] =	vst v14;
	v13 =	vld [tilespmem:s7+$0xFFFFFF40]  }
0xd5: {  	v14 =	vld [tilespmem:s7+$0xFFFFFFC0];
	v11 =	vadd.f32 v47, v11  }
0xd6: {  	v51 =	vld [tilespmem:s8+$0xFFFFFF40]  }
0xd7: {  	v50 =	vmul.f32 v46, v48;
	[tilespmem:s6+$0xD0] =	vst v11;
	v11 =	vld [tilespmem:s6+$0xE0]  }
0xd8: {  	v52 =	vld [tilespmem:s7+$0xE0]  }
0xd9: {  	v16 =	vadd.f32 v49, v50;
	v54 =	vld [tilespmem:s8+$0xFFFFFFC0]  }
0xda: {  	v13 =	vmul.f32 v13, v15;
	v15 =	vld [tilespmem:s8+$0xE0]  }
0xdb: {  	v4 =	vld [tilespmem:s5+$0xFFFFFFF0];
	[tilespmem:s6+$0x30] =	vst v16  }
0xdc: {  	v16 =	vld [tilespmem:s7+$0x40];
	v12 =	vmul.f32 v14, v12  }
0xdd: {  	v7 =	vld [tilespmem:s10+$0xFFFFFF70];
	v13 =	vadd.f32 v51, v13;
	v11 =	vmul.f32 v52, v11  }
0xde: {  	[tilespmem:s5+$0xFFFFFFE0] =	vst v6;
	v55 =	vld [tilespmem:s8+$0x40];
	v12 =	vadd.f32 v54, v12  }
0xdf: {  	v6 =	vld [tilespmem:s10+$0xFFFFFFF0];
	[tilespmem:s6+$0xFFFFFF40] =	vst v13;
	v11 =	vadd.f32 v15, v11  }
0xe0: {  	v13 =	vld [tilespmem:s6+$0xFFFFFF50];
	[tilespmem:s6+$0xFFFFFFC0] =	vst v12  }
0xe1: {  	v58 =	vld [tilespmem:s7+$0xFFFFFFD0];
	[tilespmem:s6+$0xE0] =	vst v11;
	v11 =	vmul.f32 v16, v53  }
0xe2: {  	v15 =	vld [tilespmem:s6+$0xFFFFFFD0]  }
0xe3: {  	v14 =	vld [tilespmem:s7+$0xFFFFFF50];
	v11 =	vadd.f32 v55, v11  }
0xe4: {  	v8 =	vmul.f32 v10, v8;
	v10 =	vld [tilespmem:s8+$0xFFFFFFD0]  }
0xe5: {  	[tilespmem:s6+$0x40] =	vst v11;
	v11 =	vld [tilespmem:s8+$0xFFFFFF50]  }
0xe6: {  	v60 =	vld [tilespmem:s7+$0x50]  }
0xe7: {  	v8 =	vadd.f32 v9, v8;
	v9 =	vld [tilespmem:s6+$0xFFFFFF60];
	v15 =	vmul.f32 v58, v15  }
0xe8: {  	v13 =	vmul.f32 v14, v13;
	v14 =	vld [tilespmem:s8+$0x50]  }
0xe9: {  	[tilespmem:s5+$0x60] =	vst v8;
	v8 =	vld [tilespmem:s6+$0xFFFFFF70];
	v10 =	vadd.f32 v10, v15  }
0xea: {  	v12 =	vld [tilespmem:s7+$0xF0]  }
0xeb: {  	v59 =	vld [tilespmem:s8+$0xF0];
	[tilespmem:s6+$0xFFFFFFD0] =	vst v10;
	v11 =	vadd.f32 v11, v13;
	v17 =	vmul.f32 v60, v56  }
0xec: {  	v10 =	vld [tilespmem:s7+$0xFFFFFFE0]  }
0xed: {  	v13 =	vld [tilespmem:s6+$0xFFFFFFE0];
	[tilespmem:s6+$0xFFFFFF50] =	vst v11;
	v11 =	vadd.f32 v14, v17  }
0xee: {  	v14 =	vld [tilespmem:s7+$0xFFFFFF60]  }
0xef: {  	v62 =	vld [tilespmem:s8+$0xFFFFFF60];
	[tilespmem:s6+$0x50] =	vst v11  }
0xf0: {  	v12 =	vmul.f32 v12, v57;
	v11 =	vld [tilespmem:s7+$0x60]  }
0xf1: {  	v1 =	vld [tilespmem:s8+$0xFFFFFFE0]  }
0xf2: {  	v12 =	vadd.f32 v59, v12;
	v63 =	vld [tilespmem:s8+$0x60]  }
0xf3: {  	v15 =	vld [tilespmem:s10+$0x70];
	v14 =	vmul.f32 v14, v9  }
0xf4: {  	[tilespmem:s6+$0xF0] =	vst v12;
	v12 =	vld [tilespmem:s9+$0xFFFFFFF0];
	v10 =	vmul.f32 v10, v13  }
0xf5: {  	[tilespmem:s5+$0xF0] =	vst v2;
	v13 =	vadd.f32 v62, v14;
	v2 =	vmul.f32 v11, v61;
	v11 =	vld [tilespmem:s9+$0xFFFFFF70]  }
0xf6: {  	v9 =	vld [tilespmem:s6+$0xFFFFFFF0];
	v14 =	vadd.f32 v1, v10  }
0xf7: {  	v10 =	vld [tilespmem:s9+$0x70];
	[tilespmem:s6+$0xFFFFFF60] =	vst v13;
	v13 =	vadd.f32 v63, v2  }
0xf8: {  	s11 =	simm.s32 $0x700;
	v1 =	vmul.f32 v7, v3;
	[tilespmem:s6+$0xFFFFFFE0] =	vst v14;
	v7 =	vld [tilespmem:s7+$0xFFFFFF70]  }
0xf9: {  	s12 =	simm.s32 $0x10500;
	s10 =	simm.s32 $0x8500;
	v3 =	vmul.f32 v15, v5;
	s9 =	simm.s32 $0x4;
	v2 =	vmul.f32 v6, v4;
	v4 =	vld [tilespmem:s7+$0xFFFFFFF0];
	[tilespmem:s6+$0x60] =	vst v13  }
.LBB2_2:
0xfa: {  	v5 =	vld [tilespmem:s11+$0x80];
	s7 =	sadd.s32 $0x200, s7;
	v1 =	vadd.f32 v11, v1  }
0xfb: {  	s9 =	sadd.s32 $0x4, s9;
	v6 =	vld [tilespmem:s7+$0x80];
	v2 =	vadd.f32 v12, v2  }
0xfc: {  	s8 =	sadd.s32 $0x200, s8;
	p0 =	slt.u32 s9, $0x7C;
	v11 =	vld [tilespmem:s7+$0xFFFFFF00];
	[tilespmem:s5+$0xFFFFFF70] =	vst v1;
	v3 =	vadd.f32 v10, v3  }
0xfd: {  	v10 =	vld [tilespmem:s8+$0x80];
	v1 =	vmul.f32 v7, v8;
	[tilespmem:s5+$0xFFFFFFF0] =	vst v2  }
0xfe: {  	v7 =	vld [tilespmem:s11+$0xFFFFFF80];
	v2 =	vmul.f32 v4, v9;
	[tilespmem:s5+$0x70] =	vst v3;
	s5 =	smov.u32 s6;
	s6 =	smov.u32 s11  }
0xff: {  	v3 =	vld [tilespmem:s7+$0xFFFFFF80]  }
0x100: {  	v4 =	vld [tilespmem:s11+$0x0];
	v5 =	vmul.f32 v6, v5  }
0x101: {  	v6 =	vld [tilespmem:s7+$0x0]  }
0x102: {  	v8 =	vld [tilespmem:s11+$0xFFFFFF00];
	v5 =	vadd.f32 v10, v5  }
0x103: {  	v9 =	vld [tilespmem:s8+$0xFFFFFF00]  }
0x104: {  	v3 =	vmul.f32 v3, v7;
	[tilespmem:s11+$0x80] =	vst v5;
	v5 =	vld [tilespmem:s11+$0x90]  }
0x105: {  	v7 =	vld [tilespmem:s7+$0x90]  }
0x106: {  	v10 =	vld [tilespmem:s8+$0xFFFFFF80];
	v4 =	vmul.f32 v6, v4  }
0x107: {  	v6 =	vmul.f32 v11, v8;
	v8 =	vld [tilespmem:s8+$0x90]  }
0x108: {  	v11 =	vld [tilespmem:s8+$0x0]  }
0x109: {  	v6 =	vadd.f32 v9, v6;
	v9 =	vld [tilespmem:s11+$0xFFFFFF10]  }
0x10a: {  	v12 =	vld [tilespmem:s11+$0xFFFFFF90];
	v5 =	vmul.f32 v7, v5  }
0x10b: {  	[tilespmem:s11+$0xFFFFFF00] =	vst v6;
	v3 =	vadd.f32 v10, v3;
	v6 =	vld [tilespmem:s11+$0x10]  }
0x10c: {  	v7 =	vld [tilespmem:s7+$0xFFFFFF10];
	v5 =	vadd.f32 v8, v5  }
0x10d: {  	v8 =	vld [tilespmem:s8+$0xFFFFFF10];
	[tilespmem:s11+$0xFFFFFF80] =	vst v3;
	v3 =	vadd.f32 v11, v4  }
0x10e: {  	[tilespmem:s11+$0x90] =	vst v5;
	v4 =	vld [tilespmem:s11+$0xA0]  }
0x10f: {  	[tilespmem:s11+$0x0] =	vst v3;
	v3 =	vld [tilespmem:s7+$0xA0]  }
0x110: {  	v5 =	vld [tilespmem:s7+$0xFFFFFF90]  }
0x111: {  	v7 =	vmul.f32 v7, v9;
	v9 =	vld [tilespmem:s8+$0xA0]  }
0x112: {  	v10 =	vld [tilespmem:s7+$0x10]  }
0x113: {  	v7 =	vadd.f32 v8, v7;
	v8 =	vld [tilespmem:s8+$0xFFFFFF90]  }
0x114: {  	v11 =	vld [tilespmem:s8+$0x10];
	v3 =	vmul.f32 v3, v4  }
0x115: {  	[tilespmem:s11+$0xFFFFFF10] =	vst v7;
	v4 =	vld [tilespmem:s11+$0xFFFFFF20];
	v5 =	vmul.f32 v5, v12  }
0x116: {  	v7 =	vld [tilespmem:s7+$0xFFFFFF20];
	v3 =	vadd.f32 v9, v3  }
0x117: {  	v9 =	vld [tilespmem:s11+$0xFFFFFFA0];
	v6 =	vmul.f32 v10, v6  }
0x118: {  	v5 =	vadd.f32 v8, v5;
	[tilespmem:s11+$0xA0] =	vst v3;
	v3 =	vld [tilespmem:s11+$0xB0]  }
0x119: {  	v6 =	vadd.f32 v11, v6;
	v8 =	vld [tilespmem:s7+$0xB0]  }
0x11a: {  	[tilespmem:s11+$0xFFFFFF90] =	vst v5;
	v5 =	vld [tilespmem:s11+$0x20]  }
0x11b: {  	v4 =	vmul.f32 v7, v4;
	[tilespmem:s11+$0x10] =	vst v6;
	v6 =	vld [tilespmem:s8+$0xB0]  }
0x11c: {  	v7 =	vld [tilespmem:s7+$0xFFFFFFA0]  }
0x11d: {  	v10 =	vld [tilespmem:s7+$0x20]  }
0x11e: {  	v11 =	vld [tilespmem:s8+$0xFFFFFF20];
	v3 =	vmul.f32 v8, v3  }
0x11f: {  	v8 =	vld [tilespmem:s8+$0xFFFFFFA0]  }
0x120: {  	v12 =	vld [tilespmem:s8+$0x20];
	v3 =	vadd.f32 v6, v3  }
0x121: {  	v6 =	vld [tilespmem:s11+$0xFFFFFF30];
	v7 =	vmul.f32 v7, v9  }
0x122: {  	v5 =	vmul.f32 v10, v5;
	[tilespmem:s11+$0xB0] =	vst v3;
	v3 =	vld [tilespmem:s11+$0xC0]  }
0x123: {  	v4 =	vadd.f32 v11, v4;
	v9 =	vld [tilespmem:s7+$0xC0]  }
0x124: {  	v7 =	vadd.f32 v8, v7;
	v8 =	vld [tilespmem:s11+$0xFFFFFFB0]  }
0x125: {  	[tilespmem:s11+$0xFFFFFF20] =	vst v4;
	v4 =	vadd.f32 v12, v5;
	v5 =	vld [tilespmem:s8+$0xC0]  }
0x126: {  	v10 =	vld [tilespmem:s7+$0xFFFFFF30];
	[tilespmem:s11+$0xFFFFFFA0] =	vst v7  }
0x127: {  	v7 =	vld [tilespmem:s7+$0xFFFFFFB0];
	[tilespmem:s11+$0x20] =	vst v4  }
0x128: {  	v4 =	vld [tilespmem:s7+$0x30];
	v3 =	vmul.f32 v9, v3  }
0x129: {  	v9 =	vld [tilespmem:s11+$0x30]  }
0x12a: {  	v11 =	vld [tilespmem:s8+$0xFFFFFF30];
	v3 =	vadd.f32 v5, v3  }
0x12b: {  	v5 =	vmul.f32 v10, v6;
	v6 =	vld [tilespmem:s8+$0xFFFFFFB0]  }
0x12c: {  	v7 =	vmul.f32 v7, v8;
	[tilespmem:s11+$0xC0] =	vst v3;
	v3 =	vld [tilespmem:s11+$0xD0]  }
0x12d: {  	v8 =	vld [tilespmem:s7+$0xD0]  }
0x12e: {  	v4 =	vmul.f32 v4, v9;
	v9 =	vld [tilespmem:s8+$0x30]  }
0x12f: {  	v5 =	vadd.f32 v11, v5;
	v10 =	vld [tilespmem:s8+$0xD0]  }
0x130: {  	v11 =	vld [tilespmem:s11+$0xFFFFFF40];
	v6 =	vadd.f32 v6, v7  }
0x131: {  	[tilespmem:s11+$0xFFFFFF30] =	vst v5;
	v5 =	vld [tilespmem:s11+$0xFFFFFFC0]  }
0x132: {  	v7 =	vld [tilespmem:s7+$0xFFFFFF40];
	[tilespmem:s11+$0xFFFFFFB0] =	vst v6;
	v3 =	vmul.f32 v8, v3  }
0x133: {  	v6 =	vld [tilespmem:s7+$0xFFFFFFC0];
	v4 =	vadd.f32 v9, v4  }
0x134: {  	v8 =	vld [tilespmem:s11+$0x40];
	v3 =	vadd.f32 v10, v3  }
0x135: {  	v9 =	vld [tilespmem:s8+$0xFFFFFF40];
	[tilespmem:s11+$0x30] =	vst v4  }
0x136: {  	[tilespmem:s11+$0xD0] =	vst v3;
	v3 =	vld [tilespmem:s11+$0xE0]  }
0x137: {  	v4 =	vmul.f32 v7, v11;
	v7 =	vld [tilespmem:s7+$0xE0]  }
0x138: {  	v5 =	vmul.f32 v6, v5;
	v6 =	vld [tilespmem:s7+$0x40]  }
0x139: {  	v10 =	vld [tilespmem:s8+$0xE0]  }
0x13a: {  	v4 =	vadd.f32 v9, v4;
	v9 =	vld [tilespmem:s8+$0xFFFFFFC0]  }
0x13b: {  	v11 =	vld [tilespmem:s8+$0x40]  }
0x13c: {  	[tilespmem:s11+$0xFFFFFF40] =	vst v4;
	v4 =	vld [tilespmem:s11+$0xFFFFFF50];
	v3 =	vmul.f32 v7, v3  }
0x13d: {  	v7 =	vld [tilespmem:s7+$0xFFFFFF50];
	v6 =	vmul.f32 v6, v8  }
0x13e: {  	v8 =	vld [tilespmem:s11+$0xFFFFFFD0];
	v3 =	vadd.f32 v10, v3  }
0x13f: {  	v5 =	vadd.f32 v9, v5;
	v9 =	vld [tilespmem:s11+$0x50]  }
0x140: {  	v6 =	vadd.f32 v11, v6;
	[tilespmem:s11+$0xE0] =	vst v3;
	v3 =	vld [tilespmem:s11+$0xF0]  }
0x141: {  	[tilespmem:s11+$0xFFFFFFC0] =	vst v5;
	v5 =	vld [tilespmem:s7+$0xF0]  }
0x142: {  	v4 =	vmul.f32 v7, v4;
	v7 =	vld [tilespmem:s7+$0xFFFFFFD0];
	[tilespmem:s11+$0x40] =	vst v6  }
0x143: {  	v6 =	vld [tilespmem:s8+$0xF0]  }
0x144: {  	v10 =	vld [tilespmem:s7+$0x50]  }
0x145: {  	v11 =	vld [tilespmem:s8+$0xFFFFFF50]  }
0x146: {  	v12 =	vld [tilespmem:s8+$0xFFFFFFD0];
	v3 =	vmul.f32 v5, v3  }
0x147: {  	v5 =	vmul.f32 v7, v8;
	v7 =	vld [tilespmem:s8+$0x50]  }
0x148: {  	v13 =	vld [tilespmem:s11+$0xFFFFFF60];
	v3 =	vadd.f32 v6, v3  }
0x149: {  	v6 =	vld [tilespmem:s11+$0xFFFFFFE0];
	v9 =	vmul.f32 v10, v9  }
0x14a: {  	v4 =	vadd.f32 v11, v4;
	v10 =	vld [tilespmem:s11+$0x60];
	[tilespmem:s11+$0xF0] =	vst v3  }
0x14b: {  	v3 =	vadd.f32 v12, v5;
	v5 =	vld [tilespmem:s12+$0x70];
	s12 =	smov.u32 s7  }
0x14c: {  	[tilespmem:s11+$0xFFFFFF50] =	vst v4;
	v8 =	vld [tilespmem:s11+$0xFFFFFF70];
	v4 =	vadd.f32 v7, v9  }
0x14d: {  	v7 =	vld [tilespmem:s7+$0xFFFFFF60];
	[tilespmem:s11+$0xFFFFFFD0] =	vst v3  }
0x14e: {  	v9 =	vld [tilespmem:s7+$0xFFFFFFE0];
	[tilespmem:s11+$0x50] =	vst v4  }
0x14f: {  	v4 =	vld [tilespmem:s7+$0x60]  }
0x150: {  	v11 =	vld [tilespmem:s8+$0xFFFFFF60];
	v3 =	vmul.f32 v5, v0  }
0x151: {  	v5 =	vld [tilespmem:s8+$0xFFFFFFE0]  }
0x152: {  	v7 =	vmul.f32 v7, v13;
	v13 =	vld [tilespmem:s8+$0x60]  }
0x153: {  	v6 =	vmul.f32 v9, v6;
	v9 =	vld [tilespmem:s11+$0xFFFFFFF0]  }
0x154: {  	v4 =	vmul.f32 v4, v10;
	v0 =	vld [tilespmem:s11+$0x70]  }
.Ltmp0:
0x155: {  	v7 =	vadd.f32 v11, v7;
	v11 =	vld [tilespmem:s10+$0xFFFFFF70];
	(pc) =	sbr.rel @p0 .LBB2_2-.Ltmp0, $4  }
0x156: {  	v5 =	vadd.f32 v5, v6;
	v12 =	vld [tilespmem:s10+$0xFFFFFFF0]  }
0x157: {  	[tilespmem:s11+$0xFFFFFF60] =	vst v7;
	v6 =	vadd.f32 v13, v4;
	v10 =	vld [tilespmem:s10+$0x70];
	s10 =	smov.u32 s8  }
0x158: {  	v7 =	vld [tilespmem:s7+$0xFFFFFF70];
	[tilespmem:s11+$0xFFFFFFE0] =	vst v5  }
0x159: {  	s11 =	sadd.s32 $0x200, s11;
	v4 =	vld [tilespmem:s7+$0xFFFFFFF0];
	[tilespmem:s6+$0x60] =	vst v6  }
0x15a: {  	v5 =	vld [tilespmem:s12+$0x70]  }
0x15b: {  	v6 =	vld [tilespmem:s10+$0xFFFFFF70]  }
0x15c: {  	v13 =	vld [tilespmem:s10+$0xFFFFFFF0]  }
0x15d: {  	v1 =	vadd.f32 v11, v1;
	v11 =	vld [tilespmem:s10+$0x70]  }
0x15e: {  	v2 =	vadd.f32 v12, v2;
	v7 =	vmul.f32 v7, v8  }
0x15f: {  	[tilespmem:s5+$0xFFFFFF70] =	vst v1;
	v1 =	vadd.f32 v10, v3;
	v3 =	vmul.f32 v4, v9  }
0x160: {  	[tilespmem:s5+$0xFFFFFFF0] =	vst v2;
	v0 =	vmul.f32 v5, v0;
	v2 =	vadd.f32 v6, v7  }
0x161: {  	[tilespmem:s5+$0x70] =	vst v1;
	v1 =	vadd.f32 v13, v3  }
0x162: {  	[tilespmem:s6+$0xFFFFFF70] =	vst v2;
	v0 =	vadd.f32 v11, v0  }
0x163: {  	[tilespmem:s6+$0xFFFFFFF0] =	vst v1  }
0x164: {  	[tilespmem:s6+$0x70] =	vst v0  }
0x165: {  	s5 =	rddreg [dreg:$0xc]  }
0x166: {  	[hbm4b:s5+s4] =	stream.linear.scatter [tilespmem:s22], [sflag:$0x7], $0x4000, $0x38;
	[tilespmem:$0x18200] =	vst v63  }
0x167: {  	_ =	swait.ge [sflag:s0], $0x4000  }
0x168: {  	[sflag:s0] =	ssyncset.done $0x0  }
0x169: {  	[sflag:s0] =	ssyncadd.s32 $0xFFFFC000  }
0x16a: {  	[tilespmem:s22], [sflag:$0x1] =	stream.indirect.gather [hbm4b:s1+s19], $0x80, s20, s19, $0xb8;
	[tilespmem:$0x18200] =	vst v63  }
0x16b: {  	s9 =	simm.s32 $0x8200  }
0x16c: {  	[tilespmem:s9], [sflag:$0x3] =	stream.indirect.gather [hbm4b:s2+s19], $0x80, s20, s19, $0xb8;
	[tilespmem:$0x18200] =	vst v63  }
0x16d: {  	s11 =	simm.s32 $0x10200;
	s10 =	rddreg [dreg:$0xd]  }
0x16e: {  	[tilespmem:s11], [sflag:$0x5] =	stream.linear.gather [hbm4b:s10+s4], $0x4000, $0x38;
	[tilespmem:$0x18200] =	vst v63  }
0x16f: {  	_ =	swait.ge [sflag:s3], $0x4000  }
0x170: {  	[sflag:s3] =	ssyncset.done $0x0  }
0x171: {  	[sflag:s3] =	ssyncadd.s32 $0xFFFFC000  }
0x172: {  	_ =	swait.ge [sflag:s23], $0x4000  }
0x173: {  	[sflag:s23] =	ssyncset.done $0x0  }
0x174: {  	[sflag:s23] =	ssyncadd.s32 $0xFFFFC000  }
0x175: {  	_ =	swait.ge [sflag:s24], $0x4000  }
0x176: {  	[sflag:s24] =	ssyncset.done $0x0  }
0x177: {  	s5 =	simm.s32 $0x4300;
	[sflag:s24] =	ssyncadd.s32 $0xFFFFC000  }
0x178: {  	s12 =	simm.s32 $0x14300;
	v0 =	vld [tilespmem:s5+$0x80]  }
0x179: {  	s9 =	simm.s32 $0xC300;
	v1 =	vld [tilespmem:s12+$0x80]  }
0x17a: {  	v2 =	vld [tilespmem:s9+$0x80]  }
0x17b: {  	v3 =	vld [tilespmem:s5+$0xFFFFFF80]  }
0x17c: {  	v5 =	vld [tilespmem:s12+$0xFFFFFF80]  }
0x17d: {  	v6 =	vld [tilespmem:s5+$0x0]  }
0x17e: {  	v7 =	vld [tilespmem:s5+$0xFFFFFF00]  }
0x17f: {  	v8 =	vld [tilespmem:s9+$0xFFFFFF00]  }
0x180: {  	v9 =	vld [tilespmem:s9+$0x0]  }
0x181: {  	v10 =	vld [tilespmem:s5+$0xFFFFFF60]  }
0x182: {  	s7 =	simm.s32 $0x14500;
	v11 =	vld [tilespmem:s5+$0xFFFFFFE0]  }
0x183: {  	s8 =	simm.s32 $0xC500;
	v13 =	vld [tilespmem:s7+$0x80]  }
0x184: {  	v14 =	vld [tilespmem:s8+$0x80]  }
0x185: {  	s6 =	simm.s32 $0x4500;
	v16 =	vld [tilespmem:s7+$0xFFFFFF80];
	v0 =	vmul.f32 v1, v0  }
0x186: {  	v17 =	vld [tilespmem:s6+$0x0]  }
0x187: {  	v18 =	vld [tilespmem:s6+$0xFFFFFF00];
	v0 =	vadd.f32 v2, v0  }
0x188: {  	v19 =	vld [tilespmem:s8+$0xFFFFFF00]  }
0x189: {  	[tilespmem:s5+$0x80] =	vst v0;
	v0 =	vld [tilespmem:s5+$0x90]  }
0x18a: {  	v2 =	vld [tilespmem:s12+$0x90]  }
0x18b: {  	v20 =	vld [tilespmem:s8+$0x0]  }
0x18c: {  	v4 =	vld [tilespmem:s9+$0x90]  }
0x18d: {  	v29 =	vld [tilespmem:s6+$0xFFFFFF10]  }
0x18e: {  	v1 =	vld [tilespmem:s12+$0xFFFFFF00]  }
0x18f: {  	v31 =	vld [tilespmem:s6+$0xFFFFFF90];
	v0 =	vmul.f32 v2, v0  }
0x190: {  	v36 =	vld [tilespmem:s6+$0xFFFFFF20]  }
0x191: {  	v2 =	vld [tilespmem:s12+$0x0];
	v0 =	vadd.f32 v4, v0  }
0x192: {  	v4 =	vld [tilespmem:s9+$0xFFFFFF80]  }
0x193: {  	[tilespmem:s5+$0x90] =	vst v0;
	v0 =	vmul.f32 v1, v7;
	v1 =	vld [tilespmem:s5+$0xA0]  }
0x194: {  	v7 =	vld [tilespmem:s12+$0xA0]  }
0x195: {  	v3 =	vmul.f32 v5, v3;
	v5 =	vld [tilespmem:s9+$0xA0]  }
0x196: {  	v2 =	vmul.f32 v2, v6;
	v6 =	vld [tilespmem:s5+$0xFFFFFF90];
	v0 =	vadd.f32 v8, v0  }
0x197: {  	v8 =	vld [tilespmem:s5+$0xFFFFFF10]  }
0x198: {  	v2 =	vadd.f32 v9, v2;
	[tilespmem:s5+$0xFFFFFF00] =	vst v0;
	v0 =	vadd.f32 v4, v3;
	v4 =	vld [tilespmem:s5+$0x10]  }
0x199: {  	v3 =	vld [tilespmem:s12+$0xFFFFFF10]  }
0x19a: {  	[tilespmem:s5+$0x0] =	vst v2;
	v1 =	vmul.f32 v7, v1;
	v7 =	vld [tilespmem:s9+$0xFFFFFF10]  }
0x19b: {  	[tilespmem:s5+$0xFFFFFF80] =	vst v0;
	v2 =	vld [tilespmem:s12+$0x10]  }
0x19c: {  	v0 =	vld [tilespmem:s12+$0xFFFFFF90];
	v1 =	vadd.f32 v5, v1  }
0x19d: {  	v5 =	vld [tilespmem:s9+$0xFFFFFF90]  }
0x19e: {  	v3 =	vmul.f32 v3, v8;
	[tilespmem:s5+$0xA0] =	vst v1;
	v1 =	vld [tilespmem:s5+$0xB0]  }
0x19f: {  	v8 =	vld [tilespmem:s9+$0x10]  }
0x1a0: {  	v3 =	vadd.f32 v7, v3;
	v7 =	vld [tilespmem:s12+$0xB0]  }
0x1a1: {  	v0 =	vmul.f32 v0, v6;
	v6 =	vld [tilespmem:s5+$0xFFFFFF20]  }
0x1a2: {  	[tilespmem:s5+$0xFFFFFF10] =	vst v3;
	v3 =	vld [tilespmem:s9+$0xB0]  }
0x1a3: {  	v0 =	vadd.f32 v5, v0;
	v5 =	vld [tilespmem:s5+$0xFFFFFFA0]  }
0x1a4: {  	v2 =	vmul.f32 v2, v4;
	v9 =	vld [tilespmem:s12+$0xFFFFFF20]  }
0x1a5: {  	[tilespmem:s5+$0xFFFFFF90] =	vst v0;
	v0 =	vld [tilespmem:s5+$0x20]  }
0x1a6: {  	v2 =	vadd.f32 v8, v2;
	v1 =	vmul.f32 v7, v1;
	v4 =	vld [tilespmem:s12+$0xFFFFFFA0]  }
0x1a7: {  	v7 =	vld [tilespmem:s9+$0xFFFFFFA0]  }
0x1a8: {  	[tilespmem:s5+$0x10] =	vst v2;
	v1 =	vadd.f32 v3, v1;
	v3 =	vld [tilespmem:s9+$0xFFFFFF20]  }
0x1a9: {  	v8 =	vld [tilespmem:s12+$0x20]  }
0x1aa: {  	[tilespmem:s5+$0xB0] =	vst v1;
	v1 =	vld [tilespmem:s5+$0xC0]  }
0x1ab: {  	v6 =	vmul.f32 v9, v6;
	v2 =	vld [tilespmem:s12+$0xC0]  }
0x1ac: {  	v9 =	vld [tilespmem:s9+$0x20]  }
0x1ad: {  	v4 =	vmul.f32 v4, v5;
	v5 =	vld [tilespmem:s9+$0xC0];
	v3 =	vadd.f32 v3, v6  }
0x1ae: {  	v6 =	vld [tilespmem:s5+$0xFFFFFF30]  }
0x1af: {  	v0 =	vmul.f32 v8, v0;
	v4 =	vadd.f32 v7, v4;
	v7 =	vld [tilespmem:s5+$0xFFFFFFB0];
	[tilespmem:s5+$0xFFFFFF20] =	vst v3  }
0x1b0: {  	v1 =	vmul.f32 v2, v1;
	v2 =	vld [tilespmem:s12+$0xFFFFFF30]  }
0x1b1: {  	v0 =	vadd.f32 v9, v0;
	v9 =	vld [tilespmem:s5+$0x30]  }
0x1b2: {  	[tilespmem:s5+$0xFFFFFFA0] =	vst v4;
	v4 =	vld [tilespmem:s9+$0xFFFFFF30];
	v1 =	vadd.f32 v5, v1  }
0x1b3: {  	v3 =	vld [tilespmem:s12+$0xFFFFFFB0]  }
0x1b4: {  	[tilespmem:s5+$0xC0] =	vst v1;
	v1 =	vld [tilespmem:s5+$0xD0]  }
0x1b5: {  	[tilespmem:s5+$0x20] =	vst v0;
	v0 =	vld [tilespmem:s12+$0xD0];
	v2 =	vmul.f32 v2, v6  }
0x1b6: {  	v5 =	vld [tilespmem:s9+$0xFFFFFFB0]  }
0x1b7: {  	v6 =	vld [tilespmem:s9+$0xD0];
	v2 =	vadd.f32 v4, v2  }
0x1b8: {  	v8 =	vld [tilespmem:s12+$0x30]  }
0x1b9: {  	v3 =	vmul.f32 v3, v7;
	v4 =	vld [tilespmem:s5+$0xFFFFFF40];
	[tilespmem:s5+$0xFFFFFF30] =	vst v2  }
0x1ba: {  	v0 =	vmul.f32 v0, v1;
	v2 =	vld [tilespmem:s12+$0xFFFFFF40]  }
0x1bb: {  	v7 =	vld [tilespmem:s9+$0x30];
	v3 =	vadd.f32 v5, v3  }
0x1bc: {  	v0 =	vadd.f32 v6, v0;
	v6 =	vld [tilespmem:s9+$0xFFFFFF40]  }
0x1bd: {  	[tilespmem:s5+$0xFFFFFFB0] =	vst v3;
	v1 =	vld [tilespmem:s5+$0xFFFFFFC0]  }
0x1be: {  	v5 =	vmul.f32 v8, v9;
	v3 =	vld [tilespmem:s12+$0xFFFFFFC0]  }
0x1bf: {  	[tilespmem:s5+$0xD0] =	vst v0;
	v0 =	vld [tilespmem:s5+$0xE0];
	v2 =	vmul.f32 v2, v4  }
0x1c0: {  	v5 =	vadd.f32 v7, v5;
	v7 =	vld [tilespmem:s12+$0xE0]  }
0x1c1: {  	v2 =	vadd.f32 v6, v2;
	v6 =	vld [tilespmem:s9+$0xFFFFFFC0]  }
0x1c2: {  	v8 =	vld [tilespmem:s5+$0x40]  }
0x1c3: {  	[tilespmem:s5+$0x30] =	vst v5;
	v4 =	vld [tilespmem:s9+$0xE0]  }
0x1c4: {  	v5 =	vld [tilespmem:s12+$0x40];
	v1 =	vmul.f32 v3, v1  }
0x1c5: {  	v38 =	vld [tilespmem:s6+$0xFFFFFFA0]  }
0x1c6: {  	v9 =	vld [tilespmem:s9+$0x40];
	v0 =	vmul.f32 v7, v0;
	v1 =	vadd.f32 v6, v1  }
0x1c7: {  	v7 =	vld [tilespmem:s5+$0xFFFFFF50]  }
0x1c8: {  	v0 =	vadd.f32 v4, v0;
	v4 =	vld [tilespmem:s5+$0xFFFFFFD0];
	[tilespmem:s5+$0xFFFFFFC0] =	vst v1  }
0x1c9: {  	[tilespmem:s5+$0xFFFFFF40] =	vst v2;
	v2 =	vmul.f32 v5, v8;
	v5 =	vld [tilespmem:s12+$0xFFFFFFD0]  }
0x1ca: {  	v3 =	vld [tilespmem:s12+$0xFFFFFF50]  }
0x1cb: {  	v2 =	vadd.f32 v9, v2;
	v9 =	vld [tilespmem:s9+$0xFFFFFFD0]  }
0x1cc: {  	v43 =	vld [tilespmem:s6+$0xFFFFFF30]  }
0x1cd: {  	v8 =	vld [tilespmem:s9+$0xFFFFFF50]  }
0x1ce: {  	v6 =	vld [tilespmem:s5+$0x50];
	[tilespmem:s5+$0x40] =	vst v2;
	v4 =	vmul.f32 v5, v4  }
0x1cf: {  	v3 =	vmul.f32 v3, v7;
	v7 =	vld [tilespmem:s12+$0x50]  }
0x1d0: {  	v44 =	vld [tilespmem:s6+$0xFFFFFFB0];
	v4 =	vadd.f32 v9, v4  }
0x1d1: {  	v48 =	vld [tilespmem:s6+$0x30]  }
0x1d2: {  	v53 =	vld [tilespmem:s6+$0x40];
	v3 =	vadd.f32 v8, v3;
	[tilespmem:s5+$0xFFFFFFD0] =	vst v4  }
0x1d3: {  	v4 =	vld [tilespmem:s12+$0xFFFFFFE0]  }
0x1d4: {  	[tilespmem:s5+$0xFFFFFF50] =	vst v3;
	v3 =	vmul.f32 v7, v6;
	v7 =	vld [tilespmem:s6+$0x80]  }
0x1d5: {  	v6 =	vld [tilespmem:s9+$0xFFFFFFE0]  }
0x1d6: {  	v56 =	vld [tilespmem:s6+$0x50]  }
0x1d7: {  	v57 =	vld [tilespmem:s6+$0xF0]  }
0x1d8: {  	v5 =	vld [tilespmem:s9+$0x50];
	v11 =	vmul.f32 v4, v11  }
0x1d9: {  	[tilespmem:s5+$0xE0] =	vst v0;
	v0 =	vld [tilespmem:s5+$0xF0]  }
0x1da: {  	v9 =	vld [tilespmem:s12+$0xFFFFFF60];
	v6 =	vadd.f32 v6, v11;
	v11 =	vmul.f32 v13, v7  }
0x1db: {  	v1 =	vld [tilespmem:s12+$0xF0]  }
0x1dc: {  	v12 =	vld [tilespmem:s9+$0xFFFFFF60];
	v11 =	vadd.f32 v14, v11  }
0x1dd: {  	v2 =	vld [tilespmem:s9+$0xF0];
	v5 =	vadd.f32 v5, v3  }
0x1de: {  	[tilespmem:s6+$0x80] =	vst v11;
	v11 =	vld [tilespmem:s6+$0x90]  }
0x1df: {  	[tilespmem:s5+$0x50] =	vst v5;
	v5 =	vmul.f32 v9, v10;
	v13 =	vld [tilespmem:s7+$0x90]  }
0x1e0: {  	v61 =	vld [tilespmem:s6+$0x60]  }
0x1e1: {  	v12 =	vadd.f32 v12, v5;
	v15 =	vld [tilespmem:s8+$0x90]  }
0x1e2: {  	v8 =	vld [tilespmem:s5+$0x60];
	v0 =	vmul.f32 v1, v0  }
0x1e3: {  	[tilespmem:s5+$0xFFFFFF60] =	vst v12;
	v12 =	vld [tilespmem:s7+$0xFFFFFF00]  }
0x1e4: {  	v2 =	vadd.f32 v2, v0;
	v0 =	vld [tilespmem:s6+$0x70];
	v11 =	vmul.f32 v13, v11  }
0x1e5: {  	v3 =	vld [tilespmem:s5+$0xFFFFFF70]  }
0x1e6: {  	v14 =	vld [tilespmem:s6+$0xFFFFFF80];
	v11 =	vadd.f32 v15, v11  }
0x1e7: {  	v10 =	vld [tilespmem:s12+$0x60]  }
0x1e8: {  	v15 =	vld [tilespmem:s8+$0xFFFFFF80];
	[tilespmem:s6+$0x90] =	vst v11;
	v11 =	vmul.f32 v12, v18  }
0x1e9: {  	v12 =	vld [tilespmem:s6+$0xA0]  }
0x1ea: {  	v28 =	vld [tilespmem:s7+$0xA0];
	v11 =	vadd.f32 v19, v11  }
0x1eb: {  	v14 =	vmul.f32 v16, v14;
	v13 =	vld [tilespmem:s7+$0x0]  }
0x1ec: {  	v30 =	vld [tilespmem:s8+$0xA0];
	[tilespmem:s6+$0xFFFFFF00] =	vst v11  }
0x1ed: {  	v11 =	vadd.f32 v15, v14;
	v14 =	vld [tilespmem:s7+$0xFFFFFF10]  }
0x1ee: {  	v9 =	vld [tilespmem:s9+$0x60]  }
0x1ef: {  	v32 =	vld [tilespmem:s8+$0xFFFFFF10];
	v12 =	vmul.f32 v28, v12;
	[tilespmem:s6+$0xFFFFFF80] =	vst v11  }
0x1f0: {  	v13 =	vmul.f32 v13, v17;
	v11 =	vld [tilespmem:s7+$0xFFFFFF90]  }
0x1f1: {  	v15 =	vld [tilespmem:s6+$0x10];
	v12 =	vadd.f32 v30, v12  }
0x1f2: {  	v13 =	vadd.f32 v20, v13;
	v33 =	vld [tilespmem:s8+$0xFFFFFF90];
	v14 =	vmul.f32 v14, v29  }
0x1f3: {  	[tilespmem:s6+$0xA0] =	vst v12;
	v12 =	vld [tilespmem:s6+$0xB0]  }
0x1f4: {  	[tilespmem:s6+$0x0] =	vst v13;
	v34 =	vld [tilespmem:s7+$0xB0];
	v14 =	vadd.f32 v32, v14  }
0x1f5: {  	v13 =	vld [tilespmem:s7+$0x10];
	v11 =	vmul.f32 v11, v31  }
0x1f6: {  	[tilespmem:s6+$0xFFFFFF10] =	vst v14;
	v14 =	vld [tilespmem:s8+$0xB0]  }
0x1f7: {  	v35 =	vld [tilespmem:s8+$0x10];
	v11 =	vadd.f32 v33, v11  }
0x1f8: {  	v37 =	vld [tilespmem:s7+$0xFFFFFF20]  }
0x1f9: {  	v12 =	vmul.f32 v34, v12;
	[tilespmem:s6+$0xFFFFFF90] =	vst v11;
	v11 =	vld [tilespmem:s6+$0x20]  }
0x1fa: {  	v13 =	vmul.f32 v13, v15;
	v15 =	vld [tilespmem:s7+$0xFFFFFFA0]  }
0x1fb: {  	v12 =	vadd.f32 v14, v12;
	v14 =	vld [tilespmem:s8+$0xFFFFFF20]  }
0x1fc: {  	v13 =	vadd.f32 v35, v13;
	v39 =	vld [tilespmem:s8+$0xFFFFFFA0]  }
0x1fd: {  	[tilespmem:s6+$0xB0] =	vst v12;
	v12 =	vld [tilespmem:s6+$0xC0]  }
0x1fe: {  	[tilespmem:s6+$0x10] =	vst v13;
	v17 =	vmul.f32 v37, v36;
	v13 =	vld [tilespmem:s7+$0xC0]  }
0x1ff: {  	v40 =	vld [tilespmem:s7+$0x20];
	v15 =	vmul.f32 v15, v38  }
0x200: {  	v41 =	vld [tilespmem:s8+$0xC0];
	v14 =	vadd.f32 v14, v17  }
0x201: {  	v42 =	vld [tilespmem:s8+$0x20];
	v15 =	vadd.f32 v39, v15  }
0x202: {  	v5 =	vld [tilespmem:s5+$0x70];
	[tilespmem:s6+$0xFFFFFF20] =	vst v14  }
0x203: {  	[tilespmem:s6+$0xFFFFFFA0] =	vst v15;
	v12 =	vmul.f32 v13, v12;
	v13 =	vld [tilespmem:s7+$0xFFFFFF30]  }
0x204: {  	v11 =	vmul.f32 v40, v11;
	v14 =	vld [tilespmem:s7+$0xFFFFFFB0]  }
0x205: {  	v15 =	vld [tilespmem:s8+$0xFFFFFF30];
	v12 =	vadd.f32 v41, v12  }
0x206: {  	v11 =	vadd.f32 v42, v11;
	v45 =	vld [tilespmem:s8+$0xFFFFFFB0]  }
0x207: {  	[tilespmem:s6+$0xC0] =	vst v12;
	v12 =	vld [tilespmem:s6+$0xD0]  }
0x208: {  	[tilespmem:s6+$0x20] =	vst v11;
	v11 =	vld [tilespmem:s7+$0xD0]  }
0x209: {  	v46 =	vld [tilespmem:s7+$0x30];
	v13 =	vmul.f32 v13, v43  }
0x20a: {  	v47 =	vld [tilespmem:s8+$0xD0];
	v14 =	vmul.f32 v14, v44  }
0x20b: {  	v49 =	vld [tilespmem:s8+$0x30];
	v13 =	vadd.f32 v15, v13  }
0x20c: {  	v15 =	vld [tilespmem:s6+$0xFFFFFF40];
	v14 =	vadd.f32 v45, v14  }
0x20d: {  	[tilespmem:s6+$0xFFFFFF30] =	vst v13;
	v11 =	vmul.f32 v11, v12;
	v12 =	vld [tilespmem:s6+$0xFFFFFFC0]  }
0x20e: {  	[tilespmem:s6+$0xFFFFFFB0] =	vst v14;
	v13 =	vld [tilespmem:s7+$0xFFFFFF40]  }
0x20f: {  	v14 =	vld [tilespmem:s7+$0xFFFFFFC0];
	v11 =	vadd.f32 v47, v11  }
0x210: {  	v51 =	vld [tilespmem:s8+$0xFFFFFF40]  }
0x211: {  	v50 =	vmul.f32 v46, v48;
	[tilespmem:s6+$0xD0] =	vst v11;
	v11 =	vld [tilespmem:s6+$0xE0]  }
0x212: {  	v52 =	vld [tilespmem:s7+$0xE0]  }
0x213: {  	v16 =	vadd.f32 v49, v50;
	v54 =	vld [tilespmem:s8+$0xFFFFFFC0]  }
0x214: {  	v13 =	vmul.f32 v13, v15;
	v15 =	vld [tilespmem:s8+$0xE0]  }
0x215: {  	v4 =	vld [tilespmem:s5+$0xFFFFFFF0];
	[tilespmem:s6+$0x30] =	vst v16  }
0x216: {  	v16 =	vld [tilespmem:s7+$0x40];
	v12 =	vmul.f32 v14, v12  }
0x217: {  	v7 =	vld [tilespmem:s12+$0xFFFFFF70];
	v13 =	vadd.f32 v51, v13;
	v11 =	vmul.f32 v52, v11  }
0x218: {  	[tilespmem:s5+$0xFFFFFFE0] =	vst v6;
	v55 =	vld [tilespmem:s8+$0x40];
	v12 =	vadd.f32 v54, v12  }
0x219: {  	v6 =	vld [tilespmem:s12+$0xFFFFFFF0];
	[tilespmem:s6+$0xFFFFFF40] =	vst v13;
	v11 =	vadd.f32 v15, v11  }
0x21a: {  	v13 =	vld [tilespmem:s6+$0xFFFFFF50];
	[tilespmem:s6+$0xFFFFFFC0] =	vst v12  }
0x21b: {  	v58 =	vld [tilespmem:s7+$0xFFFFFFD0];
	[tilespmem:s6+$0xE0] =	vst v11;
	v11 =	vmul.f32 v16, v53  }
0x21c: {  	v15 =	vld [tilespmem:s6+$0xFFFFFFD0]  }
0x21d: {  	v14 =	vld [tilespmem:s7+$0xFFFFFF50];
	v11 =	vadd.f32 v55, v11  }
0x21e: {  	v8 =	vmul.f32 v10, v8;
	v10 =	vld [tilespmem:s8+$0xFFFFFFD0]  }
0x21f: {  	[tilespmem:s6+$0x40] =	vst v11;
	v11 =	vld [tilespmem:s8+$0xFFFFFF50]  }
0x220: {  	v60 =	vld [tilespmem:s7+$0x50]  }
0x221: {  	v8 =	vadd.f32 v9, v8;
	v9 =	vld [tilespmem:s6+$0xFFFFFF60];
	v15 =	vmul.f32 v58, v15  }
0x222: {  	v13 =	vmul.f32 v14, v13;
	v14 =	vld [tilespmem:s8+$0x50]  }
0x223: {  	[tilespmem:s5+$0x60] =	vst v8;
	v8 =	vld [tilespmem:s6+$0xFFFFFF70];
	v10 =	vadd.f32 v10, v15  }
0x224: {  	v12 =	vld [tilespmem:s7+$0xF0]  }
0x225: {  	v59 =	vld [tilespmem:s8+$0xF0];
	[tilespmem:s6+$0xFFFFFFD0] =	vst v10;
	v11 =	vadd.f32 v11, v13;
	v17 =	vmul.f32 v60, v56  }
0x226: {  	v10 =	vld [tilespmem:s7+$0xFFFFFFE0]  }
0x227: {  	v13 =	vld [tilespmem:s6+$0xFFFFFFE0];
	[tilespmem:s6+$0xFFFFFF50] =	vst v11;
	v11 =	vadd.f32 v14, v17  }
0x228: {  	v14 =	vld [tilespmem:s7+$0xFFFFFF60]  }
0x229: {  	v62 =	vld [tilespmem:s8+$0xFFFFFF60];
	[tilespmem:s6+$0x50] =	vst v11  }
0x22a: {  	v12 =	vmul.f32 v12, v57;
	v11 =	vld [tilespmem:s7+$0x60]  }
0x22b: {  	v1 =	vld [tilespmem:s8+$0xFFFFFFE0]  }
0x22c: {  	v12 =	vadd.f32 v59, v12;
	v63 =	vld [tilespmem:s8+$0x60]  }
0x22d: {  	v15 =	vld [tilespmem:s12+$0x70];
	v14 =	vmul.f32 v14, v9  }
0x22e: {  	[tilespmem:s6+$0xF0] =	vst v12;
	v12 =	vld [tilespmem:s9+$0xFFFFFFF0];
	v10 =	vmul.f32 v10, v13  }
0x22f: {  	[tilespmem:s5+$0xF0] =	vst v2;
	v13 =	vadd.f32 v62, v14;
	v2 =	vmul.f32 v11, v61;
	v11 =	vld [tilespmem:s9+$0xFFFFFF70]  }
0x230: {  	v9 =	vld [tilespmem:s6+$0xFFFFFFF0];
	v14 =	vadd.f32 v1, v10  }
0x231: {  	v10 =	vld [tilespmem:s9+$0x70];
	[tilespmem:s6+$0xFFFFFF60] =	vst v13;
	v13 =	vadd.f32 v63, v2  }
0x232: {  	s11 =	simm.s32 $0x4700;
	v1 =	vmul.f32 v7, v3;
	[tilespmem:s6+$0xFFFFFFE0] =	vst v14;
	v7 =	vld [tilespmem:s7+$0xFFFFFF70]  }
0x233: {  	s10 =	simm.s32 $0xC500;
	s12 =	simm.s32 $0x14500;
	v3 =	vmul.f32 v15, v5;
	s9 =	simm.s32 $0x4;
	v2 =	vmul.f32 v6, v4;
	v4 =	vld [tilespmem:s7+$0xFFFFFFF0];
	[tilespmem:s6+$0x60] =	vst v13  }
.LBB2_4:
0x234: {  	v5 =	vld [tilespmem:s11+$0x80];
	s7 =	sadd.s32 $0x200, s7;
	v1 =	vadd.f32 v11, v1  }
0x235: {  	s9 =	sadd.s32 $0x4, s9;
	v6 =	vld [tilespmem:s7+$0x80];
	v2 =	vadd.f32 v12, v2  }
0x236: {  	s8 =	sadd.s32 $0x200, s8;
	p0 =	slt.u32 s9, $0x7C;
	v11 =	vld [tilespmem:s7+$0xFFFFFF00];
	[tilespmem:s5+$0xFFFFFF70] =	vst v1;
	v3 =	vadd.f32 v10, v3  }
0x237: {  	v10 =	vld [tilespmem:s8+$0x80];
	v1 =	vmul.f32 v7, v8;
	[tilespmem:s5+$0xFFFFFFF0] =	vst v2  }
0x238: {  	v7 =	vld [tilespmem:s11+$0xFFFFFF80];
	v2 =	vmul.f32 v4, v9;
	[tilespmem:s5+$0x70] =	vst v3;
	s5 =	smov.u32 s6;
	s6 =	smov.u32 s11  }
0x239: {  	v3 =	vld [tilespmem:s7+$0xFFFFFF80]  }
0x23a: {  	v4 =	vld [tilespmem:s11+$0x0];
	v5 =	vmul.f32 v6, v5  }
0x23b: {  	v6 =	vld [tilespmem:s7+$0x0]  }
0x23c: {  	v8 =	vld [tilespmem:s11+$0xFFFFFF00];
	v5 =	vadd.f32 v10, v5  }
0x23d: {  	v9 =	vld [tilespmem:s8+$0xFFFFFF00]  }
0x23e: {  	v3 =	vmul.f32 v3, v7;
	[tilespmem:s11+$0x80] =	vst v5;
	v5 =	vld [tilespmem:s11+$0x90]  }
0x23f: {  	v7 =	vld [tilespmem:s7+$0x90]  }
0x240: {  	v10 =	vld [tilespmem:s8+$0xFFFFFF80];
	v4 =	vmul.f32 v6, v4  }
0x241: {  	v6 =	vmul.f32 v11, v8;
	v8 =	vld [tilespmem:s8+$0x90]  }
0x242: {  	v11 =	vld [tilespmem:s8+$0x0]  }
0x243: {  	v6 =	vadd.f32 v9, v6;
	v9 =	vld [tilespmem:s11+$0xFFFFFF10]  }
0x244: {  	v12 =	vld [tilespmem:s11+$0xFFFFFF90];
	v5 =	vmul.f32 v7, v5  }
0x245: {  	[tilespmem:s11+$0xFFFFFF00] =	vst v6;
	v3 =	vadd.f32 v10, v3;
	v6 =	vld [tilespmem:s11+$0x10]  }
0x246: {  	v7 =	vld [tilespmem:s7+$0xFFFFFF10];
	v5 =	vadd.f32 v8, v5  }
0x247: {  	v8 =	vld [tilespmem:s8+$0xFFFFFF10];
	[tilespmem:s11+$0xFFFFFF80] =	vst v3;
	v3 =	vadd.f32 v11, v4  }
0x248: {  	[tilespmem:s11+$0x90] =	vst v5;
	v4 =	vld [tilespmem:s11+$0xA0]  }
0x249: {  	[tilespmem:s11+$0x0] =	vst v3;
	v3 =	vld [tilespmem:s7+$0xA0]  }
0x24a: {  	v5 =	vld [tilespmem:s7+$0xFFFFFF90]  }
0x24b: {  	v7 =	vmul.f32 v7, v9;
	v9 =	vld [tilespmem:s8+$0xA0]  }
0x24c: {  	v10 =	vld [tilespmem:s7+$0x10]  }
0x24d: {  	v7 =	vadd.f32 v8, v7;
	v8 =	vld [tilespmem:s8+$0xFFFFFF90]  }
0x24e: {  	v11 =	vld [tilespmem:s8+$0x10];
	v3 =	vmul.f32 v3, v4  }
0x24f: {  	[tilespmem:s11+$0xFFFFFF10] =	vst v7;
	v4 =	vld [tilespmem:s11+$0xFFFFFF20];
	v5 =	vmul.f32 v5, v12  }
0x250: {  	v7 =	vld [tilespmem:s7+$0xFFFFFF20];
	v3 =	vadd.f32 v9, v3  }
0x251: {  	v9 =	vld [tilespmem:s11+$0xFFFFFFA0];
	v6 =	vmul.f32 v10, v6  }
0x252: {  	v5 =	vadd.f32 v8, v5;
	[tilespmem:s11+$0xA0] =	vst v3;
	v3 =	vld [tilespmem:s11+$0xB0]  }
0x253: {  	v6 =	vadd.f32 v11, v6;
	v8 =	vld [tilespmem:s7+$0xB0]  }
0x254: {  	[tilespmem:s11+$0xFFFFFF90] =	vst v5;
	v5 =	vld [tilespmem:s11+$0x20]  }
0x255: {  	v4 =	vmul.f32 v7, v4;
	[tilespmem:s11+$0x10] =	vst v6;
	v6 =	vld [tilespmem:s8+$0xB0]  }
0x256: {  	v7 =	vld [tilespmem:s7+$0xFFFFFFA0]  }
0x257: {  	v10 =	vld [tilespmem:s7+$0x20]  }
0x258: {  	v11 =	vld [tilespmem:s8+$0xFFFFFF20];
	v3 =	vmul.f32 v8, v3  }
0x259: {  	v8 =	vld [tilespmem:s8+$0xFFFFFFA0]  }
0x25a: {  	v12 =	vld [tilespmem:s8+$0x20];
	v3 =	vadd.f32 v6, v3  }
0x25b: {  	v6 =	vld [tilespmem:s11+$0xFFFFFF30];
	v7 =	vmul.f32 v7, v9  }
0x25c: {  	v5 =	vmul.f32 v10, v5;
	[tilespmem:s11+$0xB0] =	vst v3;
	v3 =	vld [tilespmem:s11+$0xC0]  }
0x25d: {  	v4 =	vadd.f32 v11, v4;
	v9 =	vld [tilespmem:s7+$0xC0]  }
0x25e: {  	v7 =	vadd.f32 v8, v7;
	v8 =	vld [tilespmem:s11+$0xFFFFFFB0]  }
0x25f: {  	[tilespmem:s11+$0xFFFFFF20] =	vst v4;
	v4 =	vadd.f32 v12, v5;
	v5 =	vld [tilespmem:s8+$0xC0]  }
0x260: {  	v10 =	vld [tilespmem:s7+$0xFFFFFF30];
	[tilespmem:s11+$0xFFFFFFA0] =	vst v7  }
0x261: {  	v7 =	vld [tilespmem:s7+$0xFFFFFFB0];
	[tilespmem:s11+$0x20] =	vst v4  }
0x262: {  	v4 =	vld [tilespmem:s7+$0x30];
	v3 =	vmul.f32 v9, v3  }
0x263: {  	v9 =	vld [tilespmem:s11+$0x30]  }
0x264: {  	v11 =	vld [tilespmem:s8+$0xFFFFFF30];
	v3 =	vadd.f32 v5, v3  }
0x265: {  	v5 =	vmul.f32 v10, v6;
	v6 =	vld [tilespmem:s8+$0xFFFFFFB0]  }
0x266: {  	v7 =	vmul.f32 v7, v8;
	[tilespmem:s11+$0xC0] =	vst v3;
	v3 =	vld [tilespmem:s11+$0xD0]  }
0x267: {  	v8 =	vld [tilespmem:s7+$0xD0]  }
0x268: {  	v4 =	vmul.f32 v4, v9;
	v9 =	vld [tilespmem:s8+$0x30]  }
0x269: {  	v5 =	vadd.f32 v11, v5;
	v10 =	vld [tilespmem:s8+$0xD0]  }
0x26a: {  	v11 =	vld [tilespmem:s11+$0xFFFFFF40];
	v6 =	vadd.f32 v6, v7  }
0x26b: {  	[tilespmem:s11+$0xFFFFFF30] =	vst v5;
	v5 =	vld [tilespmem:s11+$0xFFFFFFC0]  }
0x26c: {  	v7 =	vld [tilespmem:s7+$0xFFFFFF40];
	[tilespmem:s11+$0xFFFFFFB0] =	vst v6;
	v3 =	vmul.f32 v8, v3  }
0x26d: {  	v6 =	vld [tilespmem:s7+$0xFFFFFFC0];
	v4 =	vadd.f32 v9, v4  }
0x26e: {  	v8 =	vld [tilespmem:s11+$0x40];
	v3 =	vadd.f32 v10, v3  }
0x26f: {  	v9 =	vld [tilespmem:s8+$0xFFFFFF40];
	[tilespmem:s11+$0x30] =	vst v4  }
0x270: {  	[tilespmem:s11+$0xD0] =	vst v3;
	v3 =	vld [tilespmem:s11+$0xE0]  }
0x271: {  	v4 =	vmul.f32 v7, v11;
	v7 =	vld [tilespmem:s7+$0xE0]  }
0x272: {  	v5 =	vmul.f32 v6, v5;
	v6 =	vld [tilespmem:s7+$0x40]  }
0x273: {  	v10 =	vld [tilespmem:s8+$0xE0]  }
0x274: {  	v4 =	vadd.f32 v9, v4;
	v9 =	vld [tilespmem:s8+$0xFFFFFFC0]  }
0x275: {  	v11 =	vld [tilespmem:s8+$0x40]  }
0x276: {  	[tilespmem:s11+$0xFFFFFF40] =	vst v4;
	v4 =	vld [tilespmem:s11+$0xFFFFFF50];
	v3 =	vmul.f32 v7, v3  }
0x277: {  	v7 =	vld [tilespmem:s7+$0xFFFFFF50];
	v6 =	vmul.f32 v6, v8  }
0x278: {  	v8 =	vld [tilespmem:s11+$0xFFFFFFD0];
	v3 =	vadd.f32 v10, v3  }
0x279: {  	v5 =	vadd.f32 v9, v5;
	v9 =	vld [tilespmem:s11+$0x50]  }
0x27a: {  	v6 =	vadd.f32 v11, v6;
	[tilespmem:s11+$0xE0] =	vst v3;
	v3 =	vld [tilespmem:s11+$0xF0]  }
0x27b: {  	[tilespmem:s11+$0xFFFFFFC0] =	vst v5;
	v5 =	vld [tilespmem:s7+$0xF0]  }
0x27c: {  	v4 =	vmul.f32 v7, v4;
	v7 =	vld [tilespmem:s7+$0xFFFFFFD0];
	[tilespmem:s11+$0x40] =	vst v6  }
0x27d: {  	v6 =	vld [tilespmem:s8+$0xF0]  }
0x27e: {  	v10 =	vld [tilespmem:s7+$0x50]  }
0x27f: {  	v11 =	vld [tilespmem:s8+$0xFFFFFF50]  }
0x280: {  	v12 =	vld [tilespmem:s8+$0xFFFFFFD0];
	v3 =	vmul.f32 v5, v3  }
0x281: {  	v5 =	vmul.f32 v7, v8;
	v7 =	vld [tilespmem:s8+$0x50]  }
0x282: {  	v13 =	vld [tilespmem:s11+$0xFFFFFF60];
	v3 =	vadd.f32 v6, v3  }
0x283: {  	v6 =	vld [tilespmem:s11+$0xFFFFFFE0];
	v9 =	vmul.f32 v10, v9  }
0x284: {  	v4 =	vadd.f32 v11, v4;
	v10 =	vld [tilespmem:s11+$0x60];
	[tilespmem:s11+$0xF0] =	vst v3  }
0x285: {  	v3 =	vadd.f32 v12, v5;
	v5 =	vld [tilespmem:s12+$0x70];
	s12 =	smov.u32 s7  }
0x286: {  	[tilespmem:s11+$0xFFFFFF50] =	vst v4;
	v8 =	vld [tilespmem:s11+$0xFFFFFF70];
	v4 =	vadd.f32 v7, v9  }
0x287: {  	v7 =	vld [tilespmem:s7+$0xFFFFFF60];
	[tilespmem:s11+$0xFFFFFFD0] =	vst v3  }
0x288: {  	v9 =	vld [tilespmem:s7+$0xFFFFFFE0];
	[tilespmem:s11+$0x50] =	vst v4  }
0x289: {  	v4 =	vld [tilespmem:s7+$0x60]  }
0x28a: {  	v11 =	vld [tilespmem:s8+$0xFFFFFF60];
	v3 =	vmul.f32 v5, v0  }
0x28b: {  	v5 =	vld [tilespmem:s8+$0xFFFFFFE0]  }
0x28c: {  	v7 =	vmul.f32 v7, v13;
	v13 =	vld [tilespmem:s8+$0x60]  }
0x28d: {  	v6 =	vmul.f32 v9, v6;
	v9 =	vld [tilespmem:s11+$0xFFFFFFF0]  }
0x28e: {  	v4 =	vmul.f32 v4, v10;
	v0 =	vld [tilespmem:s11+$0x70]  }
.Ltmp1:
0x28f: {  	v7 =	vadd.f32 v11, v7;
	v11 =	vld [tilespmem:s10+$0xFFFFFF70];
	(pc) =	sbr.rel @p0 .LBB2_4-.Ltmp1, $4  }
0x290: {  	v5 =	vadd.f32 v5, v6;
	v12 =	vld [tilespmem:s10+$0xFFFFFFF0]  }
0x291: {  	[tilespmem:s11+$0xFFFFFF60] =	vst v7;
	v6 =	vadd.f32 v13, v4;
	v10 =	vld [tilespmem:s10+$0x70];
	s10 =	smov.u32 s8  }
0x292: {  	v7 =	vld [tilespmem:s7+$0xFFFFFF70];
	[tilespmem:s11+$0xFFFFFFE0] =	vst v5  }
0x293: {  	s11 =	sadd.s32 $0x200, s11;
	v4 =	vld [tilespmem:s7+$0xFFFFFFF0];
	[tilespmem:s6+$0x60] =	vst v6  }
0x294: {  	v5 =	vld [tilespmem:s12+$0x70]  }
0x295: {  	v6 =	vld [tilespmem:s10+$0xFFFFFF70]  }
0x296: {  	v13 =	vld [tilespmem:s10+$0xFFFFFFF0]  }
0x297: {  	v1 =	vadd.f32 v11, v1;
	v11 =	vld [tilespmem:s10+$0x70]  }
0x298: {  	v2 =	vadd.f32 v12, v2;
	v7 =	vmul.f32 v7, v8  }
0x299: {  	[tilespmem:s5+$0xFFFFFF70] =	vst v1;
	v1 =	vadd.f32 v10, v3;
	v3 =	vmul.f32 v4, v9  }
0x29a: {  	[tilespmem:s5+$0xFFFFFFF0] =	vst v2;
	v0 =	vmul.f32 v5, v0;
	v2 =	vadd.f32 v6, v7  }
0x29b: {  	[tilespmem:s5+$0x70] =	vst v1;
	v1 =	vadd.f32 v13, v3  }
0x29c: {  	[tilespmem:s6+$0xFFFFFF70] =	vst v2;
	v0 =	vadd.f32 v11, v0  }
0x29d: {  	[tilespmem:s6+$0xFFFFFFF0] =	vst v1  }
0x29e: {  	[tilespmem:s6+$0x70] =	vst v0  }
0x29f: {  	[hbm4b:s13+s4] =	stream.linear.scatter [tilespmem:s25], [sflag:$0x8], $0x4000, $0x38;
	[tilespmem:$0x18200] =	vst v63  }
0x2a0: {  	_ =	swait.ge [sflag:s26], $0x4000  }
0x2a1: {  	[sflag:s26] =	ssyncset.done $0x0  }
0x2a2: {  	[sflag:s26] =	ssyncadd.s32 $0xFFFFC000  }
0x2a3: {  	[tilespmem:s25], [sflag:$0x2] =	stream.indirect.gather [hbm4b:s1+s19], $0x80, s21, s19, $0xb8;
	[tilespmem:$0x18200] =	vst v63  }
0x2a4: {  	s10 =	simm.s32 $0xC200  }
0x2a5: {  	[tilespmem:s10], [sflag:$0x4] =	stream.indirect.gather [hbm4b:s2+s19], $0x80, s21, s19, $0xb8;
	[tilespmem:$0x18200] =	vst v63  }
0x2a6: {  	s11 =	simm.s32 $0x14200  }
0x2a7: {  	[tilespmem:s11], [sflag:$0x6] =	stream.linear.gather [hbm4b:s14+s4], $0x4000, $0x38;
	[tilespmem:$0x18200] =	vst v63  }
0x2a8: {  	_ =	swait.ge [sflag:s29], $0x4000  }
0x2a9: {  	[sflag:s29] =	ssyncset.done $0x0  }
0x2aa: {  	[sflag:s29] =	ssyncadd.s32 $0xFFFFC000  }
0x2ab: {  	_ =	swait.ge [sflag:s30], $0x4000  }
0x2ac: {  	[sflag:s30] =	ssyncset.done $0x0  }
0x2ad: {  	[sflag:s30] =	ssyncadd.s32 $0xFFFFC000  }
0x2ae: {  	_ =	swait.ge [sflag:s31], $0x4000  }
0x2af: {  	[sflag:s31] =	ssyncset.done $0x0  }
0x2b0: {  	s5 =	simm.s32 $0x300;
	[sflag:s31] =	ssyncadd.s32 $0xFFFFC000  }
0x2b1: {  	s12 =	simm.s32 $0x10300;
	v0 =	vld [tilespmem:s5+$0x80]  }
0x2b2: {  	s9 =	simm.s32 $0x8300;
	v1 =	vld [tilespmem:s12+$0x80]  }
0x2b3: {  	v2 =	vld [tilespmem:s9+$0x80]  }
0x2b4: {  	v3 =	vld [tilespmem:s5+$0xFFFFFF80]  }
0x2b5: {  	v5 =	vld [tilespmem:s12+$0xFFFFFF80]  }
0x2b6: {  	v6 =	vld [tilespmem:s5+$0x0]  }
0x2b7: {  	v7 =	vld [tilespmem:s5+$0xFFFFFF00]  }
0x2b8: {  	v8 =	vld [tilespmem:s9+$0xFFFFFF00]  }
0x2b9: {  	v9 =	vld [tilespmem:s9+$0x0]  }
0x2ba: {  	v10 =	vld [tilespmem:s5+$0xFFFFFF60]  }
0x2bb: {  	s7 =	simm.s32 $0x10500;
	v11 =	vld [tilespmem:s5+$0xFFFFFFE0]  }
0x2bc: {  	s8 =	simm.s32 $0x8500;
	v13 =	vld [tilespmem:s7+$0x80]  }
0x2bd: {  	v14 =	vld [tilespmem:s8+$0x80]  }
0x2be: {  	s6 =	simm.s32 $0x500;
	v16 =	vld [tilespmem:s7+$0xFFFFFF80];
	v0 =	vmul.f32 v1, v0  }
0x2bf: {  	v17 =	vld [tilespmem:s6+$0x0]  }
0x2c0: {  	v18 =	vld [tilespmem:s6+$0xFFFFFF00];
	v0 =	vadd.f32 v2, v0  }
0x2c1: {  	v19 =	vld [tilespmem:s8+$0xFFFFFF00]  }
0x2c2: {  	[tilespmem:s5+$0x80] =	vst v0;
	v0 =	vld [tilespmem:s5+$0x90]  }
0x2c3: {  	v2 =	vld [tilespmem:s12+$0x90]  }
0x2c4: {  	v20 =	vld [tilespmem:s8+$0x0]  }
0x2c5: {  	v4 =	vld [tilespmem:s9+$0x90]  }
0x2c6: {  	v29 =	vld [tilespmem:s6+$0xFFFFFF10]  }
0x2c7: {  	v1 =	vld [tilespmem:s12+$0xFFFFFF00]  }
0x2c8: {  	v31 =	vld [tilespmem:s6+$0xFFFFFF90];
	v0 =	vmul.f32 v2, v0  }
0x2c9: {  	v36 =	vld [tilespmem:s6+$0xFFFFFF20]  }
0x2ca: {  	v2 =	vld [tilespmem:s12+$0x0];
	v0 =	vadd.f32 v4, v0  }
0x2cb: {  	v4 =	vld [tilespmem:s9+$0xFFFFFF80]  }
0x2cc: {  	[tilespmem:s5+$0x90] =	vst v0;
	v0 =	vmul.f32 v1, v7;
	v1 =	vld [tilespmem:s5+$0xA0]  }
0x2cd: {  	v7 =	vld [tilespmem:s12+$0xA0]  }
0x2ce: {  	v3 =	vmul.f32 v5, v3;
	v5 =	vld [tilespmem:s9+$0xA0]  }
0x2cf: {  	v2 =	vmul.f32 v2, v6;
	v6 =	vld [tilespmem:s5+$0xFFFFFF90];
	v0 =	vadd.f32 v8, v0  }
0x2d0: {  	v8 =	vld [tilespmem:s5+$0xFFFFFF10]  }
0x2d1: {  	v2 =	vadd.f32 v9, v2;
	[tilespmem:s5+$0xFFFFFF00] =	vst v0;
	v0 =	vadd.f32 v4, v3;
	v4 =	vld [tilespmem:s5+$0x10]  }
0x2d2: {  	v3 =	vld [tilespmem:s12+$0xFFFFFF10]  }
0x2d3: {  	[tilespmem:s5+$0x0] =	vst v2;
	v1 =	vmul.f32 v7, v1;
	v7 =	vld [tilespmem:s9+$0xFFFFFF10]  }
0x2d4: {  	[tilespmem:s5+$0xFFFFFF80] =	vst v0;
	v2 =	vld [tilespmem:s12+$0x10]  }
0x2d5: {  	v0 =	vld [tilespmem:s12+$0xFFFFFF90];
	v1 =	vadd.f32 v5, v1  }
0x2d6: {  	v5 =	vld [tilespmem:s9+$0xFFFFFF90]  }
0x2d7: {  	v3 =	vmul.f32 v3, v8;
	[tilespmem:s5+$0xA0] =	vst v1;
	v1 =	vld [tilespmem:s5+$0xB0]  }
0x2d8: {  	v8 =	vld [tilespmem:s9+$0x10]  }
0x2d9: {  	v3 =	vadd.f32 v7, v3;
	v7 =	vld [tilespmem:s12+$0xB0]  }
0x2da: {  	v0 =	vmul.f32 v0, v6;
	v6 =	vld [tilespmem:s5+$0xFFFFFF20]  }
0x2db: {  	[tilespmem:s5+$0xFFFFFF10] =	vst v3;
	v3 =	vld [tilespmem:s9+$0xB0]  }
0x2dc: {  	v0 =	vadd.f32 v5, v0;
	v5 =	vld [tilespmem:s5+$0xFFFFFFA0]  }
0x2dd: {  	v2 =	vmul.f32 v2, v4;
	v9 =	vld [tilespmem:s12+$0xFFFFFF20]  }
0x2de: {  	[tilespmem:s5+$0xFFFFFF90] =	vst v0;
	v0 =	vld [tilespmem:s5+$0x20]  }
0x2df: {  	v2 =	vadd.f32 v8, v2;
	v1 =	vmul.f32 v7, v1;
	v4 =	vld [tilespmem:s12+$0xFFFFFFA0]  }
0x2e0: {  	v7 =	vld [tilespmem:s9+$0xFFFFFFA0]  }
0x2e1: {  	[tilespmem:s5+$0x10] =	vst v2;
	v1 =	vadd.f32 v3, v1;
	v3 =	vld [tilespmem:s9+$0xFFFFFF20]  }
0x2e2: {  	v8 =	vld [tilespmem:s12+$0x20]  }
0x2e3: {  	[tilespmem:s5+$0xB0] =	vst v1;
	v1 =	vld [tilespmem:s5+$0xC0]  }
0x2e4: {  	v6 =	vmul.f32 v9, v6;
	v2 =	vld [tilespmem:s12+$0xC0]  }
0x2e5: {  	v9 =	vld [tilespmem:s9+$0x20]  }
0x2e6: {  	v4 =	vmul.f32 v4, v5;
	v5 =	vld [tilespmem:s9+$0xC0];
	v3 =	vadd.f32 v3, v6  }
0x2e7: {  	v6 =	vld [tilespmem:s5+$0xFFFFFF30]  }
0x2e8: {  	v0 =	vmul.f32 v8, v0;
	v4 =	vadd.f32 v7, v4;
	v7 =	vld [tilespmem:s5+$0xFFFFFFB0];
	[tilespmem:s5+$0xFFFFFF20] =	vst v3  }
0x2e9: {  	v1 =	vmul.f32 v2, v1;
	v2 =	vld [tilespmem:s12+$0xFFFFFF30]  }
0x2ea: {  	v0 =	vadd.f32 v9, v0;
	v9 =	vld [tilespmem:s5+$0x30]  }
0x2eb: {  	[tilespmem:s5+$0xFFFFFFA0] =	vst v4;
	v4 =	vld [tilespmem:s9+$0xFFFFFF30];
	v1 =	vadd.f32 v5, v1  }
0x2ec: {  	v3 =	vld [tilespmem:s12+$0xFFFFFFB0]  }
0x2ed: {  	[tilespmem:s5+$0xC0] =	vst v1;
	v1 =	vld [tilespmem:s5+$0xD0]  }
0x2ee: {  	[tilespmem:s5+$0x20] =	vst v0;
	v0 =	vld [tilespmem:s12+$0xD0];
	v2 =	vmul.f32 v2, v6  }
0x2ef: {  	v5 =	vld [tilespmem:s9+$0xFFFFFFB0]  }
0x2f0: {  	v6 =	vld [tilespmem:s9+$0xD0];
	v2 =	vadd.f32 v4, v2  }
0x2f1: {  	v8 =	vld [tilespmem:s12+$0x30]  }
0x2f2: {  	v3 =	vmul.f32 v3, v7;
	v4 =	vld [tilespmem:s5+$0xFFFFFF40];
	[tilespmem:s5+$0xFFFFFF30] =	vst v2  }
0x2f3: {  	v0 =	vmul.f32 v0, v1;
	v2 =	vld [tilespmem:s12+$0xFFFFFF40]  }
0x2f4: {  	v7 =	vld [tilespmem:s9+$0x30];
	v3 =	vadd.f32 v5, v3  }
0x2f5: {  	v0 =	vadd.f32 v6, v0;
	v6 =	vld [tilespmem:s9+$0xFFFFFF40]  }
0x2f6: {  	[tilespmem:s5+$0xFFFFFFB0] =	vst v3;
	v1 =	vld [tilespmem:s5+$0xFFFFFFC0]  }
0x2f7: {  	v5 =	vmul.f32 v8, v9;
	v3 =	vld [tilespmem:s12+$0xFFFFFFC0]  }
0x2f8: {  	[tilespmem:s5+$0xD0] =	vst v0;
	v0 =	vld [tilespmem:s5+$0xE0];
	v2 =	vmul.f32 v2, v4  }
0x2f9: {  	v5 =	vadd.f32 v7, v5;
	v7 =	vld [tilespmem:s12+$0xE0]  }
0x2fa: {  	v2 =	vadd.f32 v6, v2;
	v6 =	vld [tilespmem:s9+$0xFFFFFFC0]  }
0x2fb: {  	v8 =	vld [tilespmem:s5+$0x40]  }
0x2fc: {  	[tilespmem:s5+$0x30] =	vst v5;
	v4 =	vld [tilespmem:s9+$0xE0]  }
0x2fd: {  	v5 =	vld [tilespmem:s12+$0x40];
	v1 =	vmul.f32 v3, v1  }
0x2fe: {  	v38 =	vld [tilespmem:s6+$0xFFFFFFA0]  }
0x2ff: {  	v9 =	vld [tilespmem:s9+$0x40];
	v0 =	vmul.f32 v7, v0;
	v1 =	vadd.f32 v6, v1  }
0x300: {  	v7 =	vld [tilespmem:s5+$0xFFFFFF50]  }
0x301: {  	v0 =	vadd.f32 v4, v0;
	v4 =	vld [tilespmem:s5+$0xFFFFFFD0];
	[tilespmem:s5+$0xFFFFFFC0] =	vst v1  }
0x302: {  	[tilespmem:s5+$0xFFFFFF40] =	vst v2;
	v2 =	vmul.f32 v5, v8;
	v5 =	vld [tilespmem:s12+$0xFFFFFFD0]  }
0x303: {  	v3 =	vld [tilespmem:s12+$0xFFFFFF50]  }
0x304: {  	v2 =	vadd.f32 v9, v2;
	v9 =	vld [tilespmem:s9+$0xFFFFFFD0]  }
0x305: {  	v43 =	vld [tilespmem:s6+$0xFFFFFF30]  }
0x306: {  	v8 =	vld [tilespmem:s9+$0xFFFFFF50]  }
0x307: {  	v6 =	vld [tilespmem:s5+$0x50];
	[tilespmem:s5+$0x40] =	vst v2;
	v4 =	vmul.f32 v5, v4  }
0x308: {  	v3 =	vmul.f32 v3, v7;
	v7 =	vld [tilespmem:s12+$0x50]  }
0x309: {  	v44 =	vld [tilespmem:s6+$0xFFFFFFB0];
	v4 =	vadd.f32 v9, v4  }
0x30a: {  	v48 =	vld [tilespmem:s6+$0x30]  }
0x30b: {  	v53 =	vld [tilespmem:s6+$0x40];
	v3 =	vadd.f32 v8, v3;
	[tilespmem:s5+$0xFFFFFFD0] =	vst v4  }
0x30c: {  	v4 =	vld [tilespmem:s12+$0xFFFFFFE0]  }
0x30d: {  	[tilespmem:s5+$0xFFFFFF50] =	vst v3;
	v3 =	vmul.f32 v7, v6;
	v7 =	vld [tilespmem:s6+$0x80]  }
0x30e: {  	v6 =	vld [tilespmem:s9+$0xFFFFFFE0]  }
0x30f: {  	v56 =	vld [tilespmem:s6+$0x50]  }
0x310: {  	v57 =	vld [tilespmem:s6+$0xF0]  }
0x311: {  	v5 =	vld [tilespmem:s9+$0x50];
	v11 =	vmul.f32 v4, v11  }
0x312: {  	[tilespmem:s5+$0xE0] =	vst v0;
	v0 =	vld [tilespmem:s5+$0xF0]  }
0x313: {  	v9 =	vld [tilespmem:s12+$0xFFFFFF60];
	v6 =	vadd.f32 v6, v11;
	v11 =	vmul.f32 v13, v7  }
0x314: {  	v1 =	vld [tilespmem:s12+$0xF0]  }
0x315: {  	v12 =	vld [tilespmem:s9+$0xFFFFFF60];
	v11 =	vadd.f32 v14, v11  }
0x316: {  	v2 =	vld [tilespmem:s9+$0xF0];
	v5 =	vadd.f32 v5, v3  }
0x317: {  	[tilespmem:s6+$0x80] =	vst v11;
	v11 =	vld [tilespmem:s6+$0x90]  }
0x318: {  	[tilespmem:s5+$0x50] =	vst v5;
	v5 =	vmul.f32 v9, v10;
	v13 =	vld [tilespmem:s7+$0x90]  }
0x319: {  	v61 =	vld [tilespmem:s6+$0x60]  }
0x31a: {  	v12 =	vadd.f32 v12, v5;
	v15 =	vld [tilespmem:s8+$0x90]  }
0x31b: {  	v8 =	vld [tilespmem:s5+$0x60];
	v0 =	vmul.f32 v1, v0  }
0x31c: {  	[tilespmem:s5+$0xFFFFFF60] =	vst v12;
	v12 =	vld [tilespmem:s7+$0xFFFFFF00]  }
0x31d: {  	v2 =	vadd.f32 v2, v0;
	v0 =	vld [tilespmem:s6+$0x70];
	v11 =	vmul.f32 v13, v11  }
0x31e: {  	v3 =	vld [tilespmem:s5+$0xFFFFFF70]  }
0x31f: {  	v14 =	vld [tilespmem:s6+$0xFFFFFF80];
	v11 =	vadd.f32 v15, v11  }
0x320: {  	v10 =	vld [tilespmem:s12+$0x60]  }
0x321: {  	v15 =	vld [tilespmem:s8+$0xFFFFFF80];
	[tilespmem:s6+$0x90] =	vst v11;
	v11 =	vmul.f32 v12, v18  }
0x322: {  	v12 =	vld [tilespmem:s6+$0xA0]  }
0x323: {  	v28 =	vld [tilespmem:s7+$0xA0];
	v11 =	vadd.f32 v19, v11  }
0x324: {  	v14 =	vmul.f32 v16, v14;
	v13 =	vld [tilespmem:s7+$0x0]  }
0x325: {  	v30 =	vld [tilespmem:s8+$0xA0];
	[tilespmem:s6+$0xFFFFFF00] =	vst v11  }
0x326: {  	v11 =	vadd.f32 v15, v14;
	v14 =	vld [tilespmem:s7+$0xFFFFFF10]  }
0x327: {  	v9 =	vld [tilespmem:s9+$0x60]  }
0x328: {  	v32 =	vld [tilespmem:s8+$0xFFFFFF10];
	v12 =	vmul.f32 v28, v12;
	[tilespmem:s6+$0xFFFFFF80] =	vst v11  }
0x329: {  	v13 =	vmul.f32 v13, v17;
	v11 =	vld [tilespmem:s7+$0xFFFFFF90]  }
0x32a: {  	v15 =	vld [tilespmem:s6+$0x10];
	v12 =	vadd.f32 v30, v12  }
0x32b: {  	v13 =	vadd.f32 v20, v13;
	v33 =	vld [tilespmem:s8+$0xFFFFFF90];
	v14 =	vmul.f32 v14, v29  }
0x32c: {  	[tilespmem:s6+$0xA0] =	vst v12;
	v12 =	vld [tilespmem:s6+$0xB0]  }
0x32d: {  	[tilespmem:s6+$0x0] =	vst v13;
	v34 =	vld [tilespmem:s7+$0xB0];
	v14 =	vadd.f32 v32, v14  }
0x32e: {  	v13 =	vld [tilespmem:s7+$0x10];
	v11 =	vmul.f32 v11, v31  }
0x32f: {  	[tilespmem:s6+$0xFFFFFF10] =	vst v14;
	v14 =	vld [tilespmem:s8+$0xB0]  }
0x330: {  	v35 =	vld [tilespmem:s8+$0x10];
	v11 =	vadd.f32 v33, v11  }
0x331: {  	v37 =	vld [tilespmem:s7+$0xFFFFFF20]  }
0x332: {  	v12 =	vmul.f32 v34, v12;
	[tilespmem:s6+$0xFFFFFF90] =	vst v11;
	v11 =	vld [tilespmem:s6+$0x20]  }
0x333: {  	v13 =	vmul.f32 v13, v15;
	v15 =	vld [tilespmem:s7+$0xFFFFFFA0]  }
0x334: {  	v12 =	vadd.f32 v14, v12;
	v14 =	vld [tilespmem:s8+$0xFFFFFF20]  }
0x335: {  	v13 =	vadd.f32 v35, v13;
	v39 =	vld [tilespmem:s8+$0xFFFFFFA0]  }
0x336: {  	[tilespmem:s6+$0xB0] =	vst v12;
	v12 =	vld [tilespmem:s6+$0xC0]  }
0x337: {  	[tilespmem:s6+$0x10] =	vst v13;
	v17 =	vmul.f32 v37, v36;
	v13 =	vld [tilespmem:s7+$0xC0]  }
0x338: {  	v40 =	vld [tilespmem:s7+$0x20];
	v15 =	vmul.f32 v15, v38  }
0x339: {  	v41 =	vld [tilespmem:s8+$0xC0];
	v14 =	vadd.f32 v14, v17  }
0x33a: {  	v42 =	vld [tilespmem:s8+$0x20];
	v15 =	vadd.f32 v39, v15  }
0x33b: {  	v5 =	vld [tilespmem:s5+$0x70];
	[tilespmem:s6+$0xFFFFFF20] =	vst v14  }
0x33c: {  	[tilespmem:s6+$0xFFFFFFA0] =	vst v15;
	v12 =	vmul.f32 v13, v12;
	v13 =	vld [tilespmem:s7+$0xFFFFFF30]  }
0x33d: {  	v11 =	vmul.f32 v40, v11;
	v14 =	vld [tilespmem:s7+$0xFFFFFFB0]  }
0x33e: {  	v15 =	vld [tilespmem:s8+$0xFFFFFF30];
	v12 =	vadd.f32 v41, v12  }
0x33f: {  	v11 =	vadd.f32 v42, v11;
	v45 =	vld [tilespmem:s8+$0xFFFFFFB0]  }
0x340: {  	[tilespmem:s6+$0xC0] =	vst v12;
	v12 =	vld [tilespmem:s6+$0xD0]  }
0x341: {  	[tilespmem:s6+$0x20] =	vst v11;
	v11 =	vld [tilespmem:s7+$0xD0]  }
0x342: {  	v46 =	vld [tilespmem:s7+$0x30];
	v13 =	vmul.f32 v13, v43  }
0x343: {  	v47 =	vld [tilespmem:s8+$0xD0];
	v14 =	vmul.f32 v14, v44  }
0x344: {  	v49 =	vld [tilespmem:s8+$0x30];
	v13 =	vadd.f32 v15, v13  }
0x345: {  	v15 =	vld [tilespmem:s6+$0xFFFFFF40];
	v14 =	vadd.f32 v45, v14  }
0x346: {  	[tilespmem:s6+$0xFFFFFF30] =	vst v13;
	v11 =	vmul.f32 v11, v12;
	v12 =	vld [tilespmem:s6+$0xFFFFFFC0]  }
0x347: {  	[tilespmem:s6+$0xFFFFFFB0] =	vst v14;
	v13 =	vld [tilespmem:s7+$0xFFFFFF40]  }
0x348: {  	v14 =	vld [tilespmem:s7+$0xFFFFFFC0];
	v11 =	vadd.f32 v47, v11  }
0x349: {  	v51 =	vld [tilespmem:s8+$0xFFFFFF40]  }
0x34a: {  	v50 =	vmul.f32 v46, v48;
	[tilespmem:s6+$0xD0] =	vst v11;
	v11 =	vld [tilespmem:s6+$0xE0]  }
0x34b: {  	v52 =	vld [tilespmem:s7+$0xE0]  }
0x34c: {  	v16 =	vadd.f32 v49, v50;
	v54 =	vld [tilespmem:s8+$0xFFFFFFC0]  }
0x34d: {  	v13 =	vmul.f32 v13, v15;
	v15 =	vld [tilespmem:s8+$0xE0]  }
0x34e: {  	v4 =	vld [tilespmem:s5+$0xFFFFFFF0];
	[tilespmem:s6+$0x30] =	vst v16  }
0x34f: {  	v16 =	vld [tilespmem:s7+$0x40];
	v12 =	vmul.f32 v14, v12  }
0x350: {  	v7 =	vld [tilespmem:s12+$0xFFFFFF70];
	v13 =	vadd.f32 v51, v13;
	v11 =	vmul.f32 v52, v11  }
0x351: {  	[tilespmem:s5+$0xFFFFFFE0] =	vst v6;
	v55 =	vld [tilespmem:s8+$0x40];
	v12 =	vadd.f32 v54, v12  }
0x352: {  	v6 =	vld [tilespmem:s12+$0xFFFFFFF0];
	[tilespmem:s6+$0xFFFFFF40] =	vst v13;
	v11 =	vadd.f32 v15, v11  }
0x353: {  	v13 =	vld [tilespmem:s6+$0xFFFFFF50];
	[tilespmem:s6+$0xFFFFFFC0] =	vst v12  }
0x354: {  	v58 =	vld [tilespmem:s7+$0xFFFFFFD0];
	[tilespmem:s6+$0xE0] =	vst v11;
	v11 =	vmul.f32 v16, v53  }
0x355: {  	v15 =	vld [tilespmem:s6+$0xFFFFFFD0]  }
0x356: {  	v14 =	vld [tilespmem:s7+$0xFFFFFF50];
	v11 =	vadd.f32 v55, v11  }
0x357: {  	v8 =	vmul.f32 v10, v8;
	v10 =	vld [tilespmem:s8+$0xFFFFFFD0]  }
0x358: {  	[tilespmem:s6+$0x40] =	vst v11;
	v11 =	vld [tilespmem:s8+$0xFFFFFF50]  }
0x359: {  	v60 =	vld [tilespmem:s7+$0x50]  }
0x35a: {  	v8 =	vadd.f32 v9, v8;
	v9 =	vld [tilespmem:s6+$0xFFFFFF60];
	v15 =	vmul.f32 v58, v15  }
0x35b: {  	v13 =	vmul.f32 v14, v13;
	v14 =	vld [tilespmem:s8+$0x50]  }
0x35c: {  	[tilespmem:s5+$0x60] =	vst v8;
	v8 =	vld [tilespmem:s6+$0xFFFFFF70];
	v10 =	vadd.f32 v10, v15  }
0x35d: {  	v12 =	vld [tilespmem:s7+$0xF0]  }
0x35e: {  	v59 =	vld [tilespmem:s8+$0xF0];
	[tilespmem:s6+$0xFFFFFFD0] =	vst v10;
	v11 =	vadd.f32 v11, v13;
	v17 =	vmul.f32 v60, v56  }
0x35f: {  	v10 =	vld [tilespmem:s7+$0xFFFFFFE0]  }
0x360: {  	v13 =	vld [tilespmem:s6+$0xFFFFFFE0];
	[tilespmem:s6+$0xFFFFFF50] =	vst v11;
	v11 =	vadd.f32 v14, v17  }
0x361: {  	v14 =	vld [tilespmem:s7+$0xFFFFFF60]  }
0x362: {  	v62 =	vld [tilespmem:s8+$0xFFFFFF60];
	[tilespmem:s6+$0x50] =	vst v11  }
0x363: {  	v12 =	vmul.f32 v12, v57;
	v11 =	vld [tilespmem:s7+$0x60]  }
0x364: {  	v1 =	vld [tilespmem:s8+$0xFFFFFFE0]  }
0x365: {  	v12 =	vadd.f32 v59, v12;
	v63 =	vld [tilespmem:s8+$0x60]  }
0x366: {  	v15 =	vld [tilespmem:s12+$0x70];
	v14 =	vmul.f32 v14, v9  }
0x367: {  	[tilespmem:s6+$0xF0] =	vst v12;
	v12 =	vld [tilespmem:s9+$0xFFFFFFF0];
	v10 =	vmul.f32 v10, v13  }
0x368: {  	[tilespmem:s5+$0xF0] =	vst v2;
	v13 =	vadd.f32 v62, v14;
	v2 =	vmul.f32 v11, v61;
	v11 =	vld [tilespmem:s9+$0xFFFFFF70]  }
0x369: {  	v9 =	vld [tilespmem:s6+$0xFFFFFFF0];
	v14 =	vadd.f32 v1, v10  }
0x36a: {  	v10 =	vld [tilespmem:s9+$0x70];
	[tilespmem:s6+$0xFFFFFF60] =	vst v13;
	v13 =	vadd.f32 v63, v2  }
0x36b: {  	s10 =	simm.s32 $0x8500;
	v1 =	vmul.f32 v7, v3;
	[tilespmem:s6+$0xFFFFFFE0] =	vst v14;
	v7 =	vld [tilespmem:s7+$0xFFFFFF70]  }
0x36c: {  	s11 =	simm.s32 $0x700;
	s12 =	simm.s32 $0x10500;
	v3 =	vmul.f32 v15, v5;
	s9 =	simm.s32 $0x4;
	v2 =	vmul.f32 v6, v4;
	v4 =	vld [tilespmem:s7+$0xFFFFFFF0];
	[tilespmem:s6+$0x60] =	vst v13  }
.LBB2_6:
0x36d: {  	v5 =	vld [tilespmem:s11+$0x80];
	s7 =	sadd.s32 $0x200, s7;
	v1 =	vadd.f32 v11, v1  }
0x36e: {  	s9 =	sadd.s32 $0x4, s9;
	v6 =	vld [tilespmem:s7+$0x80];
	v2 =	vadd.f32 v12, v2  }
0x36f: {  	s8 =	sadd.s32 $0x200, s8;
	p0 =	slt.u32 s9, $0x7C;
	v11 =	vld [tilespmem:s7+$0xFFFFFF00];
	[tilespmem:s5+$0xFFFFFF70] =	vst v1;
	v3 =	vadd.f32 v10, v3  }
0x370: {  	v10 =	vld [tilespmem:s8+$0x80];
	v1 =	vmul.f32 v7, v8;
	[tilespmem:s5+$0xFFFFFFF0] =	vst v2  }
0x371: {  	v7 =	vld [tilespmem:s11+$0xFFFFFF80];
	v2 =	vmul.f32 v4, v9;
	[tilespmem:s5+$0x70] =	vst v3;
	s5 =	smov.u32 s6;
	s6 =	smov.u32 s11  }
0x372: {  	v3 =	vld [tilespmem:s7+$0xFFFFFF80]  }
0x373: {  	v4 =	vld [tilespmem:s11+$0x0];
	v5 =	vmul.f32 v6, v5  }
0x374: {  	v6 =	vld [tilespmem:s7+$0x0]  }
0x375: {  	v8 =	vld [tilespmem:s11+$0xFFFFFF00];
	v5 =	vadd.f32 v10, v5  }
0x376: {  	v9 =	vld [tilespmem:s8+$0xFFFFFF00]  }
0x377: {  	v3 =	vmul.f32 v3, v7;
	[tilespmem:s11+$0x80] =	vst v5;
	v5 =	vld [tilespmem:s11+$0x90]  }
0x378: {  	v7 =	vld [tilespmem:s7+$0x90]  }
0x379: {  	v10 =	vld [tilespmem:s8+$0xFFFFFF80];
	v4 =	vmul.f32 v6, v4  }
0x37a: {  	v6 =	vmul.f32 v11, v8;
	v8 =	vld [tilespmem:s8+$0x90]  }
0x37b: {  	v11 =	vld [tilespmem:s8+$0x0]  }
0x37c: {  	v6 =	vadd.f32 v9, v6;
	v9 =	vld [tilespmem:s11+$0xFFFFFF10]  }
0x37d: {  	v12 =	vld [tilespmem:s11+$0xFFFFFF90];
	v5 =	vmul.f32 v7, v5  }
0x37e: {  	[tilespmem:s11+$0xFFFFFF00] =	vst v6;
	v3 =	vadd.f32 v10, v3;
	v6 =	vld [tilespmem:s11+$0x10]  }
0x37f: {  	v7 =	vld [tilespmem:s7+$0xFFFFFF10];
	v5 =	vadd.f32 v8, v5  }
0x380: {  	v8 =	vld [tilespmem:s8+$0xFFFFFF10];
	[tilespmem:s11+$0xFFFFFF80] =	vst v3;
	v3 =	vadd.f32 v11, v4  }
0x381: {  	[tilespmem:s11+$0x90] =	vst v5;
	v4 =	vld [tilespmem:s11+$0xA0]  }
0x382: {  	[tilespmem:s11+$0x0] =	vst v3;
	v3 =	vld [tilespmem:s7+$0xA0]  }
0x383: {  	v5 =	vld [tilespmem:s7+$0xFFFFFF90]  }
0x384: {  	v7 =	vmul.f32 v7, v9;
	v9 =	vld [tilespmem:s8+$0xA0]  }
0x385: {  	v10 =	vld [tilespmem:s7+$0x10]  }
0x386: {  	v7 =	vadd.f32 v8, v7;
	v8 =	vld [tilespmem:s8+$0xFFFFFF90]  }
0x387: {  	v11 =	vld [tilespmem:s8+$0x10];
	v3 =	vmul.f32 v3, v4  }
0x388: {  	[tilespmem:s11+$0xFFFFFF10] =	vst v7;
	v4 =	vld [tilespmem:s11+$0xFFFFFF20];
	v5 =	vmul.f32 v5, v12  }
0x389: {  	v7 =	vld [tilespmem:s7+$0xFFFFFF20];
	v3 =	vadd.f32 v9, v3  }
0x38a: {  	v9 =	vld [tilespmem:s11+$0xFFFFFFA0];
	v6 =	vmul.f32 v10, v6  }
0x38b: {  	v5 =	vadd.f32 v8, v5;
	[tilespmem:s11+$0xA0] =	vst v3;
	v3 =	vld [tilespmem:s11+$0xB0]  }
0x38c: {  	v6 =	vadd.f32 v11, v6;
	v8 =	vld [tilespmem:s7+$0xB0]  }
0x38d: {  	[tilespmem:s11+$0xFFFFFF90] =	vst v5;
	v5 =	vld [tilespmem:s11+$0x20]  }
0x38e: {  	v4 =	vmul.f32 v7, v4;
	[tilespmem:s11+$0x10] =	vst v6;
	v6 =	vld [tilespmem:s8+$0xB0]  }
0x38f: {  	v7 =	vld [tilespmem:s7+$0xFFFFFFA0]  }
0x390: {  	v10 =	vld [tilespmem:s7+$0x20]  }
0x391: {  	v11 =	vld [tilespmem:s8+$0xFFFFFF20];
	v3 =	vmul.f32 v8, v3  }
0x392: {  	v8 =	vld [tilespmem:s8+$0xFFFFFFA0]  }
0x393: {  	v12 =	vld [tilespmem:s8+$0x20];
	v3 =	vadd.f32 v6, v3  }
0x394: {  	v6 =	vld [tilespmem:s11+$0xFFFFFF30];
	v7 =	vmul.f32 v7, v9  }
0x395: {  	v5 =	vmul.f32 v10, v5;
	[tilespmem:s11+$0xB0] =	vst v3;
	v3 =	vld [tilespmem:s11+$0xC0]  }
0x396: {  	v4 =	vadd.f32 v11, v4;
	v9 =	vld [tilespmem:s7+$0xC0]  }
0x397: {  	v7 =	vadd.f32 v8, v7;
	v8 =	vld [tilespmem:s11+$0xFFFFFFB0]  }
0x398: {  	[tilespmem:s11+$0xFFFFFF20] =	vst v4;
	v4 =	vadd.f32 v12, v5;
	v5 =	vld [tilespmem:s8+$0xC0]  }
0x399: {  	v10 =	vld [tilespmem:s7+$0xFFFFFF30];
	[tilespmem:s11+$0xFFFFFFA0] =	vst v7  }
0x39a: {  	v7 =	vld [tilespmem:s7+$0xFFFFFFB0];
	[tilespmem:s11+$0x20] =	vst v4  }
0x39b: {  	v4 =	vld [tilespmem:s7+$0x30];
	v3 =	vmul.f32 v9, v3  }
0x39c: {  	v9 =	vld [tilespmem:s11+$0x30]  }
0x39d: {  	v11 =	vld [tilespmem:s8+$0xFFFFFF30];
	v3 =	vadd.f32 v5, v3  }
0x39e: {  	v5 =	vmul.f32 v10, v6;
	v6 =	vld [tilespmem:s8+$0xFFFFFFB0]  }
0x39f: {  	v7 =	vmul.f32 v7, v8;
	[tilespmem:s11+$0xC0] =	vst v3;
	v3 =	vld [tilespmem:s11+$0xD0]  }
0x3a0: {  	v8 =	vld [tilespmem:s7+$0xD0]  }
0x3a1: {  	v4 =	vmul.f32 v4, v9;
	v9 =	vld [tilespmem:s8+$0x30]  }
0x3a2: {  	v5 =	vadd.f32 v11, v5;
	v10 =	vld [tilespmem:s8+$0xD0]  }
0x3a3: {  	v11 =	vld [tilespmem:s11+$0xFFFFFF40];
	v6 =	vadd.f32 v6, v7  }
0x3a4: {  	[tilespmem:s11+$0xFFFFFF30] =	vst v5;
	v5 =	vld [tilespmem:s11+$0xFFFFFFC0]  }
0x3a5: {  	v7 =	vld [tilespmem:s7+$0xFFFFFF40];
	[tilespmem:s11+$0xFFFFFFB0] =	vst v6;
	v3 =	vmul.f32 v8, v3  }
0x3a6: {  	v6 =	vld [tilespmem:s7+$0xFFFFFFC0];
	v4 =	vadd.f32 v9, v4  }
0x3a7: {  	v8 =	vld [tilespmem:s11+$0x40];
	v3 =	vadd.f32 v10, v3  }
0x3a8: {  	v9 =	vld [tilespmem:s8+$0xFFFFFF40];
	[tilespmem:s11+$0x30] =	vst v4  }
0x3a9: {  	[tilespmem:s11+$0xD0] =	vst v3;
	v3 =	vld [tilespmem:s11+$0xE0]  }
0x3aa: {  	v4 =	vmul.f32 v7, v11;
	v7 =	vld [tilespmem:s7+$0xE0]  }
0x3ab: {  	v5 =	vmul.f32 v6, v5;
	v6 =	vld [tilespmem:s7+$0x40]  }
0x3ac: {  	v10 =	vld [tilespmem:s8+$0xE0]  }
0x3ad: {  	v4 =	vadd.f32 v9, v4;
	v9 =	vld [tilespmem:s8+$0xFFFFFFC0]  }
0x3ae: {  	v11 =	vld [tilespmem:s8+$0x40]  }
0x3af: {  	[tilespmem:s11+$0xFFFFFF40] =	vst v4;
	v4 =	vld [tilespmem:s11+$0xFFFFFF50];
	v3 =	vmul.f32 v7, v3  }
0x3b0: {  	v7 =	vld [tilespmem:s7+$0xFFFFFF50];
	v6 =	vmul.f32 v6, v8  }
0x3b1: {  	v8 =	vld [tilespmem:s11+$0xFFFFFFD0];
	v3 =	vadd.f32 v10, v3  }
0x3b2: {  	v5 =	vadd.f32 v9, v5;
	v9 =	vld [tilespmem:s11+$0x50]  }
0x3b3: {  	v6 =	vadd.f32 v11, v6;
	[tilespmem:s11+$0xE0] =	vst v3;
	v3 =	vld [tilespmem:s11+$0xF0]  }
0x3b4: {  	[tilespmem:s11+$0xFFFFFFC0] =	vst v5;
	v5 =	vld [tilespmem:s7+$0xF0]  }
0x3b5: {  	v4 =	vmul.f32 v7, v4;
	v7 =	vld [tilespmem:s7+$0xFFFFFFD0];
	[tilespmem:s11+$0x40] =	vst v6  }
0x3b6: {  	v6 =	vld [tilespmem:s8+$0xF0]  }
0x3b7: {  	v10 =	vld [tilespmem:s7+$0x50]  }
0x3b8: {  	v11 =	vld [tilespmem:s8+$0xFFFFFF50]  }
0x3b9: {  	v12 =	vld [tilespmem:s8+$0xFFFFFFD0];
	v3 =	vmul.f32 v5, v3  }
0x3ba: {  	v5 =	vmul.f32 v7, v8;
	v7 =	vld [tilespmem:s8+$0x50]  }
0x3bb: {  	v13 =	vld [tilespmem:s11+$0xFFFFFF60];
	v3 =	vadd.f32 v6, v3  }
0x3bc: {  	v6 =	vld [tilespmem:s11+$0xFFFFFFE0];
	v9 =	vmul.f32 v10, v9  }
0x3bd: {  	v4 =	vadd.f32 v11, v4;
	v10 =	vld [tilespmem:s11+$0x60];
	[tilespmem:s11+$0xF0] =	vst v3  }
0x3be: {  	v3 =	vadd.f32 v12, v5;
	v5 =	vld [tilespmem:s12+$0x70];
	s12 =	smov.u32 s7  }
0x3bf: {  	[tilespmem:s11+$0xFFFFFF50] =	vst v4;
	v8 =	vld [tilespmem:s11+$0xFFFFFF70];
	v4 =	vadd.f32 v7, v9  }
0x3c0: {  	v7 =	vld [tilespmem:s7+$0xFFFFFF60];
	[tilespmem:s11+$0xFFFFFFD0] =	vst v3  }
0x3c1: {  	v9 =	vld [tilespmem:s7+$0xFFFFFFE0];
	[tilespmem:s11+$0x50] =	vst v4  }
0x3c2: {  	v4 =	vld [tilespmem:s7+$0x60]  }
0x3c3: {  	v11 =	vld [tilespmem:s8+$0xFFFFFF60];
	v3 =	vmul.f32 v5, v0  }
0x3c4: {  	v5 =	vld [tilespmem:s8+$0xFFFFFFE0]  }
0x3c5: {  	v7 =	vmul.f32 v7, v13;
	v13 =	vld [tilespmem:s8+$0x60]  }
0x3c6: {  	v6 =	vmul.f32 v9, v6;
	v9 =	vld [tilespmem:s11+$0xFFFFFFF0]  }
0x3c7: {  	v4 =	vmul.f32 v4, v10;
	v0 =	vld [tilespmem:s11+$0x70]  }
.Ltmp2:
0x3c8: {  	v7 =	vadd.f32 v11, v7;
	v11 =	vld [tilespmem:s10+$0xFFFFFF70];
	(pc) =	sbr.rel @p0 .LBB2_6-.Ltmp2, $4  }
0x3c9: {  	v5 =	vadd.f32 v5, v6;
	v12 =	vld [tilespmem:s10+$0xFFFFFFF0]  }
0x3ca: {  	[tilespmem:s11+$0xFFFFFF60] =	vst v7;
	v6 =	vadd.f32 v13, v4;
	v10 =	vld [tilespmem:s10+$0x70];
	s10 =	smov.u32 s8  }
0x3cb: {  	v7 =	vld [tilespmem:s7+$0xFFFFFF70];
	[tilespmem:s11+$0xFFFFFFE0] =	vst v5  }
0x3cc: {  	s11 =	sadd.s32 $0x200, s11;
	v4 =	vld [tilespmem:s7+$0xFFFFFFF0];
	[tilespmem:s6+$0x60] =	vst v6  }
0x3cd: {  	v5 =	vld [tilespmem:s12+$0x70]  }
0x3ce: {  	v6 =	vld [tilespmem:s10+$0xFFFFFF70]  }
0x3cf: {  	v13 =	vld [tilespmem:s10+$0xFFFFFFF0]  }
0x3d0: {  	v1 =	vadd.f32 v11, v1;
	v11 =	vld [tilespmem:s10+$0x70]  }
0x3d1: {  	v2 =	vadd.f32 v12, v2;
	v7 =	vmul.f32 v7, v8  }
0x3d2: {  	[tilespmem:s5+$0xFFFFFF70] =	vst v1;
	v1 =	vadd.f32 v10, v3;
	v3 =	vmul.f32 v4, v9  }
0x3d3: {  	[tilespmem:s5+$0xFFFFFFF0] =	vst v2;
	v0 =	vmul.f32 v5, v0;
	v2 =	vadd.f32 v6, v7  }
0x3d4: {  	[tilespmem:s5+$0x70] =	vst v1;
	v1 =	vadd.f32 v13, v3  }
0x3d5: {  	[tilespmem:s6+$0xFFFFFF70] =	vst v2;
	v0 =	vadd.f32 v11, v0  }
0x3d6: {  	[tilespmem:s6+$0xFFFFFFF0] =	vst v1  }
0x3d7: {  	[tilespmem:s6+$0x70] =	vst v0  }
0x3d8: {  	[hbm4b:s15+s4] =	stream.linear.scatter [tilespmem:s22], [sflag:$0x7], $0x4000, $0x38;
	[tilespmem:$0x18200] =	vst v63  }
0x3d9: {  	_ =	swait.ge [sflag:s3], $0x4000  }
0x3da: {  	[sflag:s3] =	ssyncset.done $0x0  }
0x3db: {  	[sflag:s3] =	ssyncadd.s32 $0xFFFFC000  }
0x3dc: {  	_ =	swait.ge [sflag:s23], $0x4000  }
0x3dd: {  	[sflag:s23] =	ssyncset.done $0x0  }
0x3de: {  	[sflag:s23] =	ssyncadd.s32 $0xFFFFC000  }
0x3df: {  	_ =	swait.ge [sflag:s24], $0x4000  }
0x3e0: {  	[sflag:s24] =	ssyncset.done $0x0  }
0x3e1: {  	s5 =	simm.s32 $0x4300;
	[sflag:s24] =	ssyncadd.s32 $0xFFFFC000  }
0x3e2: {  	s12 =	simm.s32 $0x14300;
	v0 =	vld [tilespmem:s5+$0x80]  }
0x3e3: {  	s9 =	simm.s32 $0xC300;
	v1 =	vld [tilespmem:s12+$0x80]  }
0x3e4: {  	v2 =	vld [tilespmem:s9+$0x80]  }
0x3e5: {  	v3 =	vld [tilespmem:s5+$0xFFFFFF80]  }
0x3e6: {  	v5 =	vld [tilespmem:s12+$0xFFFFFF80]  }
0x3e7: {  	v6 =	vld [tilespmem:s5+$0x0]  }
0x3e8: {  	v7 =	vld [tilespmem:s5+$0xFFFFFF00]  }
0x3e9: {  	v8 =	vld [tilespmem:s9+$0xFFFFFF00]  }
0x3ea: {  	v9 =	vld [tilespmem:s9+$0x0]  }
0x3eb: {  	v10 =	vld [tilespmem:s5+$0xFFFFFF60]  }
0x3ec: {  	s7 =	simm.s32 $0x14500;
	v11 =	vld [tilespmem:s5+$0xFFFFFFE0]  }
0x3ed: {  	s8 =	simm.s32 $0xC500;
	v13 =	vld [tilespmem:s7+$0x80]  }
0x3ee: {  	v14 =	vld [tilespmem:s8+$0x80]  }
0x3ef: {  	s6 =	simm.s32 $0x4500;
	v16 =	vld [tilespmem:s7+$0xFFFFFF80];
	v0 =	vmul.f32 v1, v0  }
0x3f0: {  	v17 =	vld [tilespmem:s6+$0x0]  }
0x3f1: {  	v18 =	vld [tilespmem:s6+$0xFFFFFF00];
	v0 =	vadd.f32 v2, v0  }
0x3f2: {  	v19 =	vld [tilespmem:s8+$0xFFFFFF00]  }
0x3f3: {  	[tilespmem:s5+$0x80] =	vst v0;
	v0 =	vld [tilespmem:s5+$0x90]  }
0x3f4: {  	v2 =	vld [tilespmem:s12+$0x90]  }
0x3f5: {  	v20 =	vld [tilespmem:s8+$0x0]  }
0x3f6: {  	v4 =	vld [tilespmem:s9+$0x90]  }
0x3f7: {  	v29 =	vld [tilespmem:s6+$0xFFFFFF10]  }
0x3f8: {  	v1 =	vld [tilespmem:s12+$0xFFFFFF00]  }
0x3f9: {  	v31 =	vld [tilespmem:s6+$0xFFFFFF90];
	v0 =	vmul.f32 v2, v0  }
0x3fa: {  	v36 =	vld [tilespmem:s6+$0xFFFFFF20]  }
0x3fb: {  	v2 =	vld [tilespmem:s12+$0x0];
	v0 =	vadd.f32 v4, v0  }
0x3fc: {  	v4 =	vld [tilespmem:s9+$0xFFFFFF80]  }
0x3fd: {  	[tilespmem:s5+$0x90] =	vst v0;
	v0 =	vmul.f32 v1, v7;
	v1 =	vld [tilespmem:s5+$0xA0]  }
0x3fe: {  	v7 =	vld [tilespmem:s12+$0xA0]  }
0x3ff: {  	v3 =	vmul.f32 v5, v3;
	v5 =	vld [tilespmem:s9+$0xA0]  }
0x400: {  	v2 =	vmul.f32 v2, v6;
	v6 =	vld [tilespmem:s5+$0xFFFFFF90];
	v0 =	vadd.f32 v8, v0  }
0x401: {  	v8 =	vld [tilespmem:s5+$0xFFFFFF10]  }
0x402: {  	v2 =	vadd.f32 v9, v2;
	[tilespmem:s5+$0xFFFFFF00] =	vst v0;
	v0 =	vadd.f32 v4, v3;
	v4 =	vld [tilespmem:s5+$0x10]  }
0x403: {  	v3 =	vld [tilespmem:s12+$0xFFFFFF10]  }
0x404: {  	[tilespmem:s5+$0x0] =	vst v2;
	v1 =	vmul.f32 v7, v1;
	v7 =	vld [tilespmem:s9+$0xFFFFFF10]  }
0x405: {  	[tilespmem:s5+$0xFFFFFF80] =	vst v0;
	v2 =	vld [tilespmem:s12+$0x10]  }
0x406: {  	v0 =	vld [tilespmem:s12+$0xFFFFFF90];
	v1 =	vadd.f32 v5, v1  }
0x407: {  	v5 =	vld [tilespmem:s9+$0xFFFFFF90]  }
0x408: {  	v3 =	vmul.f32 v3, v8;
	[tilespmem:s5+$0xA0] =	vst v1;
	v1 =	vld [tilespmem:s5+$0xB0]  }
0x409: {  	v8 =	vld [tilespmem:s9+$0x10]  }
0x40a: {  	v3 =	vadd.f32 v7, v3;
	v7 =	vld [tilespmem:s12+$0xB0]  }
0x40b: {  	v0 =	vmul.f32 v0, v6;
	v6 =	vld [tilespmem:s5+$0xFFFFFF20]  }
0x40c: {  	[tilespmem:s5+$0xFFFFFF10] =	vst v3;
	v3 =	vld [tilespmem:s9+$0xB0]  }
0x40d: {  	v0 =	vadd.f32 v5, v0;
	v5 =	vld [tilespmem:s5+$0xFFFFFFA0]  }
0x40e: {  	v2 =	vmul.f32 v2, v4;
	v9 =	vld [tilespmem:s12+$0xFFFFFF20]  }
0x40f: {  	[tilespmem:s5+$0xFFFFFF90] =	vst v0;
	v0 =	vld [tilespmem:s5+$0x20]  }
0x410: {  	v2 =	vadd.f32 v8, v2;
	v1 =	vmul.f32 v7, v1;
	v4 =	vld [tilespmem:s12+$0xFFFFFFA0]  }
0x411: {  	v7 =	vld [tilespmem:s9+$0xFFFFFFA0]  }
0x412: {  	[tilespmem:s5+$0x10] =	vst v2;
	v1 =	vadd.f32 v3, v1;
	v3 =	vld [tilespmem:s9+$0xFFFFFF20]  }
0x413: {  	v8 =	vld [tilespmem:s12+$0x20]  }
0x414: {  	[tilespmem:s5+$0xB0] =	vst v1;
	v1 =	vld [tilespmem:s5+$0xC0]  }
0x415: {  	v6 =	vmul.f32 v9, v6;
	v2 =	vld [tilespmem:s12+$0xC0]  }
0x416: {  	v9 =	vld [tilespmem:s9+$0x20]  }
0x417: {  	v4 =	vmul.f32 v4, v5;
	v5 =	vld [tilespmem:s9+$0xC0];
	v3 =	vadd.f32 v3, v6  }
0x418: {  	v6 =	vld [tilespmem:s5+$0xFFFFFF30]  }
0x419: {  	v0 =	vmul.f32 v8, v0;
	v4 =	vadd.f32 v7, v4;
	v7 =	vld [tilespmem:s5+$0xFFFFFFB0];
	[tilespmem:s5+$0xFFFFFF20] =	vst v3  }
0x41a: {  	v1 =	vmul.f32 v2, v1;
	v2 =	vld [tilespmem:s12+$0xFFFFFF30]  }
0x41b: {  	v0 =	vadd.f32 v9, v0;
	v9 =	vld [tilespmem:s5+$0x30]  }
0x41c: {  	[tilespmem:s5+$0xFFFFFFA0] =	vst v4;
	v4 =	vld [tilespmem:s9+$0xFFFFFF30];
	v1 =	vadd.f32 v5, v1  }
0x41d: {  	v3 =	vld [tilespmem:s12+$0xFFFFFFB0]  }
0x41e: {  	[tilespmem:s5+$0xC0] =	vst v1;
	v1 =	vld [tilespmem:s5+$0xD0]  }
0x41f: {  	[tilespmem:s5+$0x20] =	vst v0;
	v0 =	vld [tilespmem:s12+$0xD0];
	v2 =	vmul.f32 v2, v6  }
0x420: {  	v5 =	vld [tilespmem:s9+$0xFFFFFFB0]  }
0x421: {  	v6 =	vld [tilespmem:s9+$0xD0];
	v2 =	vadd.f32 v4, v2  }
0x422: {  	v8 =	vld [tilespmem:s12+$0x30]  }
0x423: {  	v3 =	vmul.f32 v3, v7;
	v4 =	vld [tilespmem:s5+$0xFFFFFF40];
	[tilespmem:s5+$0xFFFFFF30] =	vst v2  }
0x424: {  	v0 =	vmul.f32 v0, v1;
	v2 =	vld [tilespmem:s12+$0xFFFFFF40]  }
0x425: {  	v7 =	vld [tilespmem:s9+$0x30];
	v3 =	vadd.f32 v5, v3  }
0x426: {  	v0 =	vadd.f32 v6, v0;
	v6 =	vld [tilespmem:s9+$0xFFFFFF40]  }
0x427: {  	[tilespmem:s5+$0xFFFFFFB0] =	vst v3;
	v1 =	vld [tilespmem:s5+$0xFFFFFFC0]  }
0x428: {  	v5 =	vmul.f32 v8, v9;
	v3 =	vld [tilespmem:s12+$0xFFFFFFC0]  }
0x429: {  	[tilespmem:s5+$0xD0] =	vst v0;
	v0 =	vld [tilespmem:s5+$0xE0];
	v2 =	vmul.f32 v2, v4  }
0x42a: {  	v5 =	vadd.f32 v7, v5;
	v7 =	vld [tilespmem:s12+$0xE0]  }
0x42b: {  	v2 =	vadd.f32 v6, v2;
	v6 =	vld [tilespmem:s9+$0xFFFFFFC0]  }
0x42c: {  	v8 =	vld [tilespmem:s5+$0x40]  }
0x42d: {  	[tilespmem:s5+$0x30] =	vst v5;
	v4 =	vld [tilespmem:s9+$0xE0]  }
0x42e: {  	v5 =	vld [tilespmem:s12+$0x40];
	v1 =	vmul.f32 v3, v1  }
0x42f: {  	v38 =	vld [tilespmem:s6+$0xFFFFFFA0]  }
0x430: {  	v9 =	vld [tilespmem:s9+$0x40];
	v0 =	vmul.f32 v7, v0;
	v1 =	vadd.f32 v6, v1  }
0x431: {  	v7 =	vld [tilespmem:s5+$0xFFFFFF50]  }
0x432: {  	v0 =	vadd.f32 v4, v0;
	v4 =	vld [tilespmem:s5+$0xFFFFFFD0];
	[tilespmem:s5+$0xFFFFFFC0] =	vst v1  }
0x433: {  	[tilespmem:s5+$0xFFFFFF40] =	vst v2;
	v2 =	vmul.f32 v5, v8;
	v5 =	vld [tilespmem:s12+$0xFFFFFFD0]  }
0x434: {  	v3 =	vld [tilespmem:s12+$0xFFFFFF50]  }
0x435: {  	v2 =	vadd.f32 v9, v2;
	v9 =	vld [tilespmem:s9+$0xFFFFFFD0]  }
0x436: {  	v43 =	vld [tilespmem:s6+$0xFFFFFF30]  }
0x437: {  	v8 =	vld [tilespmem:s9+$0xFFFFFF50]  }
0x438: {  	v6 =	vld [tilespmem:s5+$0x50];
	[tilespmem:s5+$0x40] =	vst v2;
	v4 =	vmul.f32 v5, v4  }
0x439: {  	v3 =	vmul.f32 v3, v7;
	v7 =	vld [tilespmem:s12+$0x50]  }
0x43a: {  	v44 =	vld [tilespmem:s6+$0xFFFFFFB0];
	v4 =	vadd.f32 v9, v4  }
0x43b: {  	v48 =	vld [tilespmem:s6+$0x30]  }
0x43c: {  	v53 =	vld [tilespmem:s6+$0x40];
	v3 =	vadd.f32 v8, v3;
	[tilespmem:s5+$0xFFFFFFD0] =	vst v4  }
0x43d: {  	v4 =	vld [tilespmem:s12+$0xFFFFFFE0]  }
0x43e: {  	[tilespmem:s5+$0xFFFFFF50] =	vst v3;
	v3 =	vmul.f32 v7, v6;
	v7 =	vld [tilespmem:s6+$0x80]  }
0x43f: {  	v6 =	vld [tilespmem:s9+$0xFFFFFFE0]  }
0x440: {  	v56 =	vld [tilespmem:s6+$0x50]  }
0x441: {  	v57 =	vld [tilespmem:s6+$0xF0]  }
0x442: {  	v5 =	vld [tilespmem:s9+$0x50];
	v11 =	vmul.f32 v4, v11  }
0x443: {  	[tilespmem:s5+$0xE0] =	vst v0;
	v0 =	vld [tilespmem:s5+$0xF0]  }
0x444: {  	v9 =	vld [tilespmem:s12+$0xFFFFFF60];
	v6 =	vadd.f32 v6, v11;
	v11 =	vmul.f32 v13, v7  }
0x445: {  	v1 =	vld [tilespmem:s12+$0xF0]  }
0x446: {  	v12 =	vld [tilespmem:s9+$0xFFFFFF60];
	v11 =	vadd.f32 v14, v11  }
0x447: {  	v2 =	vld [tilespmem:s9+$0xF0];
	v5 =	vadd.f32 v5, v3  }
0x448: {  	[tilespmem:s6+$0x80] =	vst v11;
	v11 =	vld [tilespmem:s6+$0x90]  }
0x449: {  	[tilespmem:s5+$0x50] =	vst v5;
	v5 =	vmul.f32 v9, v10;
	v13 =	vld [tilespmem:s7+$0x90]  }
0x44a: {  	v61 =	vld [tilespmem:s6+$0x60]  }
0x44b: {  	v12 =	vadd.f32 v12, v5;
	v15 =	vld [tilespmem:s8+$0x90]  }
0x44c: {  	v8 =	vld [tilespmem:s5+$0x60];
	v0 =	vmul.f32 v1, v0  }
0x44d: {  	[tilespmem:s5+$0xFFFFFF60] =	vst v12;
	v12 =	vld [tilespmem:s7+$0xFFFFFF00]  }
0x44e: {  	v2 =	vadd.f32 v2, v0;
	v0 =	vld [tilespmem:s6+$0x70];
	v11 =	vmul.f32 v13, v11  }
0x44f: {  	v3 =	vld [tilespmem:s5+$0xFFFFFF70]  }
0x450: {  	v14 =	vld [tilespmem:s6+$0xFFFFFF80];
	v11 =	vadd.f32 v15, v11  }
0x451: {  	v10 =	vld [tilespmem:s12+$0x60]  }
0x452: {  	v15 =	vld [tilespmem:s8+$0xFFFFFF80];
	[tilespmem:s6+$0x90] =	vst v11;
	v11 =	vmul.f32 v12, v18  }
0x453: {  	v12 =	vld [tilespmem:s6+$0xA0]  }
0x454: {  	v28 =	vld [tilespmem:s7+$0xA0];
	v11 =	vadd.f32 v19, v11  }
0x455: {  	v14 =	vmul.f32 v16, v14;
	v13 =	vld [tilespmem:s7+$0x0]  }
0x456: {  	v30 =	vld [tilespmem:s8+$0xA0];
	[tilespmem:s6+$0xFFFFFF00] =	vst v11  }
0x457: {  	v11 =	vadd.f32 v15, v14;
	v14 =	vld [tilespmem:s7+$0xFFFFFF10]  }
0x458: {  	v9 =	vld [tilespmem:s9+$0x60]  }
0x459: {  	v32 =	vld [tilespmem:s8+$0xFFFFFF10];
	v12 =	vmul.f32 v28, v12;
	[tilespmem:s6+$0xFFFFFF80] =	vst v11  }
0x45a: {  	v13 =	vmul.f32 v13, v17;
	v11 =	vld [tilespmem:s7+$0xFFFFFF90]  }
0x45b: {  	v15 =	vld [tilespmem:s6+$0x10];
	v12 =	vadd.f32 v30, v12  }
0x45c: {  	v13 =	vadd.f32 v20, v13;
	v33 =	vld [tilespmem:s8+$0xFFFFFF90];
	v14 =	vmul.f32 v14, v29  }
0x45d: {  	[tilespmem:s6+$0xA0] =	vst v12;
	v12 =	vld [tilespmem:s6+$0xB0]  }
0x45e: {  	[tilespmem:s6+$0x0] =	vst v13;
	v34 =	vld [tilespmem:s7+$0xB0];
	v14 =	vadd.f32 v32, v14  }
0x45f: {  	v13 =	vld [tilespmem:s7+$0x10];
	v11 =	vmul.f32 v11, v31  }
0x460: {  	[tilespmem:s6+$0xFFFFFF10] =	vst v14;
	v14 =	vld [tilespmem:s8+$0xB0]  }
0x461: {  	v35 =	vld [tilespmem:s8+$0x10];
	v11 =	vadd.f32 v33, v11  }
0x462: {  	v37 =	vld [tilespmem:s7+$0xFFFFFF20]  }
0x463: {  	v12 =	vmul.f32 v34, v12;
	[tilespmem:s6+$0xFFFFFF90] =	vst v11;
	v11 =	vld [tilespmem:s6+$0x20]  }
0x464: {  	v13 =	vmul.f32 v13, v15;
	v15 =	vld [tilespmem:s7+$0xFFFFFFA0]  }
0x465: {  	v12 =	vadd.f32 v14, v12;
	v14 =	vld [tilespmem:s8+$0xFFFFFF20]  }
0x466: {  	v13 =	vadd.f32 v35, v13;
	v39 =	vld [tilespmem:s8+$0xFFFFFFA0]  }
0x467: {  	[tilespmem:s6+$0xB0] =	vst v12;
	v12 =	vld [tilespmem:s6+$0xC0]  }
0x468: {  	[tilespmem:s6+$0x10] =	vst v13;
	v17 =	vmul.f32 v37, v36;
	v13 =	vld [tilespmem:s7+$0xC0]  }
0x469: {  	v40 =	vld [tilespmem:s7+$0x20];
	v15 =	vmul.f32 v15, v38  }
0x46a: {  	v41 =	vld [tilespmem:s8+$0xC0];
	v14 =	vadd.f32 v14, v17  }
0x46b: {  	v42 =	vld [tilespmem:s8+$0x20];
	v15 =	vadd.f32 v39, v15  }
0x46c: {  	v5 =	vld [tilespmem:s5+$0x70];
	[tilespmem:s6+$0xFFFFFF20] =	vst v14  }
0x46d: {  	[tilespmem:s6+$0xFFFFFFA0] =	vst v15;
	v12 =	vmul.f32 v13, v12;
	v13 =	vld [tilespmem:s7+$0xFFFFFF30]  }
0x46e: {  	v11 =	vmul.f32 v40, v11;
	v14 =	vld [tilespmem:s7+$0xFFFFFFB0]  }
0x46f: {  	v15 =	vld [tilespmem:s8+$0xFFFFFF30];
	v12 =	vadd.f32 v41, v12  }
0x470: {  	v11 =	vadd.f32 v42, v11;
	v45 =	vld [tilespmem:s8+$0xFFFFFFB0]  }
0x471: {  	[tilespmem:s6+$0xC0] =	vst v12;
	v12 =	vld [tilespmem:s6+$0xD0]  }
0x472: {  	[tilespmem:s6+$0x20] =	vst v11;
	v11 =	vld [tilespmem:s7+$0xD0]  }
0x473: {  	v46 =	vld [tilespmem:s7+$0x30];
	v13 =	vmul.f32 v13, v43  }
0x474: {  	v47 =	vld [tilespmem:s8+$0xD0];
	v14 =	vmul.f32 v14, v44  }
0x475: {  	v49 =	vld [tilespmem:s8+$0x30];
	v13 =	vadd.f32 v15, v13  }
0x476: {  	v15 =	vld [tilespmem:s6+$0xFFFFFF40];
	v14 =	vadd.f32 v45, v14  }
0x477: {  	[tilespmem:s6+$0xFFFFFF30] =	vst v13;
	v11 =	vmul.f32 v11, v12;
	v12 =	vld [tilespmem:s6+$0xFFFFFFC0]  }
0x478: {  	[tilespmem:s6+$0xFFFFFFB0] =	vst v14;
	v13 =	vld [tilespmem:s7+$0xFFFFFF40]  }
0x479: {  	v14 =	vld [tilespmem:s7+$0xFFFFFFC0];
	v11 =	vadd.f32 v47, v11  }
0x47a: {  	v51 =	vld [tilespmem:s8+$0xFFFFFF40]  }
0x47b: {  	v50 =	vmul.f32 v46, v48;
	[tilespmem:s6+$0xD0] =	vst v11;
	v11 =	vld [tilespmem:s6+$0xE0]  }
0x47c: {  	v52 =	vld [tilespmem:s7+$0xE0]  }
0x47d: {  	v16 =	vadd.f32 v49, v50;
	v54 =	vld [tilespmem:s8+$0xFFFFFFC0]  }
0x47e: {  	v13 =	vmul.f32 v13, v15;
	v15 =	vld [tilespmem:s8+$0xE0]  }
0x47f: {  	v4 =	vld [tilespmem:s5+$0xFFFFFFF0];
	[tilespmem:s6+$0x30] =	vst v16  }
0x480: {  	v16 =	vld [tilespmem:s7+$0x40];
	v12 =	vmul.f32 v14, v12  }
0x481: {  	v7 =	vld [tilespmem:s12+$0xFFFFFF70];
	v13 =	vadd.f32 v51, v13;
	v11 =	vmul.f32 v52, v11  }
0x482: {  	[tilespmem:s5+$0xFFFFFFE0] =	vst v6;
	v55 =	vld [tilespmem:s8+$0x40];
	v12 =	vadd.f32 v54, v12  }
0x483: {  	v6 =	vld [tilespmem:s12+$0xFFFFFFF0];
	[tilespmem:s6+$0xFFFFFF40] =	vst v13;
	v11 =	vadd.f32 v15, v11  }
0x484: {  	v13 =	vld [tilespmem:s6+$0xFFFFFF50];
	[tilespmem:s6+$0xFFFFFFC0] =	vst v12  }
0x485: {  	v58 =	vld [tilespmem:s7+$0xFFFFFFD0];
	[tilespmem:s6+$0xE0] =	vst v11;
	v11 =	vmul.f32 v16, v53  }
0x486: {  	v15 =	vld [tilespmem:s6+$0xFFFFFFD0]  }
0x487: {  	v14 =	vld [tilespmem:s7+$0xFFFFFF50];
	v11 =	vadd.f32 v55, v11  }
0x488: {  	v8 =	vmul.f32 v10, v8;
	v10 =	vld [tilespmem:s8+$0xFFFFFFD0]  }
0x489: {  	[tilespmem:s6+$0x40] =	vst v11;
	v11 =	vld [tilespmem:s8+$0xFFFFFF50]  }
0x48a: {  	v60 =	vld [tilespmem:s7+$0x50]  }
0x48b: {  	v8 =	vadd.f32 v9, v8;
	v9 =	vld [tilespmem:s6+$0xFFFFFF60];
	v15 =	vmul.f32 v58, v15  }
0x48c: {  	v13 =	vmul.f32 v14, v13;
	v14 =	vld [tilespmem:s8+$0x50]  }
0x48d: {  	[tilespmem:s5+$0x60] =	vst v8;
	v8 =	vld [tilespmem:s6+$0xFFFFFF70];
	v10 =	vadd.f32 v10, v15  }
0x48e: {  	v12 =	vld [tilespmem:s7+$0xF0]  }
0x48f: {  	v59 =	vld [tilespmem:s8+$0xF0];
	[tilespmem:s6+$0xFFFFFFD0] =	vst v10;
	v11 =	vadd.f32 v11, v13;
	v17 =	vmul.f32 v60, v56  }
0x490: {  	v10 =	vld [tilespmem:s7+$0xFFFFFFE0]  }
0x491: {  	v13 =	vld [tilespmem:s6+$0xFFFFFFE0];
	[tilespmem:s6+$0xFFFFFF50] =	vst v11;
	v11 =	vadd.f32 v14, v17  }
0x492: {  	v14 =	vld [tilespmem:s7+$0xFFFFFF60]  }
0x493: {  	v62 =	vld [tilespmem:s8+$0xFFFFFF60];
	[tilespmem:s6+$0x50] =	vst v11  }
0x494: {  	v12 =	vmul.f32 v12, v57;
	v11 =	vld [tilespmem:s7+$0x60]  }
0x495: {  	v1 =	vld [tilespmem:s8+$0xFFFFFFE0]  }
0x496: {  	v12 =	vadd.f32 v59, v12;
	v63 =	vld [tilespmem:s8+$0x60]  }
0x497: {  	v15 =	vld [tilespmem:s12+$0x70];
	v14 =	vmul.f32 v14, v9  }
0x498: {  	[tilespmem:s6+$0xF0] =	vst v12;
	v12 =	vld [tilespmem:s9+$0xFFFFFFF0];
	v10 =	vmul.f32 v10, v13  }
0x499: {  	[tilespmem:s5+$0xF0] =	vst v2;
	v13 =	vadd.f32 v62, v14;
	v2 =	vmul.f32 v11, v61;
	v11 =	vld [tilespmem:s9+$0xFFFFFF70]  }
0x49a: {  	v9 =	vld [tilespmem:s6+$0xFFFFFFF0];
	v14 =	vadd.f32 v1, v10  }
0x49b: {  	v10 =	vld [tilespmem:s9+$0x70];
	[tilespmem:s6+$0xFFFFFF60] =	vst v13;
	v13 =	vadd.f32 v63, v2  }
0x49c: {  	s11 =	simm.s32 $0x4700;
	v1 =	vmul.f32 v7, v3;
	[tilespmem:s6+$0xFFFFFFE0] =	vst v14;
	v7 =	vld [tilespmem:s7+$0xFFFFFF70]  }
0x49d: {  	s10 =	simm.s32 $0xC500;
	s12 =	simm.s32 $0x14500;
	v3 =	vmul.f32 v15, v5;
	s9 =	simm.s32 $0x4;
	v2 =	vmul.f32 v6, v4;
	v4 =	vld [tilespmem:s7+$0xFFFFFFF0];
	[tilespmem:s6+$0x60] =	vst v13  }
.LBB2_8:
0x49e: {  	v5 =	vld [tilespmem:s11+$0x80];
	s7 =	sadd.s32 $0x200, s7;
	v1 =	vadd.f32 v11, v1  }
0x49f: {  	s9 =	sadd.s32 $0x4, s9;
	v6 =	vld [tilespmem:s7+$0x80];
	v2 =	vadd.f32 v12, v2  }
0x4a0: {  	s8 =	sadd.s32 $0x200, s8;
	p0 =	slt.u32 s9, $0x7C;
	v11 =	vld [tilespmem:s7+$0xFFFFFF00];
	[tilespmem:s5+$0xFFFFFF70] =	vst v1;
	v3 =	vadd.f32 v10, v3  }
0x4a1: {  	v10 =	vld [tilespmem:s8+$0x80];
	v1 =	vmul.f32 v7, v8;
	[tilespmem:s5+$0xFFFFFFF0] =	vst v2  }
0x4a2: {  	v7 =	vld [tilespmem:s11+$0xFFFFFF80];
	v2 =	vmul.f32 v4, v9;
	[tilespmem:s5+$0x70] =	vst v3;
	s5 =	smov.u32 s6;
	s6 =	smov.u32 s11  }
0x4a3: {  	v3 =	vld [tilespmem:s7+$0xFFFFFF80]  }
0x4a4: {  	v4 =	vld [tilespmem:s11+$0x0];
	v5 =	vmul.f32 v6, v5  }
0x4a5: {  	v6 =	vld [tilespmem:s7+$0x0]  }
0x4a6: {  	v8 =	vld [tilespmem:s11+$0xFFFFFF00];
	v5 =	vadd.f32 v10, v5  }
0x4a7: {  	v9 =	vld [tilespmem:s8+$0xFFFFFF00]  }
0x4a8: {  	v3 =	vmul.f32 v3, v7;
	[tilespmem:s11+$0x80] =	vst v5;
	v5 =	vld [tilespmem:s11+$0x90]  }
0x4a9: {  	v7 =	vld [tilespmem:s7+$0x90]  }
0x4aa: {  	v10 =	vld [tilespmem:s8+$0xFFFFFF80];
	v4 =	vmul.f32 v6, v4  }
0x4ab: {  	v6 =	vmul.f32 v11, v8;
	v8 =	vld [tilespmem:s8+$0x90]  }
0x4ac: {  	v11 =	vld [tilespmem:s8+$0x0]  }
0x4ad: {  	v6 =	vadd.f32 v9, v6;
	v9 =	vld [tilespmem:s11+$0xFFFFFF10]  }
0x4ae: {  	v12 =	vld [tilespmem:s11+$0xFFFFFF90];
	v5 =	vmul.f32 v7, v5  }
0x4af: {  	[tilespmem:s11+$0xFFFFFF00] =	vst v6;
	v3 =	vadd.f32 v10, v3;
	v6 =	vld [tilespmem:s11+$0x10]  }
0x4b0: {  	v7 =	vld [tilespmem:s7+$0xFFFFFF10];
	v5 =	vadd.f32 v8, v5  }
0x4b1: {  	v8 =	vld [tilespmem:s8+$0xFFFFFF10];
	[tilespmem:s11+$0xFFFFFF80] =	vst v3;
	v3 =	vadd.f32 v11, v4  }
0x4b2: {  	[tilespmem:s11+$0x90] =	vst v5;
	v4 =	vld [tilespmem:s11+$0xA0]  }
0x4b3: {  	[tilespmem:s11+$0x0] =	vst v3;
	v3 =	vld [tilespmem:s7+$0xA0]  }
0x4b4: {  	v5 =	vld [tilespmem:s7+$0xFFFFFF90]  }
0x4b5: {  	v7 =	vmul.f32 v7, v9;
	v9 =	vld [tilespmem:s8+$0xA0]  }
0x4b6: {  	v10 =	vld [tilespmem:s7+$0x10]  }
0x4b7: {  	v7 =	vadd.f32 v8, v7;
	v8 =	vld [tilespmem:s8+$0xFFFFFF90]  }
0x4b8: {  	v11 =	vld [tilespmem:s8+$0x10];
	v3 =	vmul.f32 v3, v4  }
0x4b9: {  	[tilespmem:s11+$0xFFFFFF10] =	vst v7;
	v4 =	vld [tilespmem:s11+$0xFFFFFF20];
	v5 =	vmul.f32 v5, v12  }
0x4ba: {  	v7 =	vld [tilespmem:s7+$0xFFFFFF20];
	v3 =	vadd.f32 v9, v3  }
0x4bb: {  	v9 =	vld [tilespmem:s11+$0xFFFFFFA0];
	v6 =	vmul.f32 v10, v6  }
0x4bc: {  	v5 =	vadd.f32 v8, v5;
	[tilespmem:s11+$0xA0] =	vst v3;
	v3 =	vld [tilespmem:s11+$0xB0]  }
0x4bd: {  	v6 =	vadd.f32 v11, v6;
	v8 =	vld [tilespmem:s7+$0xB0]  }
0x4be: {  	[tilespmem:s11+$0xFFFFFF90] =	vst v5;
	v5 =	vld [tilespmem:s11+$0x20]  }
0x4bf: {  	v4 =	vmul.f32 v7, v4;
	[tilespmem:s11+$0x10] =	vst v6;
	v6 =	vld [tilespmem:s8+$0xB0]  }
0x4c0: {  	v7 =	vld [tilespmem:s7+$0xFFFFFFA0]  }
0x4c1: {  	v10 =	vld [tilespmem:s7+$0x20]  }
0x4c2: {  	v11 =	vld [tilespmem:s8+$0xFFFFFF20];
	v3 =	vmul.f32 v8, v3  }
0x4c3: {  	v8 =	vld [tilespmem:s8+$0xFFFFFFA0]  }
0x4c4: {  	v12 =	vld [tilespmem:s8+$0x20];
	v3 =	vadd.f32 v6, v3  }
0x4c5: {  	v6 =	vld [tilespmem:s11+$0xFFFFFF30];
	v7 =	vmul.f32 v7, v9  }
0x4c6: {  	v5 =	vmul.f32 v10, v5;
	[tilespmem:s11+$0xB0] =	vst v3;
	v3 =	vld [tilespmem:s11+$0xC0]  }
0x4c7: {  	v4 =	vadd.f32 v11, v4;
	v9 =	vld [tilespmem:s7+$0xC0]  }
0x4c8: {  	v7 =	vadd.f32 v8, v7;
	v8 =	vld [tilespmem:s11+$0xFFFFFFB0]  }
0x4c9: {  	[tilespmem:s11+$0xFFFFFF20] =	vst v4;
	v4 =	vadd.f32 v12, v5;
	v5 =	vld [tilespmem:s8+$0xC0]  }
0x4ca: {  	v10 =	vld [tilespmem:s7+$0xFFFFFF30];
	[tilespmem:s11+$0xFFFFFFA0] =	vst v7  }
0x4cb: {  	v7 =	vld [tilespmem:s7+$0xFFFFFFB0];
	[tilespmem:s11+$0x20] =	vst v4  }
0x4cc: {  	v4 =	vld [tilespmem:s7+$0x30];
	v3 =	vmul.f32 v9, v3  }
0x4cd: {  	v9 =	vld [tilespmem:s11+$0x30]  }
0x4ce: {  	v11 =	vld [tilespmem:s8+$0xFFFFFF30];
	v3 =	vadd.f32 v5, v3  }
0x4cf: {  	v5 =	vmul.f32 v10, v6;
	v6 =	vld [tilespmem:s8+$0xFFFFFFB0]  }
0x4d0: {  	v7 =	vmul.f32 v7, v8;
	[tilespmem:s11+$0xC0] =	vst v3;
	v3 =	vld [tilespmem:s11+$0xD0]  }
0x4d1: {  	v8 =	vld [tilespmem:s7+$0xD0]  }
0x4d2: {  	v4 =	vmul.f32 v4, v9;
	v9 =	vld [tilespmem:s8+$0x30]  }
0x4d3: {  	v5 =	vadd.f32 v11, v5;
	v10 =	vld [tilespmem:s8+$0xD0]  }
0x4d4: {  	v11 =	vld [tilespmem:s11+$0xFFFFFF40];
	v6 =	vadd.f32 v6, v7  }
0x4d5: {  	[tilespmem:s11+$0xFFFFFF30] =	vst v5;
	v5 =	vld [tilespmem:s11+$0xFFFFFFC0]  }
0x4d6: {  	v7 =	vld [tilespmem:s7+$0xFFFFFF40];
	[tilespmem:s11+$0xFFFFFFB0] =	vst v6;
	v3 =	vmul.f32 v8, v3  }
0x4d7: {  	v6 =	vld [tilespmem:s7+$0xFFFFFFC0];
	v4 =	vadd.f32 v9, v4  }
0x4d8: {  	v8 =	vld [tilespmem:s11+$0x40];
	v3 =	vadd.f32 v10, v3  }
0x4d9: {  	v9 =	vld [tilespmem:s8+$0xFFFFFF40];
	[tilespmem:s11+$0x30] =	vst v4  }
0x4da: {  	[tilespmem:s11+$0xD0] =	vst v3;
	v3 =	vld [tilespmem:s11+$0xE0]  }
0x4db: {  	v4 =	vmul.f32 v7, v11;
	v7 =	vld [tilespmem:s7+$0xE0]  }
0x4dc: {  	v5 =	vmul.f32 v6, v5;
	v6 =	vld [tilespmem:s7+$0x40]  }
0x4dd: {  	v10 =	vld [tilespmem:s8+$0xE0]  }
0x4de: {  	v4 =	vadd.f32 v9, v4;
	v9 =	vld [tilespmem:s8+$0xFFFFFFC0]  }
0x4df: {  	v11 =	vld [tilespmem:s8+$0x40]  }
0x4e0: {  	[tilespmem:s11+$0xFFFFFF40] =	vst v4;
	v4 =	vld [tilespmem:s11+$0xFFFFFF50];
	v3 =	vmul.f32 v7, v3  }
0x4e1: {  	v7 =	vld [tilespmem:s7+$0xFFFFFF50];
	v6 =	vmul.f32 v6, v8  }
0x4e2: {  	v8 =	vld [tilespmem:s11+$0xFFFFFFD0];
	v3 =	vadd.f32 v10, v3  }
0x4e3: {  	v5 =	vadd.f32 v9, v5;
	v9 =	vld [tilespmem:s11+$0x50]  }
0x4e4: {  	v6 =	vadd.f32 v11, v6;
	[tilespmem:s11+$0xE0] =	vst v3;
	v3 =	vld [tilespmem:s11+$0xF0]  }
0x4e5: {  	[tilespmem:s11+$0xFFFFFFC0] =	vst v5;
	v5 =	vld [tilespmem:s7+$0xF0]  }
0x4e6: {  	v4 =	vmul.f32 v7, v4;
	v7 =	vld [tilespmem:s7+$0xFFFFFFD0];
	[tilespmem:s11+$0x40] =	vst v6  }
0x4e7: {  	v6 =	vld [tilespmem:s8+$0xF0]  }
0x4e8: {  	v10 =	vld [tilespmem:s7+$0x50]  }
0x4e9: {  	v11 =	vld [tilespmem:s8+$0xFFFFFF50]  }
0x4ea: {  	v12 =	vld [tilespmem:s8+$0xFFFFFFD0];
	v3 =	vmul.f32 v5, v3  }
0x4eb: {  	v5 =	vmul.f32 v7, v8;
	v7 =	vld [tilespmem:s8+$0x50]  }
0x4ec: {  	v13 =	vld [tilespmem:s11+$0xFFFFFF60];
	v3 =	vadd.f32 v6, v3  }
0x4ed: {  	v6 =	vld [tilespmem:s11+$0xFFFFFFE0];
	v9 =	vmul.f32 v10, v9  }
0x4ee: {  	v4 =	vadd.f32 v11, v4;
	v10 =	vld [tilespmem:s11+$0x60];
	[tilespmem:s11+$0xF0] =	vst v3  }
0x4ef: {  	v3 =	vadd.f32 v12, v5;
	v5 =	vld [tilespmem:s12+$0x70];
	s12 =	smov.u32 s7  }
0x4f0: {  	[tilespmem:s11+$0xFFFFFF50] =	vst v4;
	v8 =	vld [tilespmem:s11+$0xFFFFFF70];
	v4 =	vadd.f32 v7, v9  }
0x4f1: {  	v7 =	vld [tilespmem:s7+$0xFFFFFF60];
	[tilespmem:s11+$0xFFFFFFD0] =	vst v3  }
0x4f2: {  	v9 =	vld [tilespmem:s7+$0xFFFFFFE0];
	[tilespmem:s11+$0x50] =	vst v4  }
0x4f3: {  	v4 =	vld [tilespmem:s7+$0x60]  }
0x4f4: {  	v11 =	vld [tilespmem:s8+$0xFFFFFF60];
	v3 =	vmul.f32 v5, v0  }
0x4f5: {  	v5 =	vld [tilespmem:s8+$0xFFFFFFE0]  }
0x4f6: {  	v7 =	vmul.f32 v7, v13;
	v13 =	vld [tilespmem:s8+$0x60]  }
0x4f7: {  	v6 =	vmul.f32 v9, v6;
	v9 =	vld [tilespmem:s11+$0xFFFFFFF0]  }
0x4f8: {  	v4 =	vmul.f32 v4, v10;
	v0 =	vld [tilespmem:s11+$0x70]  }
.Ltmp3:
0x4f9: {  	v7 =	vadd.f32 v11, v7;
	v11 =	vld [tilespmem:s10+$0xFFFFFF70];
	(pc) =	sbr.rel @p0 .LBB2_8-.Ltmp3, $4  }
0x4fa: {  	v5 =	vadd.f32 v5, v6;
	v12 =	vld [tilespmem:s10+$0xFFFFFFF0]  }
0x4fb: {  	[tilespmem:s11+$0xFFFFFF60] =	vst v7;
	v6 =	vadd.f32 v13, v4;
	v10 =	vld [tilespmem:s10+$0x70];
	s10 =	smov.u32 s8  }
0x4fc: {  	v7 =	vld [tilespmem:s7+$0xFFFFFF70];
	[tilespmem:s11+$0xFFFFFFE0] =	vst v5  }
0x4fd: {  	s11 =	sadd.s32 $0x200, s11;
	v4 =	vld [tilespmem:s7+$0xFFFFFFF0];
	[tilespmem:s6+$0x60] =	vst v6  }
0x4fe: {  	v5 =	vld [tilespmem:s12+$0x70]  }
0x4ff: {  	v6 =	vld [tilespmem:s10+$0xFFFFFF70]  }
0x500: {  	v13 =	vld [tilespmem:s10+$0xFFFFFFF0]  }
0x501: {  	v1 =	vadd.f32 v11, v1;
	v59 =	vld [tilespmem:s10+$0x70]  }
0x502: {  	v2 =	vadd.f32 v12, v2;
	v7 =	vmul.f32 v7, v8  }
0x503: {  	[tilespmem:s5+$0xFFFFFF70] =	vst v1;
	v60 =	vadd.f32 v10, v3;
	v61 =	vmul.f32 v4, v9  }
0x504: {  	[tilespmem:s5+$0xFFFFFFF0] =	vst v2;
	v0 =	vmul.f32 v5, v0;
	v62 =	vadd.f32 v6, v7  }
0x505: {  	[tilespmem:s5+$0x70] =	vst v60;
	v63 =	vadd.f32 v13, v61  }
0x506: {  	[tilespmem:s6+$0xFFFFFF70] =	vst v62;
	v0 =	vadd.f32 v59, v0  }
0x507: {  	[tilespmem:s6+$0xFFFFFFF0] =	vst v63  }
0x508: {  	s28 =	sadd.s32 $0x1, s28;
	[tilespmem:s6+$0x70] =	vst v0  }
0x509: {  	[hbm4b:s16+s4] =	stream.linear.scatter [tilespmem:s25], [sflag:$0x8], $0x4000, $0x38;
	[tilespmem:$0x18200] =	vst v63  }
0x50a: {  	p0 =	sne.s32 s28, s17;
	_ =	swait.ge [sflag:s0], $0x4000  }
.Ltmp4:
0x50b: {  	[sflag:s0] =	ssyncset.done $0x0;
	(pc) =	sbr.rel @p0 .LBB2_1-.Ltmp4, $4  }
0x50c: {  	[sflag:s0] =	ssyncadd.s32 $0xFFFFC000  }
0x50d: {  	_ =	swait.ge [sflag:s26], $0x4000  }
0x50e: {  	[sflag:s26] =	ssyncset.done $0x0  }
0x50f: {  	[sflag:s26] =	ssyncadd.s32 $0xFFFFC000  }
0x510: {  	_ =	sfence.sel $0x180000  }
0x511: {  	[bflag:$0x0] =	sbarrier.arrive $0xFFFF  }
0x512: {  	_ =	strace $0x90000047  }
0x513: {  	s0 =	stileid.u32;
	[bflag:$0x2] =	sbarrier.arrive $0xFFFF  }
0x514: {  	p0 =	sne.s32 s0, $0x0;
	s0 =	rddreg [dreg:$0x5]  }
0x515: {  	s0 =	sadd.s32 @!p0 $0x100000, s0  }
0x516: {  	[sflag:s0] =	ssyncadd.tile.s32 @!p0 $0x1;
	_ =	shalt  }
.Lfunc_end2:
_tile_overlayer_lowered:
.L_overlay_start_2:
0x517: {  	(tag) =	ssettag $0x2  }
0x518: {  	s0 =	rddreg [dreg:$0x0];
	s2 =	stileid.u32  }
0x519: {  	s1 =	rddreg [dreg:$0x1];
	p0 =	sne.s32 s2, $0x0  }
0x51a: {  	s3 =	rddreg [dreg:$0x2];
	[bflag:$0x3] =	sbarrier.arrive $0xFFFF;
	s2 =	simm.s32 @!p0 $0x1C09  }
0x51b: {  	[timem:s3], [sflag:s2] =	dma.local @!p0 [hbm:s0], s1  }
0x51c: {  	s0 =	simm.s32 @!p0 $0x9  }
0x51d: {  	_ =	swait.ge @!p0 [sflag:s0], s1  }
0x51e: {  	s1 =	ssub.s32 @!p0 $0x0, s1;
	[sflag:s0] =	ssyncset.done @!p0 $0x0  }
0x51f: {  	[sflag:s0] =	ssyncadd.s32 @!p0 s1  }
0x520: {  	[bflag:$0x3] =	sbarrier.arrive $0xFFFF  }
0x521: {  	_ =	shalt  }

</sc_bundles>
